<compile_context>
chip_gen: v7x
topology: tpu7x:2x2x1
jax: 0.10.2.dev20260603
libtpu: 0.0.44.dev20260713+nightly
codegen_flags: <defaults>
</compile_context>

<pallas_src>
import functools

import jax
import jax.numpy as jnp
from jax import lax
from jax.experimental import pallas as pl
from jax.experimental.pallas import tpu as pltpu
from jax.experimental.pallas import tpu_sc as plsc

_EPS = 1e-12


_NUM_CORES = 2
_NUM_SUBCORES = 16
_NUM_WORKERS = _NUM_CORES * _NUM_SUBCORES


def _sc_gather(table, ids_flat, chunk, piece0, npiece):
    h = table.shape[1]
    tok_per_w = npiece // _NUM_WORKERS
    n_chunks = tok_per_w // chunk
    mesh = plsc.VectorSubcoreMesh(core_axis_name="c", subcore_axis_name="s")

    @functools.partial(
        pl.kernel,
        mesh=mesh,
        out_type=jax.ShapeDtypeStruct((npiece, h), jnp.float32),
        scratch_types=[
            pltpu.VMEM((tok_per_w,), jnp.int32),
            pltpu.VMEM((chunk, h), jnp.float32),
            pltpu.VMEM((chunk, h), jnp.float32),
            pltpu.SemaphoreType.DMA,
            pltpu.SemaphoreType.DMA,
        ],
    )
    def gather_kernel(table_hbm, idx_hbm, out_hbm, idx_v, buf0, buf1, sem0, sem1):
        wid = lax.axis_index("s") * _NUM_CORES + lax.axis_index("c")
        base = wid * tok_per_w
        pltpu.sync_copy(idx_hbm.at[pl.ds(piece0 + base, tok_per_w)], idx_v)

        bufs = (buf0, buf1)
        sems = (sem0, sem1)

        pltpu.async_copy(table_hbm.at[idx_v.at[pl.ds(0, chunk)]], buf0, sem0)

        def body(i, _):
            for p in range(2):
                nxt = i + 1

                @pl.when(jnp.logical_and(nxt % 2 == p, nxt < n_chunks))
                def _():
                    pltpu.async_copy(
                        table_hbm.at[idx_v.at[pl.ds(nxt * chunk, chunk)]],
                        bufs[p],
                        sems[p],
                    )

            for p in range(2):

                @pl.when(i % 2 == p)
                def _():
                    pltpu.make_async_copy(
                        table_hbm.at[idx_v.at[pl.ds(i * chunk, chunk)]],
                        bufs[p],
                        sems[p],
                    ).wait()
                    pltpu.sync_copy(
                        bufs[p], out_hbm.at[pl.ds(base + i * chunk, chunk)]
                    )

            return 0

        lax.fori_loop(0, n_chunks, body, 0)

    return gather_kernel(table, ids_flat)




def _ln_body(carry_ref, w_ref, tt_ref, pos_ref, type_ref, lnw_ref, lnb_ref,
             o_ref):
    del carry_ref
    x = w_ref[0]
    tt = tt_ref[0, 0, :].astype(jnp.float32)
    t0 = type_ref[0, :]
    dt = type_ref[1, :] - t0
    x = x + pos_ref[...] + t0[None, :] + tt[:, None] * dt[None, :]
    u = jnp.mean(x, axis=-1, keepdims=True)
    xc = x - u
    v = jnp.mean(xc * xc, axis=-1, keepdims=True)
    y = xc * lax.rsqrt(v + _EPS)
    o_ref[0] = y * lnw_ref[...][None, :] + lnb_ref[...][None, :]


def _ln_body_first(w_ref, tt_ref, pos_ref, type_ref, lnw_ref, lnb_ref, o_ref):
    _ln_body(None, w_ref, tt_ref, pos_ref, type_ref, lnw_ref, lnb_ref, o_ref)


def _tc_layernorm_piece(carry, bt, w_rows, tt3, pos_table, type_table, ln_w,
                        ln_b, b0):
    bp, s, h = w_rows.shape
    specs = [
        pl.BlockSpec((1, s, h), lambda i: (i, 0, 0)),
        pl.BlockSpec((1, 1, s), lambda i, b0=b0: (b0 + i, 0, 0)),
        pl.BlockSpec((s, h), lambda i: (0, 0)),
        pl.BlockSpec((2, h), lambda i: (0, 0)),
        pl.BlockSpec((h,), lambda i: (0,)),
        pl.BlockSpec((h,), lambda i: (0,)),
    ]
    common = dict(
        grid=(bp,),
        out_specs=pl.BlockSpec((1, s, h), lambda i, b0=b0: (b0 + i, 0, 0)),
        out_shape=jax.ShapeDtypeStruct((bt, s, h), jnp.float32),
    )
    if carry is None:
        return pl.pallas_call(_ln_body_first, in_specs=specs, **common)(
            w_rows, tt3, pos_table, type_table, ln_w, ln_b)
    return pl.pallas_call(
        _ln_body,
        in_specs=[pl.BlockSpec(memory_space=pl.ANY)] + specs,
        input_output_aliases={0: 0},
        **common,
    )(carry, w_rows, tt3, pos_table, type_table, ln_w, ln_b)



_PIECE_SIZES = (8, 8, 8, 8)


def kernel(input_ids, token_type_ids, word_table, pos_table, type_table,
           ln_weight, ln_bias):
    b, s = input_ids.shape
    h = word_table.shape[1]
    ids_flat = input_ids.reshape(-1).astype(jnp.int32)
    tt3 = token_type_ids.reshape(b, 1, s).astype(jnp.int32)

    offs = [sum(_PIECE_SIZES[:p]) for p in range(len(_PIECE_SIZES))]
    rows = [
        _sc_gather(word_table, ids_flat, chunk=64, piece0=b0 * s,
                   npiece=bp * s)
        for b0, bp in zip(offs, _PIECE_SIZES)
    ]
    out = None
    for r, b0, bp in zip(rows, offs, _PIECE_SIZES):
        out = _tc_layernorm_piece(
            out, b, r.reshape(bp, s, h), tt3,
            pos_table, type_table, ln_weight, ln_bias, b0)
    return out

# --- scband reference (transcript-rebuilt; emitter-appended) ---
"""Pipeline reference for scband-embedding-6150393168304 (READ-ONLY COPY).

The authoritative reference and input builder live on the scoring server;
editing this copy changes nothing except your own understanding.
"""

import jax, jax.numpy as jnp
import numpy as np

B, S, H = 32, 512, 768
V, P, T = 30522, 512, 2
EPS = 1e-12


def setup_inputs(seed: int = 0) -> dict:
    key = jax.random.key(seed)
    ks = jax.random.split(key, 6)
    input_ids = jax.random.randint(ks[0], (B, S), 0, V, dtype=jnp.int64) if jax.config.jax_enable_x64 else jax.random.randint(ks[0], (B, S), 0, V).astype(jnp.int32)
    token_type_ids = jax.random.randint(ks[1], (B, S), 0, T).astype(input_ids.dtype)
    word_table = jax.random.normal(ks[2], (V, H), dtype=jnp.float32) * 0.02
    word_table = word_table.at[0].set(0.0)  # padding_idx=0
    pos_table = jax.random.normal(ks[3], (P, H), dtype=jnp.float32) * 0.02
    type_table = jax.random.normal(ks[4], (T, H), dtype=jnp.float32) * 0.02
    ln_weight = jnp.ones((H,), dtype=jnp.float32)
    ln_bias = jnp.zeros((H,), dtype=jnp.float32)
    return {
        "input_ids": input_ids,
        "token_type_ids": token_type_ids,
        "word_table": word_table,
        "pos_table": pos_table,
        "type_table": type_table,
        "ln_weight": ln_weight,
        "ln_bias": ln_bias,
    }


def reference(input_ids, token_type_ids, word_table, pos_table, type_table, ln_weight, ln_bias):
    seq_length = input_ids.shape[1]
    position_ids = jnp.arange(seq_length, dtype=input_ids.dtype)[None, :]
    position_ids = jnp.broadcast_to(position_ids, input_ids.shape)
    word_embeddings = jnp.take(word_table, input_ids, axis=0)
    position_embeddings = jnp.take(pos_table, position_ids, axis=0)
    token_type_embeddings = jnp.take(type_table, token_type_ids, axis=0)
    embeddings = word_embeddings + position_embeddings + token_type_embeddings
    u = embeddings.mean(-1, keepdims=True)
    s = jnp.mean((embeddings - u) ** 2, axis=-1, keepdims=True)
    x = (embeddings - u) / jnp.sqrt(s + EPS)
    out = ln_weight * x + ln_bias
    # dropout is identity in eval mode
    return out

if __name__ == "__main__":
    import jax
    _d = setup_inputs()
    print(jax.jit(kernel)(*tuple(_d.values())))

</pallas_src>

<mosaic_0001>
#map = affine_map<(d0, d1) -> (0, 0)>
#map1 = affine_map<(d0, d1) -> (0)>
module attributes {stable_mosaic.version = 14 : i64} {
  func.func @gather_kernel(%arg0: i32, %arg1: i32, %arg2: memref<30522x768xf32, #tpu.memory_space<hbm>>, %arg3: memref<16384xi32, #tpu.memory_space<hbm>>, %arg4: memref<4096x768xf32, #tpu.memory_space<hbm>>, %arg5: memref<128xi32, #tpu.memory_space<vmem>>, %arg6: memref<64x768xf32, #tpu.memory_space<vmem>>, %arg7: memref<64x768xf32, #tpu.memory_space<vmem>>, %arg8: memref<!tpu.dma_semaphore, #tpu.memory_space<semaphore_mem>>, %arg9: memref<!tpu.dma_semaphore, #tpu.memory_space<semaphore_mem>>) attributes {dimension_semantics = [#tpu.dimension_semantics<core_parallel>, #tpu.dimension_semantics<subcore_parallel>], iteration_bounds = array<i64: 2, 16>, scalar_prefetch = 0 : i64, scratch_operands = 5 : i64, tpu.core_type = #tpu.core_type<sc_vector_subcore>, window_params = [{transform_indices = #map}, {transform_indices = #map1}, {transform_indices = #map}]} {
    %mul3A = arith.constant 2 : i32
    %mul3A_0 = arith.muli %arg1, %mul3A : i32
    %add3A = arith.addi %mul3A_0, %arg0 : i32
    %mul3A_1 = arith.constant 128 : i32
    %mul3A_2 = arith.muli %add3A, %mul3A_1 : i32
    %add3A_3 = arith.constant 8192 : i32
    %add3A_4 = arith.addi %add3A_3, %mul3A_2 : i32
    "tpu.region"() ({
      %run_scoped3A = tpu.sem_alloc : memref<!tpu.dma_semaphore, #tpu.memory_space<semaphore_mem>>
      %dma_start3A_15 = tpu.memref_slice %arg3[%add3A_4] : memref<16384xi32, #tpu.memory_space<hbm>> -> memref<128xi32, #tpu.memory_space<hbm>>
      %dma_start3A_16 = tpu.memref_slice %arg3[%add3A_4] : memref<16384xi32, #tpu.memory_space<hbm>> -> memref<128xi32, #tpu.memory_space<hbm>>
      tpu.enqueue_dma source(%dma_start3A_16 : memref<128xi32, #tpu.memory_space<hbm>>) target(%arg5 : memref<128xi32, #tpu.memory_space<vmem>>) target_semaphore(%run_scoped3A : memref<!tpu.dma_semaphore, #tpu.memory_space<semaphore_mem>>)
      %dma_wait3A = tpu.memref_slice %arg3[%add3A_4] : memref<16384xi32, #tpu.memory_space<hbm>> -> memref<128xi32, #tpu.memory_space<hbm>>
      %dma_wait3A_17 = tpu.memref_slice %arg3[%add3A_4] : memref<16384xi32, #tpu.memory_space<hbm>> -> memref<128xi32, #tpu.memory_space<hbm>>
      tpu.wait_dma2 semaphore(%run_scoped3A : memref<!tpu.dma_semaphore, #tpu.memory_space<semaphore_mem>>) src(%dma_wait3A_17 : memref<128xi32, #tpu.memory_space<hbm>>) dst(%arg5 : memref<128xi32, #tpu.memory_space<vmem>>)
      tpu.yield
    }) : () -> ()
    %dma_start3A = arith.constant 0 : i32
    %dma_start3A_5 = tpu.memref_slice %arg5[%dma_start3A] : memref<128xi32, #tpu.memory_space<vmem>> -> memref<64xi32, #tpu.memory_space<vmem>>
    %dma_start3A_6 = arith.constant 0 : i32
    %dma_start3A_7 = arith.constant 0 : i32
    %dma_start3A_8 = tpu.memref_slice %arg2[%dma_start3A_6, %dma_start3A_7] : memref<30522x768xf32, #tpu.memory_space<hbm>> -> memref<30522x768xf32, #tpu.memory_space<hbm>>
    tpu.enqueue_indirect_dma source(%dma_start3A_8 : memref<30522x768xf32, #tpu.memory_space<hbm>>) target(%arg6 : memref<64x768xf32, #tpu.memory_space<vmem>>) offsets(%dma_start3A_5 : memref<64xi32, #tpu.memory_space<vmem>>) semaphore(%arg8 : memref<!tpu.dma_semaphore, #tpu.memory_space<semaphore_mem>>)
    %scan3A = arith.constant 0 : i32
    %scan3A_9 = arith.constant 0 : i32
    %scan3A_10 = arith.constant 2 : i32
    %scan3A_11 = arith.addi %scan3A_9, %scan3A_10 : i32
    %scan3A_12 = arith.constant 1 : i32
    %scan3A_13 = scf.for %scan3A_15 = %scan3A_9 to %scan3A_11 step %scan3A_12 iter_args(%scan3A_16 = %scan3A) -> (i32)  : i32 {
      %add3A_17 = arith.constant 1 : i32
      %add3A_18 = arith.addi %scan3A_15, %add3A_17 : i32
      %jit3A = arith.constant 2 : i32
      %eq3A = arith.constant 0 : i32
      %eq3A_19 = arith.cmpi eq, %jit3A, %eq3A : i32
      %jit3A_20 = arith.constant 1 : i32
      %select_n3A = arith.select %eq3A_19, %jit3A_20, %jit3A : i32
      %rem3A = arith.remsi %add3A_18, %select_n3A : i32
      %ne3A = arith.constant 0 : i32
      %ne3A_21 = arith.cmpi ne, %rem3A, %ne3A : i32
      %lt3A = arith.constant 0 : i32
      %lt3A_22 = arith.cmpi slt, %rem3A, %lt3A : i32
      %lt3A_23 = arith.constant 0 : i32
      %lt3A_24 = arith.cmpi slt, %select_n3A, %lt3A_23 : i32
      %ne3A_25 = arith.xori %lt3A_22, %lt3A_24 : i1
      %and3A = arith.andi %ne3A_25, %ne3A_21 : i1
      %add3A_26 = arith.addi %rem3A, %select_n3A : i32
      %select_n3A_27 = arith.select %and3A, %add3A_26, %rem3A : i32
      %eq3A_28 = arith.constant 0 : i32
      %eq3A_29 = arith.cmpi eq, %select_n3A_27, %eq3A_28 : i32
      %lt3A_30 = arith.constant 2 : i32
      %lt3A_31 = arith.cmpi slt, %add3A_18, %lt3A_30 : i32
      %and3A_32 = arith.andi %eq3A_29, %lt3A_31 : i1
      %convert_element_type3A = arith.extui %and3A_32 : i1 to i32
      %cond3A = arith.constant 0 : i32
      %cond3A_33 = arith.cmpi ne, %convert_element_type3A, %cond3A : i32
      scf.if %cond3A_33 {
        %mul3A_103 = arith.constant 64 : i32
        %mul3A_104 = arith.muli %add3A_18, %mul3A_103 : i32
        %dma_start3A_105 = tpu.memref_slice %arg5[%mul3A_104] : memref<128xi32, #tpu.memory_space<vmem>> -> memref<64xi32, #tpu.memory_space<vmem>>
        %dma_start3A_106 = arith.constant 0 : i32
        %dma_start3A_107 = arith.constant 0 : i32
        %dma_start3A_108 = tpu.memref_slice %arg2[%dma_start3A_106, %dma_start3A_107] : memref<30522x768xf32, #tpu.memory_space<hbm>> -> memref<30522x768xf32, #tpu.memory_space<hbm>>
        tpu.enqueue_indirect_dma source(%dma_start3A_108 : memref<30522x768xf32, #tpu.memory_space<hbm>>) target(%arg6 : memref<64x768xf32, #tpu.memory_space<vmem>>) offsets(%dma_start3A_105 : memref<64xi32, #tpu.memory_space<vmem>>) semaphore(%arg8 : memref<!tpu.dma_semaphore, #tpu.memory_space<semaphore_mem>>)
      } else {
      }
      %add3A_34 = arith.constant 1 : i32
      %add3A_35 = arith.addi %scan3A_15, %add3A_34 : i32
      %jit3A_36 = arith.constant 2 : i32
      %eq3A_37 = arith.constant 0 : i32
      %eq3A_38 = arith.cmpi eq, %jit3A_36, %eq3A_37 : i32
      %jit3A_39 = arith.constant 1 : i32
      %select_n3A_40 = arith.select %eq3A_38, %jit3A_39, %jit3A_36 : i32
      %rem3A_41 = arith.remsi %add3A_35, %select_n3A_40 : i32
      %ne3A_42 = arith.constant 0 : i32
      %ne3A_43 = arith.cmpi ne, %rem3A_41, %ne3A_42 : i32
      %lt3A_44 = arith.constant 0 : i32
      %lt3A_45 = arith.cmpi slt, %rem3A_41, %lt3A_44 : i32
      %lt3A_46 = arith.constant 0 : i32
      %lt3A_47 = arith.cmpi slt, %select_n3A_40, %lt3A_46 : i32
      %ne3A_48 = arith.xori %lt3A_45, %lt3A_47 : i1
      %and3A_49 = arith.andi %ne3A_48, %ne3A_43 : i1
      %add3A_50 = arith.addi %rem3A_41, %select_n3A_40 : i32
      %select_n3A_51 = arith.select %and3A_49, %add3A_50, %rem3A_41 : i32
      %eq3A_52 = arith.constant 1 : i32
      %eq3A_53 = arith.cmpi eq, %select_n3A_51, %eq3A_52 : i32
      %lt3A_54 = arith.constant 2 : i32
      %lt3A_55 = arith.cmpi slt, %add3A_35, %lt3A_54 : i32
      %and3A_56 = arith.andi %eq3A_53, %lt3A_55 : i1
      %convert_element_type3A_57 = arith.extui %and3A_56 : i1 to i32
      %cond3A_58 = arith.constant 0 : i32
      %cond3A_59 = arith.cmpi ne, %convert_element_type3A_57, %cond3A_58 : i32
      scf.if %cond3A_59 {
        %mul3A_103 = arith.constant 64 : i32
        %mul3A_104 = arith.muli %add3A_35, %mul3A_103 : i32
        %dma_start3A_105 = tpu.memref_slice %arg5[%mul3A_104] : memref<128xi32, #tpu.memory_space<vmem>> -> memref<64xi32, #tpu.memory_space<vmem>>
        %dma_start3A_106 = arith.constant 0 : i32
        %dma_start3A_107 = arith.constant 0 : i32
        %dma_start3A_108 = tpu.memref_slice %arg2[%dma_start3A_106, %dma_start3A_107] : memref<30522x768xf32, #tpu.memory_space<hbm>> -> memref<30522x768xf32, #tpu.memory_space<hbm>>
        tpu.enqueue_indirect_dma source(%dma_start3A_108 : memref<30522x768xf32, #tpu.memory_space<hbm>>) target(%arg7 : memref<64x768xf32, #tpu.memory_space<vmem>>) offsets(%dma_start3A_105 : memref<64xi32, #tpu.memory_space<vmem>>) semaphore(%arg9 : memref<!tpu.dma_semaphore, #tpu.memory_space<semaphore_mem>>)
      } else {
      }
      %jit3A_60 = arith.constant 2 : i32
      %eq3A_61 = arith.constant 0 : i32
      %eq3A_62 = arith.cmpi eq, %jit3A_60, %eq3A_61 : i32
      %jit3A_63 = arith.constant 1 : i32
      %select_n3A_64 = arith.select %eq3A_62, %jit3A_63, %jit3A_60 : i32
      %rem3A_65 = arith.remsi %scan3A_15, %select_n3A_64 : i32
      %ne3A_66 = arith.constant 0 : i32
      %ne3A_67 = arith.cmpi ne, %rem3A_65, %ne3A_66 : i32
      %lt3A_68 = arith.constant 0 : i32
      %lt3A_69 = arith.cmpi slt, %rem3A_65, %lt3A_68 : i32
      %lt3A_70 = arith.constant 0 : i32
      %lt3A_71 = arith.cmpi slt, %select_n3A_64, %lt3A_70 : i32
      %ne3A_72 = arith.xori %lt3A_69, %lt3A_71 : i1
      %and3A_73 = arith.andi %ne3A_72, %ne3A_67 : i1
      %add3A_74 = arith.addi %rem3A_65, %select_n3A_64 : i32
      %select_n3A_75 = arith.select %and3A_73, %add3A_74, %rem3A_65 : i32
      %eq3A_76 = arith.constant 0 : i32
      %eq3A_77 = arith.cmpi eq, %select_n3A_75, %eq3A_76 : i32
      %convert_element_type3A_78 = arith.extui %eq3A_77 : i1 to i32
      %cond3A_79 = arith.constant 0 : i32
      %cond3A_80 = arith.cmpi ne, %convert_element_type3A_78, %cond3A_79 : i32
      scf.if %cond3A_80 {
        %mul3A_103 = arith.constant 64 : i32
        %mul3A_104 = arith.muli %scan3A_15, %mul3A_103 : i32
        %dma_wait3A = tpu.memref_slice %arg5[%mul3A_104] : memref<128xi32, #tpu.memory_space<vmem>> -> memref<64xi32, #tpu.memory_space<vmem>>
        %dma_wait3A_105 = arith.constant 0 : i32
        %dma_wait3A_106 = arith.constant 0 : i32
        %dma_wait3A_107 = tpu.memref_slice %arg2[%dma_wait3A_105, %dma_wait3A_106] : memref<30522x768xf32, #tpu.memory_space<hbm>> -> memref<30522x768xf32, #tpu.memory_space<hbm>>
        tpu.wait_indirect_dma semaphore(%arg8 : memref<!tpu.dma_semaphore, #tpu.memory_space<semaphore_mem>>) src(%dma_wait3A_107 : memref<30522x768xf32, #tpu.memory_space<hbm>>) dst(%arg6 : memref<64x768xf32, #tpu.memory_space<vmem>>)
        %mul3A_108 = arith.constant 64 : i32
        %mul3A_109 = arith.muli %scan3A_15, %mul3A_108 : i32
        %add3A_110 = arith.addi %mul3A_2, %mul3A_109 : i32
        "tpu.region"() ({
          %run_scoped3A = tpu.sem_alloc : memref<!tpu.dma_semaphore, #tpu.memory_space<semaphore_mem>>
          %dma_start3A_111 = arith.constant 0 : i32
          %dma_start3A_112 = tpu.memref_slice %arg4[%add3A_110, %dma_start3A_111] : memref<4096x768xf32, #tpu.memory_space<hbm>> -> memref<64x768xf32, #tpu.memory_space<hbm>>
          %dma_start3A_113 = arith.constant 0 : i32
          %dma_start3A_114 = tpu.memref_slice %arg4[%add3A_110, %dma_start3A_113] : memref<4096x768xf32, #tpu.memory_space<hbm>> -> memref<64x768xf32, #tpu.memory_space<hbm>>
          tpu.enqueue_dma source(%arg6 : memref<64x768xf32, #tpu.memory_space<vmem>>) target(%dma_start3A_114 : memref<64x768xf32, #tpu.memory_space<hbm>>) target_semaphore(%run_scoped3A : memref<!tpu.dma_semaphore, #tpu.memory_space<semaphore_mem>>)
          %dma_wait3A_115 = arith.constant 0 : i32
          %dma_wait3A_116 = tpu.memref_slice %arg4[%add3A_110, %dma_wait3A_115] : memref<4096x768xf32, #tpu.memory_space<hbm>> -> memref<64x768xf32, #tpu.memory_space<hbm>>
          %dma_wait3A_117 = arith.constant 0 : i32
          %dma_wait3A_118 = tpu.memref_slice %arg4[%add3A_110, %dma_wait3A_117] : memref<4096x768xf32, #tpu.memory_space<hbm>> -> memref<64x768xf32, #tpu.memory_space<hbm>>
          tpu.wait_dma2 semaphore(%run_scoped3A : memref<!tpu.dma_semaphore, #tpu.memory_space<semaphore_mem>>) src(%arg6 : memref<64x768xf32, #tpu.memory_space<vmem>>) dst(%dma_wait3A_118 : memref<64x768xf32, #tpu.memory_space<hbm>>)
          tpu.yield
        }) : () -> ()
      } else {
      }
      %jit3A_81 = arith.constant 2 : i32
      %eq3A_82 = arith.constant 0 : i32
      %eq3A_83 = arith.cmpi eq, %jit3A_81, %eq3A_82 : i32
      %jit3A_84 = arith.constant 1 : i32
      %select_n3A_85 = arith.select %eq3A_83, %jit3A_84, %jit3A_81 : i32
      %rem3A_86 = arith.remsi %scan3A_15, %select_n3A_85 : i32
      %ne3A_87 = arith.constant 0 : i32
      %ne3A_88 = arith.cmpi ne, %rem3A_86, %ne3A_87 : i32
      %lt3A_89 = arith.constant 0 : i32
      %lt3A_90 = arith.cmpi slt, %rem3A_86, %lt3A_89 : i32
      %lt3A_91 = arith.constant 0 : i32
      %lt3A_92 = arith.cmpi slt, %select_n3A_85, %lt3A_91 : i32
      %ne3A_93 = arith.xori %lt3A_90, %lt3A_92 : i1
      %and3A_94 = arith.andi %ne3A_93, %ne3A_88 : i1
      %add3A_95 = arith.addi %rem3A_86, %select_n3A_85 : i32
      %select_n3A_96 = arith.select %and3A_94, %add3A_95, %rem3A_86 : i32
      %eq3A_97 = arith.constant 1 : i32
      %eq3A_98 = arith.cmpi eq, %select_n3A_96, %eq3A_97 : i32
      %convert_element_type3A_99 = arith.extui %eq3A_98 : i1 to i32
      %cond3A_100 = arith.constant 0 : i32
      %cond3A_101 = arith.cmpi ne, %convert_element_type3A_99, %cond3A_100 : i32
      scf.if %cond3A_101 {
        %mul3A_103 = arith.constant 64 : i32
        %mul3A_104 = arith.muli %scan3A_15, %mul3A_103 : i32
        %dma_wait3A = tpu.memref_slice %arg5[%mul3A_104] : memref<128xi32, #tpu.memory_space<vmem>> -> memref<64xi32, #tpu.memory_space<vmem>>
        %dma_wait3A_105 = arith.constant 0 : i32
        %dma_wait3A_106 = arith.constant 0 : i32
        %dma_wait3A_107 = tpu.memref_slice %arg2[%dma_wait3A_105, %dma_wait3A_106] : memref<30522x768xf32, #tpu.memory_space<hbm>> -> memref<30522x768xf32, #tpu.memory_space<hbm>>
        tpu.wait_indirect_dma semaphore(%arg9 : memref<!tpu.dma_semaphore, #tpu.memory_space<semaphore_mem>>) src(%dma_wait3A_107 : memref<30522x768xf32, #tpu.memory_space<hbm>>) dst(%arg7 : memref<64x768xf32, #tpu.memory_space<vmem>>)
        %mul3A_108 = arith.constant 64 : i32
        %mul3A_109 = arith.muli %scan3A_15, %mul3A_108 : i32
        %add3A_110 = arith.addi %mul3A_2, %mul3A_109 : i32
        "tpu.region"() ({
          %run_scoped3A = tpu.sem_alloc : memref<!tpu.dma_semaphore, #tpu.memory_space<semaphore_mem>>
          %dma_start3A_111 = arith.constant 0 : i32
          %dma_start3A_112 = tpu.memref_slice %arg4[%add3A_110, %dma_start3A_111] : memref<4096x768xf32, #tpu.memory_space<hbm>> -> memref<64x768xf32, #tpu.memory_space<hbm>>
          %dma_start3A_113 = arith.constant 0 : i32
          %dma_start3A_114 = tpu.memref_slice %arg4[%add3A_110, %dma_start3A_113] : memref<4096x768xf32, #tpu.memory_space<hbm>> -> memref<64x768xf32, #tpu.memory_space<hbm>>
          tpu.enqueue_dma source(%arg7 : memref<64x768xf32, #tpu.memory_space<vmem>>) target(%dma_start3A_114 : memref<64x768xf32, #tpu.memory_space<hbm>>) target_semaphore(%run_scoped3A : memref<!tpu.dma_semaphore, #tpu.memory_space<semaphore_mem>>)
          %dma_wait3A_115 = arith.constant 0 : i32
          %dma_wait3A_116 = tpu.memref_slice %arg4[%add3A_110, %dma_wait3A_115] : memref<4096x768xf32, #tpu.memory_space<hbm>> -> memref<64x768xf32, #tpu.memory_space<hbm>>
          %dma_wait3A_117 = arith.constant 0 : i32
          %dma_wait3A_118 = tpu.memref_slice %arg4[%add3A_110, %dma_wait3A_117] : memref<4096x768xf32, #tpu.memory_space<hbm>> -> memref<64x768xf32, #tpu.memory_space<hbm>>
          tpu.wait_dma2 semaphore(%run_scoped3A : memref<!tpu.dma_semaphore, #tpu.memory_space<semaphore_mem>>) src(%arg7 : memref<64x768xf32, #tpu.memory_space<vmem>>) dst(%dma_wait3A_118 : memref<64x768xf32, #tpu.memory_space<hbm>>)
          tpu.yield
        }) : () -> ()
      } else {
      }
      %scan3A_102 = arith.constant 0 : i32
      scf.yield %scan3A_102 : i32
    }
    %scan3A_14 = arith.constant 2 : i32
    return
  }
}

#map = affine_map<(d0, d1) -> (0, 0)>
#map1 = affine_map<(d0, d1) -> (0)>
module attributes {stable_mosaic.version = 14 : i64} {
  func.func @gather_kernel(%arg0: i32, %arg1: i32, %arg2: memref<30522x768xf32, #tpu.memory_space<hbm>>, %arg3: memref<16384xi32, #tpu.memory_space<hbm>>, %arg4: memref<4096x768xf32, #tpu.memory_space<hbm>>, %arg5: memref<128xi32, #tpu.memory_space<vmem>>, %arg6: memref<64x768xf32, #tpu.memory_space<vmem>>, %arg7: memref<64x768xf32, #tpu.memory_space<vmem>>, %arg8: memref<!tpu.dma_semaphore, #tpu.memory_space<semaphore_mem>>, %arg9: memref<!tpu.dma_semaphore, #tpu.memory_space<semaphore_mem>>) attributes {dimension_semantics = [#tpu.dimension_semantics<core_parallel>, #tpu.dimension_semantics<subcore_parallel>], iteration_bounds = array<i64: 2, 16>, scalar_prefetch = 0 : i64, scratch_operands = 5 : i64, tpu.core_type = #tpu.core_type<sc_vector_subcore>, window_params = [{transform_indices = #map}, {transform_indices = #map1}, {transform_indices = #map}]} {
    %mul3A = arith.constant 2 : i32
    %mul3A_0 = arith.muli %arg1, %mul3A : i32
    %add3A = arith.addi %mul3A_0, %arg0 : i32
    %mul3A_1 = arith.constant 128 : i32
    %mul3A_2 = arith.muli %add3A, %mul3A_1 : i32
    %add3A_3 = arith.constant 12288 : i32
    %add3A_4 = arith.addi %add3A_3, %mul3A_2 : i32
    "tpu.region"() ({
      %run_scoped3A = tpu.sem_alloc : memref<!tpu.dma_semaphore, #tpu.memory_space<semaphore_mem>>
      %dma_start3A_15 = tpu.memref_slice %arg3[%add3A_4] : memref<16384xi32, #tpu.memory_space<hbm>> -> memref<128xi32, #tpu.memory_space<hbm>>
      %dma_start3A_16 = tpu.memref_slice %arg3[%add3A_4] : memref<16384xi32, #tpu.memory_space<hbm>> -> memref<128xi32, #tpu.memory_space<hbm>>
      tpu.enqueue_dma source(%dma_start3A_16 : memref<128xi32, #tpu.memory_space<hbm>>) target(%arg5 : memref<128xi32, #tpu.memory_space<vmem>>) target_semaphore(%run_scoped3A : memref<!tpu.dma_semaphore, #tpu.memory_space<semaphore_mem>>)
      %dma_wait3A = tpu.memref_slice %arg3[%add3A_4] : memref<16384xi32, #tpu.memory_space<hbm>> -> memref<128xi32, #tpu.memory_space<hbm>>
      %dma_wait3A_17 = tpu.memref_slice %arg3[%add3A_4] : memref<16384xi32, #tpu.memory_space<hbm>> -> memref<128xi32, #tpu.memory_space<hbm>>
      tpu.wait_dma2 semaphore(%run_scoped3A : memref<!tpu.dma_semaphore, #tpu.memory_space<semaphore_mem>>) src(%dma_wait3A_17 : memref<128xi32, #tpu.memory_space<hbm>>) dst(%arg5 : memref<128xi32, #tpu.memory_space<vmem>>)
      tpu.yield
    }) : () -> ()
    %dma_start3A = arith.constant 0 : i32
    %dma_start3A_5 = tpu.memref_slice %arg5[%dma_start3A] : memref<128xi32, #tpu.memory_space<vmem>> -> memref<64xi32, #tpu.memory_space<vmem>>
    %dma_start3A_6 = arith.constant 0 : i32
    %dma_start3A_7 = arith.constant 0 : i32
    %dma_start3A_8 = tpu.memref_slice %arg2[%dma_start3A_6, %dma_start3A_7] : memref<30522x768xf32, #tpu.memory_space<hbm>> -> memref<30522x768xf32, #tpu.memory_space<hbm>>
    tpu.enqueue_indirect_dma source(%dma_start3A_8 : memref<30522x768xf32, #tpu.memory_space<hbm>>) target(%arg6 : memref<64x768xf32, #tpu.memory_space<vmem>>) offsets(%dma_start3A_5 : memref<64xi32, #tpu.memory_space<vmem>>) semaphore(%arg8 : memref<!tpu.dma_semaphore, #tpu.memory_space<semaphore_mem>>)
    %scan3A = arith.constant 0 : i32
    %scan3A_9 = arith.constant 0 : i32
    %scan3A_10 = arith.constant 2 : i32
    %scan3A_11 = arith.addi %scan3A_9, %scan3A_10 : i32
    %scan3A_12 = arith.constant 1 : i32
    %scan3A_13 = scf.for %scan3A_15 = %scan3A_9 to %scan3A_11 step %scan3A_12 iter_args(%scan3A_16 = %scan3A) -> (i32)  : i32 {
      %add3A_17 = arith.constant 1 : i32
      %add3A_18 = arith.addi %scan3A_15, %add3A_17 : i32
      %jit3A = arith.constant 2 : i32
      %eq3A = arith.constant 0 : i32
      %eq3A_19 = arith.cmpi eq, %jit3A, %eq3A : i32
      %jit3A_20 = arith.constant 1 : i32
      %select_n3A = arith.select %eq3A_19, %jit3A_20, %jit3A : i32
      %rem3A = arith.remsi %add3A_18, %select_n3A : i32
      %ne3A = arith.constant 0 : i32
      %ne3A_21 = arith.cmpi ne, %rem3A, %ne3A : i32
      %lt3A = arith.constant 0 : i32
      %lt3A_22 = arith.cmpi slt, %rem3A, %lt3A : i32
      %lt3A_23 = arith.constant 0 : i32
      %lt3A_24 = arith.cmpi slt, %select_n3A, %lt3A_23 : i32
      %ne3A_25 = arith.xori %lt3A_22, %lt3A_24 : i1
      %and3A = arith.andi %ne3A_25, %ne3A_21 : i1
      %add3A_26 = arith.addi %rem3A, %select_n3A : i32
      %select_n3A_27 = arith.select %and3A, %add3A_26, %rem3A : i32
      %eq3A_28 = arith.constant 0 : i32
      %eq3A_29 = arith.cmpi eq, %select_n3A_27, %eq3A_28 : i32
      %lt3A_30 = arith.constant 2 : i32
      %lt3A_31 = arith.cmpi slt, %add3A_18, %lt3A_30 : i32
      %and3A_32 = arith.andi %eq3A_29, %lt3A_31 : i1
      %convert_element_type3A = arith.extui %and3A_32 : i1 to i32
      %cond3A = arith.constant 0 : i32
      %cond3A_33 = arith.cmpi ne, %convert_element_type3A, %cond3A : i32
      scf.if %cond3A_33 {
        %mul3A_103 = arith.constant 64 : i32
        %mul3A_104 = arith.muli %add3A_18, %mul3A_103 : i32
        %dma_start3A_105 = tpu.memref_slice %arg5[%mul3A_104] : memref<128xi32, #tpu.memory_space<vmem>> -> memref<64xi32, #tpu.memory_space<vmem>>
        %dma_start3A_106 = arith.constant 0 : i32
        %dma_start3A_107 = arith.constant 0 : i32
        %dma_start3A_108 = tpu.memref_slice %arg2[%dma_start3A_106, %dma_start3A_107] : memref<30522x768xf32, #tpu.memory_space<hbm>> -> memref<30522x768xf32, #tpu.memory_space<hbm>>
        tpu.enqueue_indirect_dma source(%dma_start3A_108 : memref<30522x768xf32, #tpu.memory_space<hbm>>) target(%arg6 : memref<64x768xf32, #tpu.memory_space<vmem>>) offsets(%dma_start3A_105 : memref<64xi32, #tpu.memory_space<vmem>>) semaphore(%arg8 : memref<!tpu.dma_semaphore, #tpu.memory_space<semaphore_mem>>)
      } else {
      }
      %add3A_34 = arith.constant 1 : i32
      %add3A_35 = arith.addi %scan3A_15, %add3A_34 : i32
      %jit3A_36 = arith.constant 2 : i32
      %eq3A_37 = arith.constant 0 : i32
      %eq3A_38 = arith.cmpi eq, %jit3A_36, %eq3A_37 : i32
      %jit3A_39 = arith.constant 1 : i32
      %select_n3A_40 = arith.select %eq3A_38, %jit3A_39, %jit3A_36 : i32
      %rem3A_41 = arith.remsi %add3A_35, %select_n3A_40 : i32
      %ne3A_42 = arith.constant 0 : i32
      %ne3A_43 = arith.cmpi ne, %rem3A_41, %ne3A_42 : i32
      %lt3A_44 = arith.constant 0 : i32
      %lt3A_45 = arith.cmpi slt, %rem3A_41, %lt3A_44 : i32
      %lt3A_46 = arith.constant 0 : i32
      %lt3A_47 = arith.cmpi slt, %select_n3A_40, %lt3A_46 : i32
      %ne3A_48 = arith.xori %lt3A_45, %lt3A_47 : i1
      %and3A_49 = arith.andi %ne3A_48, %ne3A_43 : i1
      %add3A_50 = arith.addi %rem3A_41, %select_n3A_40 : i32
      %select_n3A_51 = arith.select %and3A_49, %add3A_50, %rem3A_41 : i32
      %eq3A_52 = arith.constant 1 : i32
      %eq3A_53 = arith.cmpi eq, %select_n3A_51, %eq3A_52 : i32
      %lt3A_54 = arith.constant 2 : i32
      %lt3A_55 = arith.cmpi slt, %add3A_35, %lt3A_54 : i32
      %and3A_56 = arith.andi %eq3A_53, %lt3A_55 : i1
      %convert_element_type3A_57 = arith.extui %and3A_56 : i1 to i32
      %cond3A_58 = arith.constant 0 : i32
      %cond3A_59 = arith.cmpi ne, %convert_element_type3A_57, %cond3A_58 : i32
      scf.if %cond3A_59 {
        %mul3A_103 = arith.constant 64 : i32
        %mul3A_104 = arith.muli %add3A_35, %mul3A_103 : i32
        %dma_start3A_105 = tpu.memref_slice %arg5[%mul3A_104] : memref<128xi32, #tpu.memory_space<vmem>> -> memref<64xi32, #tpu.memory_space<vmem>>
        %dma_start3A_106 = arith.constant 0 : i32
        %dma_start3A_107 = arith.constant 0 : i32
        %dma_start3A_108 = tpu.memref_slice %arg2[%dma_start3A_106, %dma_start3A_107] : memref<30522x768xf32, #tpu.memory_space<hbm>> -> memref<30522x768xf32, #tpu.memory_space<hbm>>
        tpu.enqueue_indirect_dma source(%dma_start3A_108 : memref<30522x768xf32, #tpu.memory_space<hbm>>) target(%arg7 : memref<64x768xf32, #tpu.memory_space<vmem>>) offsets(%dma_start3A_105 : memref<64xi32, #tpu.memory_space<vmem>>) semaphore(%arg9 : memref<!tpu.dma_semaphore, #tpu.memory_space<semaphore_mem>>)
      } else {
      }
      %jit3A_60 = arith.constant 2 : i32
      %eq3A_61 = arith.constant 0 : i32
      %eq3A_62 = arith.cmpi eq, %jit3A_60, %eq3A_61 : i32
      %jit3A_63 = arith.constant 1 : i32
      %select_n3A_64 = arith.select %eq3A_62, %jit3A_63, %jit3A_60 : i32
      %rem3A_65 = arith.remsi %scan3A_15, %select_n3A_64 : i32
      %ne3A_66 = arith.constant 0 : i32
      %ne3A_67 = arith.cmpi ne, %rem3A_65, %ne3A_66 : i32
      %lt3A_68 = arith.constant 0 : i32
      %lt3A_69 = arith.cmpi slt, %rem3A_65, %lt3A_68 : i32
      %lt3A_70 = arith.constant 0 : i32
      %lt3A_71 = arith.cmpi slt, %select_n3A_64, %lt3A_70 : i32
      %ne3A_72 = arith.xori %lt3A_69, %lt3A_71 : i1
      %and3A_73 = arith.andi %ne3A_72, %ne3A_67 : i1
      %add3A_74 = arith.addi %rem3A_65, %select_n3A_64 : i32
      %select_n3A_75 = arith.select %and3A_73, %add3A_74, %rem3A_65 : i32
      %eq3A_76 = arith.constant 0 : i32
      %eq3A_77 = arith.cmpi eq, %select_n3A_75, %eq3A_76 : i32
      %convert_element_type3A_78 = arith.extui %eq3A_77 : i1 to i32
      %cond3A_79 = arith.constant 0 : i32
      %cond3A_80 = arith.cmpi ne, %convert_element_type3A_78, %cond3A_79 : i32
      scf.if %cond3A_80 {
        %mul3A_103 = arith.constant 64 : i32
        %mul3A_104 = arith.muli %scan3A_15, %mul3A_103 : i32
        %dma_wait3A = tpu.memref_slice %arg5[%mul3A_104] : memref<128xi32, #tpu.memory_space<vmem>> -> memref<64xi32, #tpu.memory_space<vmem>>
        %dma_wait3A_105 = arith.constant 0 : i32
        %dma_wait3A_106 = arith.constant 0 : i32
        %dma_wait3A_107 = tpu.memref_slice %arg2[%dma_wait3A_105, %dma_wait3A_106] : memref<30522x768xf32, #tpu.memory_space<hbm>> -> memref<30522x768xf32, #tpu.memory_space<hbm>>
        tpu.wait_indirect_dma semaphore(%arg8 : memref<!tpu.dma_semaphore, #tpu.memory_space<semaphore_mem>>) src(%dma_wait3A_107 : memref<30522x768xf32, #tpu.memory_space<hbm>>) dst(%arg6 : memref<64x768xf32, #tpu.memory_space<vmem>>)
        %mul3A_108 = arith.constant 64 : i32
        %mul3A_109 = arith.muli %scan3A_15, %mul3A_108 : i32
        %add3A_110 = arith.addi %mul3A_2, %mul3A_109 : i32
        "tpu.region"() ({
          %run_scoped3A = tpu.sem_alloc : memref<!tpu.dma_semaphore, #tpu.memory_space<semaphore_mem>>
          %dma_start3A_111 = arith.constant 0 : i32
          %dma_start3A_112 = tpu.memref_slice %arg4[%add3A_110, %dma_start3A_111] : memref<4096x768xf32, #tpu.memory_space<hbm>> -> memref<64x768xf32, #tpu.memory_space<hbm>>
          %dma_start3A_113 = arith.constant 0 : i32
          %dma_start3A_114 = tpu.memref_slice %arg4[%add3A_110, %dma_start3A_113] : memref<4096x768xf32, #tpu.memory_space<hbm>> -> memref<64x768xf32, #tpu.memory_space<hbm>>
          tpu.enqueue_dma source(%arg6 : memref<64x768xf32, #tpu.memory_space<vmem>>) target(%dma_start3A_114 : memref<64x768xf32, #tpu.memory_space<hbm>>) target_semaphore(%run_scoped3A : memref<!tpu.dma_semaphore, #tpu.memory_space<semaphore_mem>>)
          %dma_wait3A_115 = arith.constant 0 : i32
          %dma_wait3A_116 = tpu.memref_slice %arg4[%add3A_110, %dma_wait3A_115] : memref<4096x768xf32, #tpu.memory_space<hbm>> -> memref<64x768xf32, #tpu.memory_space<hbm>>
          %dma_wait3A_117 = arith.constant 0 : i32
          %dma_wait3A_118 = tpu.memref_slice %arg4[%add3A_110, %dma_wait3A_117] : memref<4096x768xf32, #tpu.memory_space<hbm>> -> memref<64x768xf32, #tpu.memory_space<hbm>>
          tpu.wait_dma2 semaphore(%run_scoped3A : memref<!tpu.dma_semaphore, #tpu.memory_space<semaphore_mem>>) src(%arg6 : memref<64x768xf32, #tpu.memory_space<vmem>>) dst(%dma_wait3A_118 : memref<64x768xf32, #tpu.memory_space<hbm>>)
          tpu.yield
        }) : () -> ()
      } else {
      }
      %jit3A_81 = arith.constant 2 : i32
      %eq3A_82 = arith.constant 0 : i32
      %eq3A_83 = arith.cmpi eq, %jit3A_81, %eq3A_82 : i32
      %jit3A_84 = arith.constant 1 : i32
      %select_n3A_85 = arith.select %eq3A_83, %jit3A_84, %jit3A_81 : i32
      %rem3A_86 = arith.remsi %scan3A_15, %select_n3A_85 : i32
      %ne3A_87 = arith.constant 0 : i32
      %ne3A_88 = arith.cmpi ne, %rem3A_86, %ne3A_87 : i32
      %lt3A_89 = arith.constant 0 : i32
      %lt3A_90 = arith.cmpi slt, %rem3A_86, %lt3A_89 : i32
      %lt3A_91 = arith.constant 0 : i32
      %lt3A_92 = arith.cmpi slt, %select_n3A_85, %lt3A_91 : i32
      %ne3A_93 = arith.xori %lt3A_90, %lt3A_92 : i1
      %and3A_94 = arith.andi %ne3A_93, %ne3A_88 : i1
      %add3A_95 = arith.addi %rem3A_86, %select_n3A_85 : i32
      %select_n3A_96 = arith.select %and3A_94, %add3A_95, %rem3A_86 : i32
      %eq3A_97 = arith.constant 1 : i32
      %eq3A_98 = arith.cmpi eq, %select_n3A_96, %eq3A_97 : i32
      %convert_element_type3A_99 = arith.extui %eq3A_98 : i1 to i32
      %cond3A_100 = arith.constant 0 : i32
      %cond3A_101 = arith.cmpi ne, %convert_element_type3A_99, %cond3A_100 : i32
      scf.if %cond3A_101 {
        %mul3A_103 = arith.constant 64 : i32
        %mul3A_104 = arith.muli %scan3A_15, %mul3A_103 : i32
        %dma_wait3A = tpu.memref_slice %arg5[%mul3A_104] : memref<128xi32, #tpu.memory_space<vmem>> -> memref<64xi32, #tpu.memory_space<vmem>>
        %dma_wait3A_105 = arith.constant 0 : i32
        %dma_wait3A_106 = arith.constant 0 : i32
        %dma_wait3A_107 = tpu.memref_slice %arg2[%dma_wait3A_105, %dma_wait3A_106] : memref<30522x768xf32, #tpu.memory_space<hbm>> -> memref<30522x768xf32, #tpu.memory_space<hbm>>
        tpu.wait_indirect_dma semaphore(%arg9 : memref<!tpu.dma_semaphore, #tpu.memory_space<semaphore_mem>>) src(%dma_wait3A_107 : memref<30522x768xf32, #tpu.memory_space<hbm>>) dst(%arg7 : memref<64x768xf32, #tpu.memory_space<vmem>>)
        %mul3A_108 = arith.constant 64 : i32
        %mul3A_109 = arith.muli %scan3A_15, %mul3A_108 : i32
        %add3A_110 = arith.addi %mul3A_2, %mul3A_109 : i32
        "tpu.region"() ({
          %run_scoped3A = tpu.sem_alloc : memref<!tpu.dma_semaphore, #tpu.memory_space<semaphore_mem>>
          %dma_start3A_111 = arith.constant 0 : i32
          %dma_start3A_112 = tpu.memref_slice %arg4[%add3A_110, %dma_start3A_111] : memref<4096x768xf32, #tpu.memory_space<hbm>> -> memref<64x768xf32, #tpu.memory_space<hbm>>
          %dma_start3A_113 = arith.constant 0 : i32
          %dma_start3A_114 = tpu.memref_slice %arg4[%add3A_110, %dma_start3A_113] : memref<4096x768xf32, #tpu.memory_space<hbm>> -> memref<64x768xf32, #tpu.memory_space<hbm>>
          tpu.enqueue_dma source(%arg7 : memref<64x768xf32, #tpu.memory_space<vmem>>) target(%dma_start3A_114 : memref<64x768xf32, #tpu.memory_space<hbm>>) target_semaphore(%run_scoped3A : memref<!tpu.dma_semaphore, #tpu.memory_space<semaphore_mem>>)
          %dma_wait3A_115 = arith.constant 0 : i32
          %dma_wait3A_116 = tpu.memref_slice %arg4[%add3A_110, %dma_wait3A_115] : memref<4096x768xf32, #tpu.memory_space<hbm>> -> memref<64x768xf32, #tpu.memory_space<hbm>>
          %dma_wait3A_117 = arith.constant 0 : i32
          %dma_wait3A_118 = tpu.memref_slice %arg4[%add3A_110, %dma_wait3A_117] : memref<4096x768xf32, #tpu.memory_space<hbm>> -> memref<64x768xf32, #tpu.memory_space<hbm>>
          tpu.wait_dma2 semaphore(%run_scoped3A : memref<!tpu.dma_semaphore, #tpu.memory_space<semaphore_mem>>) src(%arg7 : memref<64x768xf32, #tpu.memory_space<vmem>>) dst(%dma_wait3A_118 : memref<64x768xf32, #tpu.memory_space<hbm>>)
          tpu.yield
        }) : () -> ()
      } else {
      }
      %scan3A_102 = arith.constant 0 : i32
      scf.yield %scan3A_102 : i32
    }
    %scan3A_14 = arith.constant 2 : i32
    return
  }
}

#map = affine_map<(d0, d1) -> (0, 0)>
#map1 = affine_map<(d0, d1) -> (0)>
module attributes {stable_mosaic.version = 14 : i64} {
  func.func @gather_kernel(%arg0: i32, %arg1: i32, %arg2: memref<30522x768xf32, #tpu.memory_space<hbm>>, %arg3: memref<16384xi32, #tpu.memory_space<hbm>>, %arg4: memref<4096x768xf32, #tpu.memory_space<hbm>>, %arg5: memref<128xi32, #tpu.memory_space<vmem>>, %arg6: memref<64x768xf32, #tpu.memory_space<vmem>>, %arg7: memref<64x768xf32, #tpu.memory_space<vmem>>, %arg8: memref<!tpu.dma_semaphore, #tpu.memory_space<semaphore_mem>>, %arg9: memref<!tpu.dma_semaphore, #tpu.memory_space<semaphore_mem>>) attributes {dimension_semantics = [#tpu.dimension_semantics<core_parallel>, #tpu.dimension_semantics<subcore_parallel>], iteration_bounds = array<i64: 2, 16>, scalar_prefetch = 0 : i64, scratch_operands = 5 : i64, tpu.core_type = #tpu.core_type<sc_vector_subcore>, window_params = [{transform_indices = #map}, {transform_indices = #map1}, {transform_indices = #map}]} {
    %mul3A = arith.constant 2 : i32
    %mul3A_0 = arith.muli %arg1, %mul3A : i32
    %add3A = arith.addi %mul3A_0, %arg0 : i32
    %mul3A_1 = arith.constant 128 : i32
    %mul3A_2 = arith.muli %add3A, %mul3A_1 : i32
    %add3A_3 = arith.constant 4096 : i32
    %add3A_4 = arith.addi %add3A_3, %mul3A_2 : i32
    "tpu.region"() ({
      %run_scoped3A = tpu.sem_alloc : memref<!tpu.dma_semaphore, #tpu.memory_space<semaphore_mem>>
      %dma_start3A_15 = tpu.memref_slice %arg3[%add3A_4] : memref<16384xi32, #tpu.memory_space<hbm>> -> memref<128xi32, #tpu.memory_space<hbm>>
      %dma_start3A_16 = tpu.memref_slice %arg3[%add3A_4] : memref<16384xi32, #tpu.memory_space<hbm>> -> memref<128xi32, #tpu.memory_space<hbm>>
      tpu.enqueue_dma source(%dma_start3A_16 : memref<128xi32, #tpu.memory_space<hbm>>) target(%arg5 : memref<128xi32, #tpu.memory_space<vmem>>) target_semaphore(%run_scoped3A : memref<!tpu.dma_semaphore, #tpu.memory_space<semaphore_mem>>)
      %dma_wait3A = tpu.memref_slice %arg3[%add3A_4] : memref<16384xi32, #tpu.memory_space<hbm>> -> memref<128xi32, #tpu.memory_space<hbm>>
      %dma_wait3A_17 = tpu.memref_slice %arg3[%add3A_4] : memref<16384xi32, #tpu.memory_space<hbm>> -> memref<128xi32, #tpu.memory_space<hbm>>
      tpu.wait_dma2 semaphore(%run_scoped3A : memref<!tpu.dma_semaphore, #tpu.memory_space<semaphore_mem>>) src(%dma_wait3A_17 : memref<128xi32, #tpu.memory_space<hbm>>) dst(%arg5 : memref<128xi32, #tpu.memory_space<vmem>>)
      tpu.yield
    }) : () -> ()
    %dma_start3A = arith.constant 0 : i32
    %dma_start3A_5 = tpu.memref_slice %arg5[%dma_start3A] : memref<128xi32, #tpu.memory_space<vmem>> -> memref<64xi32, #tpu.memory_space<vmem>>
    %dma_start3A_6 = arith.constant 0 : i32
    %dma_start3A_7 = arith.constant 0 : i32
    %dma_start3A_8 = tpu.memref_slice %arg2[%dma_start3A_6, %dma_start3A_7] : memref<30522x768xf32, #tpu.memory_space<hbm>> -> memref<30522x768xf32, #tpu.memory_space<hbm>>
    tpu.enqueue_indirect_dma source(%dma_start3A_8 : memref<30522x768xf32, #tpu.memory_space<hbm>>) target(%arg6 : memref<64x768xf32, #tpu.memory_space<vmem>>) offsets(%dma_start3A_5 : memref<64xi32, #tpu.memory_space<vmem>>) semaphore(%arg8 : memref<!tpu.dma_semaphore, #tpu.memory_space<semaphore_mem>>)
    %scan3A = arith.constant 0 : i32
    %scan3A_9 = arith.constant 0 : i32
    %scan3A_10 = arith.constant 2 : i32
    %scan3A_11 = arith.addi %scan3A_9, %scan3A_10 : i32
    %scan3A_12 = arith.constant 1 : i32
    %scan3A_13 = scf.for %scan3A_15 = %scan3A_9 to %scan3A_11 step %scan3A_12 iter_args(%scan3A_16 = %scan3A) -> (i32)  : i32 {
      %add3A_17 = arith.constant 1 : i32
      %add3A_18 = arith.addi %scan3A_15, %add3A_17 : i32
      %jit3A = arith.constant 2 : i32
      %eq3A = arith.constant 0 : i32
      %eq3A_19 = arith.cmpi eq, %jit3A, %eq3A : i32
      %jit3A_20 = arith.constant 1 : i32
      %select_n3A = arith.select %eq3A_19, %jit3A_20, %jit3A : i32
      %rem3A = arith.remsi %add3A_18, %select_n3A : i32
      %ne3A = arith.constant 0 : i32
      %ne3A_21 = arith.cmpi ne, %rem3A, %ne3A : i32
      %lt3A = arith.constant 0 : i32
      %lt3A_22 = arith.cmpi slt, %rem3A, %lt3A : i32
      %lt3A_23 = arith.constant 0 : i32
      %lt3A_24 = arith.cmpi slt, %select_n3A, %lt3A_23 : i32
      %ne3A_25 = arith.xori %lt3A_22, %lt3A_24 : i1
      %and3A = arith.andi %ne3A_25, %ne3A_21 : i1
      %add3A_26 = arith.addi %rem3A, %select_n3A : i32
      %select_n3A_27 = arith.select %and3A, %add3A_26, %rem3A : i32
      %eq3A_28 = arith.constant 0 : i32
      %eq3A_29 = arith.cmpi eq, %select_n3A_27, %eq3A_28 : i32
      %lt3A_30 = arith.constant 2 : i32
      %lt3A_31 = arith.cmpi slt, %add3A_18, %lt3A_30 : i32
      %and3A_32 = arith.andi %eq3A_29, %lt3A_31 : i1
      %convert_element_type3A = arith.extui %and3A_32 : i1 to i32
      %cond3A = arith.constant 0 : i32
      %cond3A_33 = arith.cmpi ne, %convert_element_type3A, %cond3A : i32
      scf.if %cond3A_33 {
        %mul3A_103 = arith.constant 64 : i32
        %mul3A_104 = arith.muli %add3A_18, %mul3A_103 : i32
        %dma_start3A_105 = tpu.memref_slice %arg5[%mul3A_104] : memref<128xi32, #tpu.memory_space<vmem>> -> memref<64xi32, #tpu.memory_space<vmem>>
        %dma_start3A_106 = arith.constant 0 : i32
        %dma_start3A_107 = arith.constant 0 : i32
        %dma_start3A_108 = tpu.memref_slice %arg2[%dma_start3A_106, %dma_start3A_107] : memref<30522x768xf32, #tpu.memory_space<hbm>> -> memref<30522x768xf32, #tpu.memory_space<hbm>>
        tpu.enqueue_indirect_dma source(%dma_start3A_108 : memref<30522x768xf32, #tpu.memory_space<hbm>>) target(%arg6 : memref<64x768xf32, #tpu.memory_space<vmem>>) offsets(%dma_start3A_105 : memref<64xi32, #tpu.memory_space<vmem>>) semaphore(%arg8 : memref<!tpu.dma_semaphore, #tpu.memory_space<semaphore_mem>>)
      } else {
      }
      %add3A_34 = arith.constant 1 : i32
      %add3A_35 = arith.addi %scan3A_15, %add3A_34 : i32
      %jit3A_36 = arith.constant 2 : i32
      %eq3A_37 = arith.constant 0 : i32
      %eq3A_38 = arith.cmpi eq, %jit3A_36, %eq3A_37 : i32
      %jit3A_39 = arith.constant 1 : i32
      %select_n3A_40 = arith.select %eq3A_38, %jit3A_39, %jit3A_36 : i32
      %rem3A_41 = arith.remsi %add3A_35, %select_n3A_40 : i32
      %ne3A_42 = arith.constant 0 : i32
      %ne3A_43 = arith.cmpi ne, %rem3A_41, %ne3A_42 : i32
      %lt3A_44 = arith.constant 0 : i32
      %lt3A_45 = arith.cmpi slt, %rem3A_41, %lt3A_44 : i32
      %lt3A_46 = arith.constant 0 : i32
      %lt3A_47 = arith.cmpi slt, %select_n3A_40, %lt3A_46 : i32
      %ne3A_48 = arith.xori %lt3A_45, %lt3A_47 : i1
      %and3A_49 = arith.andi %ne3A_48, %ne3A_43 : i1
      %add3A_50 = arith.addi %rem3A_41, %select_n3A_40 : i32
      %select_n3A_51 = arith.select %and3A_49, %add3A_50, %rem3A_41 : i32
      %eq3A_52 = arith.constant 1 : i32
      %eq3A_53 = arith.cmpi eq, %select_n3A_51, %eq3A_52 : i32
      %lt3A_54 = arith.constant 2 : i32
      %lt3A_55 = arith.cmpi slt, %add3A_35, %lt3A_54 : i32
      %and3A_56 = arith.andi %eq3A_53, %lt3A_55 : i1
      %convert_element_type3A_57 = arith.extui %and3A_56 : i1 to i32
      %cond3A_58 = arith.constant 0 : i32
      %cond3A_59 = arith.cmpi ne, %convert_element_type3A_57, %cond3A_58 : i32
      scf.if %cond3A_59 {
        %mul3A_103 = arith.constant 64 : i32
        %mul3A_104 = arith.muli %add3A_35, %mul3A_103 : i32
        %dma_start3A_105 = tpu.memref_slice %arg5[%mul3A_104] : memref<128xi32, #tpu.memory_space<vmem>> -> memref<64xi32, #tpu.memory_space<vmem>>
        %dma_start3A_106 = arith.constant 0 : i32
        %dma_start3A_107 = arith.constant 0 : i32
        %dma_start3A_108 = tpu.memref_slice %arg2[%dma_start3A_106, %dma_start3A_107] : memref<30522x768xf32, #tpu.memory_space<hbm>> -> memref<30522x768xf32, #tpu.memory_space<hbm>>
        tpu.enqueue_indirect_dma source(%dma_start3A_108 : memref<30522x768xf32, #tpu.memory_space<hbm>>) target(%arg7 : memref<64x768xf32, #tpu.memory_space<vmem>>) offsets(%dma_start3A_105 : memref<64xi32, #tpu.memory_space<vmem>>) semaphore(%arg9 : memref<!tpu.dma_semaphore, #tpu.memory_space<semaphore_mem>>)
      } else {
      }
      %jit3A_60 = arith.constant 2 : i32
      %eq3A_61 = arith.constant 0 : i32
      %eq3A_62 = arith.cmpi eq, %jit3A_60, %eq3A_61 : i32
      %jit3A_63 = arith.constant 1 : i32
      %select_n3A_64 = arith.select %eq3A_62, %jit3A_63, %jit3A_60 : i32
      %rem3A_65 = arith.remsi %scan3A_15, %select_n3A_64 : i32
      %ne3A_66 = arith.constant 0 : i32
      %ne3A_67 = arith.cmpi ne, %rem3A_65, %ne3A_66 : i32
      %lt3A_68 = arith.constant 0 : i32
      %lt3A_69 = arith.cmpi slt, %rem3A_65, %lt3A_68 : i32
      %lt3A_70 = arith.constant 0 : i32
      %lt3A_71 = arith.cmpi slt, %select_n3A_64, %lt3A_70 : i32
      %ne3A_72 = arith.xori %lt3A_69, %lt3A_71 : i1
      %and3A_73 = arith.andi %ne3A_72, %ne3A_67 : i1
      %add3A_74 = arith.addi %rem3A_65, %select_n3A_64 : i32
      %select_n3A_75 = arith.select %and3A_73, %add3A_74, %rem3A_65 : i32
      %eq3A_76 = arith.constant 0 : i32
      %eq3A_77 = arith.cmpi eq, %select_n3A_75, %eq3A_76 : i32
      %convert_element_type3A_78 = arith.extui %eq3A_77 : i1 to i32
      %cond3A_79 = arith.constant 0 : i32
      %cond3A_80 = arith.cmpi ne, %convert_element_type3A_78, %cond3A_79 : i32
      scf.if %cond3A_80 {
        %mul3A_103 = arith.constant 64 : i32
        %mul3A_104 = arith.muli %scan3A_15, %mul3A_103 : i32
        %dma_wait3A = tpu.memref_slice %arg5[%mul3A_104] : memref<128xi32, #tpu.memory_space<vmem>> -> memref<64xi32, #tpu.memory_space<vmem>>
        %dma_wait3A_105 = arith.constant 0 : i32
        %dma_wait3A_106 = arith.constant 0 : i32
        %dma_wait3A_107 = tpu.memref_slice %arg2[%dma_wait3A_105, %dma_wait3A_106] : memref<30522x768xf32, #tpu.memory_space<hbm>> -> memref<30522x768xf32, #tpu.memory_space<hbm>>
        tpu.wait_indirect_dma semaphore(%arg8 : memref<!tpu.dma_semaphore, #tpu.memory_space<semaphore_mem>>) src(%dma_wait3A_107 : memref<30522x768xf32, #tpu.memory_space<hbm>>) dst(%arg6 : memref<64x768xf32, #tpu.memory_space<vmem>>)
        %mul3A_108 = arith.constant 64 : i32
        %mul3A_109 = arith.muli %scan3A_15, %mul3A_108 : i32
        %add3A_110 = arith.addi %mul3A_2, %mul3A_109 : i32
        "tpu.region"() ({
          %run_scoped3A = tpu.sem_alloc : memref<!tpu.dma_semaphore, #tpu.memory_space<semaphore_mem>>
          %dma_start3A_111 = arith.constant 0 : i32
          %dma_start3A_112 = tpu.memref_slice %arg4[%add3A_110, %dma_start3A_111] : memref<4096x768xf32, #tpu.memory_space<hbm>> -> memref<64x768xf32, #tpu.memory_space<hbm>>
          %dma_start3A_113 = arith.constant 0 : i32
          %dma_start3A_114 = tpu.memref_slice %arg4[%add3A_110, %dma_start3A_113] : memref<4096x768xf32, #tpu.memory_space<hbm>> -> memref<64x768xf32, #tpu.memory_space<hbm>>
          tpu.enqueue_dma source(%arg6 : memref<64x768xf32, #tpu.memory_space<vmem>>) target(%dma_start3A_114 : memref<64x768xf32, #tpu.memory_space<hbm>>) target_semaphore(%run_scoped3A : memref<!tpu.dma_semaphore, #tpu.memory_space<semaphore_mem>>)
          %dma_wait3A_115 = arith.constant 0 : i32
          %dma_wait3A_116 = tpu.memref_slice %arg4[%add3A_110, %dma_wait3A_115] : memref<4096x768xf32, #tpu.memory_space<hbm>> -> memref<64x768xf32, #tpu.memory_space<hbm>>
          %dma_wait3A_117 = arith.constant 0 : i32
          %dma_wait3A_118 = tpu.memref_slice %arg4[%add3A_110, %dma_wait3A_117] : memref<4096x768xf32, #tpu.memory_space<hbm>> -> memref<64x768xf32, #tpu.memory_space<hbm>>
          tpu.wait_dma2 semaphore(%run_scoped3A : memref<!tpu.dma_semaphore, #tpu.memory_space<semaphore_mem>>) src(%arg6 : memref<64x768xf32, #tpu.memory_space<vmem>>) dst(%dma_wait3A_118 : memref<64x768xf32, #tpu.memory_space<hbm>>)
          tpu.yield
        }) : () -> ()
      } else {
      }
      %jit3A_81 = arith.constant 2 : i32
      %eq3A_82 = arith.constant 0 : i32
      %eq3A_83 = arith.cmpi eq, %jit3A_81, %eq3A_82 : i32
      %jit3A_84 = arith.constant 1 : i32
      %select_n3A_85 = arith.select %eq3A_83, %jit3A_84, %jit3A_81 : i32
      %rem3A_86 = arith.remsi %scan3A_15, %select_n3A_85 : i32
      %ne3A_87 = arith.constant 0 : i32
      %ne3A_88 = arith.cmpi ne, %rem3A_86, %ne3A_87 : i32
      %lt3A_89 = arith.constant 0 : i32
      %lt3A_90 = arith.cmpi slt, %rem3A_86, %lt3A_89 : i32
      %lt3A_91 = arith.constant 0 : i32
      %lt3A_92 = arith.cmpi slt, %select_n3A_85, %lt3A_91 : i32
      %ne3A_93 = arith.xori %lt3A_90, %lt3A_92 : i1
      %and3A_94 = arith.andi %ne3A_93, %ne3A_88 : i1
      %add3A_95 = arith.addi %rem3A_86, %select_n3A_85 : i32
      %select_n3A_96 = arith.select %and3A_94, %add3A_95, %rem3A_86 : i32
      %eq3A_97 = arith.constant 1 : i32
      %eq3A_98 = arith.cmpi eq, %select_n3A_96, %eq3A_97 : i32
      %convert_element_type3A_99 = arith.extui %eq3A_98 : i1 to i32
      %cond3A_100 = arith.constant 0 : i32
      %cond3A_101 = arith.cmpi ne, %convert_element_type3A_99, %cond3A_100 : i32
      scf.if %cond3A_101 {
        %mul3A_103 = arith.constant 64 : i32
        %mul3A_104 = arith.muli %scan3A_15, %mul3A_103 : i32
        %dma_wait3A = tpu.memref_slice %arg5[%mul3A_104] : memref<128xi32, #tpu.memory_space<vmem>> -> memref<64xi32, #tpu.memory_space<vmem>>
        %dma_wait3A_105 = arith.constant 0 : i32
        %dma_wait3A_106 = arith.constant 0 : i32
        %dma_wait3A_107 = tpu.memref_slice %arg2[%dma_wait3A_105, %dma_wait3A_106] : memref<30522x768xf32, #tpu.memory_space<hbm>> -> memref<30522x768xf32, #tpu.memory_space<hbm>>
        tpu.wait_indirect_dma semaphore(%arg9 : memref<!tpu.dma_semaphore, #tpu.memory_space<semaphore_mem>>) src(%dma_wait3A_107 : memref<30522x768xf32, #tpu.memory_space<hbm>>) dst(%arg7 : memref<64x768xf32, #tpu.memory_space<vmem>>)
        %mul3A_108 = arith.constant 64 : i32
        %mul3A_109 = arith.muli %scan3A_15, %mul3A_108 : i32
        %add3A_110 = arith.addi %mul3A_2, %mul3A_109 : i32
        "tpu.region"() ({
          %run_scoped3A = tpu.sem_alloc : memref<!tpu.dma_semaphore, #tpu.memory_space<semaphore_mem>>
          %dma_start3A_111 = arith.constant 0 : i32
          %dma_start3A_112 = tpu.memref_slice %arg4[%add3A_110, %dma_start3A_111] : memref<4096x768xf32, #tpu.memory_space<hbm>> -> memref<64x768xf32, #tpu.memory_space<hbm>>
          %dma_start3A_113 = arith.constant 0 : i32
          %dma_start3A_114 = tpu.memref_slice %arg4[%add3A_110, %dma_start3A_113] : memref<4096x768xf32, #tpu.memory_space<hbm>> -> memref<64x768xf32, #tpu.memory_space<hbm>>
          tpu.enqueue_dma source(%arg7 : memref<64x768xf32, #tpu.memory_space<vmem>>) target(%dma_start3A_114 : memref<64x768xf32, #tpu.memory_space<hbm>>) target_semaphore(%run_scoped3A : memref<!tpu.dma_semaphore, #tpu.memory_space<semaphore_mem>>)
          %dma_wait3A_115 = arith.constant 0 : i32
          %dma_wait3A_116 = tpu.memref_slice %arg4[%add3A_110, %dma_wait3A_115] : memref<4096x768xf32, #tpu.memory_space<hbm>> -> memref<64x768xf32, #tpu.memory_space<hbm>>
          %dma_wait3A_117 = arith.constant 0 : i32
          %dma_wait3A_118 = tpu.memref_slice %arg4[%add3A_110, %dma_wait3A_117] : memref<4096x768xf32, #tpu.memory_space<hbm>> -> memref<64x768xf32, #tpu.memory_space<hbm>>
          tpu.wait_dma2 semaphore(%run_scoped3A : memref<!tpu.dma_semaphore, #tpu.memory_space<semaphore_mem>>) src(%arg7 : memref<64x768xf32, #tpu.memory_space<vmem>>) dst(%dma_wait3A_118 : memref<64x768xf32, #tpu.memory_space<hbm>>)
          tpu.yield
        }) : () -> ()
      } else {
      }
      %scan3A_102 = arith.constant 0 : i32
      scf.yield %scan3A_102 : i32
    }
    %scan3A_14 = arith.constant 2 : i32
    return
  }
}

#map = affine_map<(d0, d1) -> (0, 0)>
#map1 = affine_map<(d0, d1) -> (0)>
module attributes {stable_mosaic.version = 14 : i64} {
  func.func @gather_kernel(%arg0: i32, %arg1: i32, %arg2: memref<30522x768xf32, #tpu.memory_space<hbm>>, %arg3: memref<16384xi32, #tpu.memory_space<hbm>>, %arg4: memref<4096x768xf32, #tpu.memory_space<hbm>>, %arg5: memref<128xi32, #tpu.memory_space<vmem>>, %arg6: memref<64x768xf32, #tpu.memory_space<vmem>>, %arg7: memref<64x768xf32, #tpu.memory_space<vmem>>, %arg8: memref<!tpu.dma_semaphore, #tpu.memory_space<semaphore_mem>>, %arg9: memref<!tpu.dma_semaphore, #tpu.memory_space<semaphore_mem>>) attributes {dimension_semantics = [#tpu.dimension_semantics<core_parallel>, #tpu.dimension_semantics<subcore_parallel>], iteration_bounds = array<i64: 2, 16>, scalar_prefetch = 0 : i64, scratch_operands = 5 : i64, tpu.core_type = #tpu.core_type<sc_vector_subcore>, window_params = [{transform_indices = #map}, {transform_indices = #map1}, {transform_indices = #map}]} {
    %mul3A = arith.constant 2 : i32
    %mul3A_0 = arith.muli %arg1, %mul3A : i32
    %add3A = arith.addi %mul3A_0, %arg0 : i32
    %mul3A_1 = arith.constant 128 : i32
    %mul3A_2 = arith.muli %add3A, %mul3A_1 : i32
    %add3A_3 = arith.constant 0 : i32
    %add3A_4 = arith.addi %add3A_3, %mul3A_2 : i32
    "tpu.region"() ({
      %run_scoped3A = tpu.sem_alloc : memref<!tpu.dma_semaphore, #tpu.memory_space<semaphore_mem>>
      %dma_start3A_15 = tpu.memref_slice %arg3[%add3A_4] : memref<16384xi32, #tpu.memory_space<hbm>> -> memref<128xi32, #tpu.memory_space<hbm>>
      %dma_start3A_16 = tpu.memref_slice %arg3[%add3A_4] : memref<16384xi32, #tpu.memory_space<hbm>> -> memref<128xi32, #tpu.memory_space<hbm>>
      tpu.enqueue_dma source(%dma_start3A_16 : memref<128xi32, #tpu.memory_space<hbm>>) target(%arg5 : memref<128xi32, #tpu.memory_space<vmem>>) target_semaphore(%run_scoped3A : memref<!tpu.dma_semaphore, #tpu.memory_space<semaphore_mem>>)
      %dma_wait3A = tpu.memref_slice %arg3[%add3A_4] : memref<16384xi32, #tpu.memory_space<hbm>> -> memref<128xi32, #tpu.memory_space<hbm>>
      %dma_wait3A_17 = tpu.memref_slice %arg3[%add3A_4] : memref<16384xi32, #tpu.memory_space<hbm>> -> memref<128xi32, #tpu.memory_space<hbm>>
      tpu.wait_dma2 semaphore(%run_scoped3A : memref<!tpu.dma_semaphore, #tpu.memory_space<semaphore_mem>>) src(%dma_wait3A_17 : memref<128xi32, #tpu.memory_space<hbm>>) dst(%arg5 : memref<128xi32, #tpu.memory_space<vmem>>)
      tpu.yield
    }) : () -> ()
    %dma_start3A = arith.constant 0 : i32
    %dma_start3A_5 = tpu.memref_slice %arg5[%dma_start3A] : memref<128xi32, #tpu.memory_space<vmem>> -> memref<64xi32, #tpu.memory_space<vmem>>
    %dma_start3A_6 = arith.constant 0 : i32
    %dma_start3A_7 = arith.constant 0 : i32
    %dma_start3A_8 = tpu.memref_slice %arg2[%dma_start3A_6, %dma_start3A_7] : memref<30522x768xf32, #tpu.memory_space<hbm>> -> memref<30522x768xf32, #tpu.memory_space<hbm>>
    tpu.enqueue_indirect_dma source(%dma_start3A_8 : memref<30522x768xf32, #tpu.memory_space<hbm>>) target(%arg6 : memref<64x768xf32, #tpu.memory_space<vmem>>) offsets(%dma_start3A_5 : memref<64xi32, #tpu.memory_space<vmem>>) semaphore(%arg8 : memref<!tpu.dma_semaphore, #tpu.memory_space<semaphore_mem>>)
    %scan3A = arith.constant 0 : i32
    %scan3A_9 = arith.constant 0 : i32
    %scan3A_10 = arith.constant 2 : i32
    %scan3A_11 = arith.addi %scan3A_9, %scan3A_10 : i32
    %scan3A_12 = arith.constant 1 : i32
    %scan3A_13 = scf.for %scan3A_15 = %scan3A_9 to %scan3A_11 step %scan3A_12 iter_args(%scan3A_16 = %scan3A) -> (i32)  : i32 {
      %add3A_17 = arith.constant 1 : i32
      %add3A_18 = arith.addi %scan3A_15, %add3A_17 : i32
      %jit3A = arith.constant 2 : i32
      %eq3A = arith.constant 0 : i32
      %eq3A_19 = arith.cmpi eq, %jit3A, %eq3A : i32
      %jit3A_20 = arith.constant 1 : i32
      %select_n3A = arith.select %eq3A_19, %jit3A_20, %jit3A : i32
      %rem3A = arith.remsi %add3A_18, %select_n3A : i32
      %ne3A = arith.constant 0 : i32
      %ne3A_21 = arith.cmpi ne, %rem3A, %ne3A : i32
      %lt3A = arith.constant 0 : i32
      %lt3A_22 = arith.cmpi slt, %rem3A, %lt3A : i32
      %lt3A_23 = arith.constant 0 : i32
      %lt3A_24 = arith.cmpi slt, %select_n3A, %lt3A_23 : i32
      %ne3A_25 = arith.xori %lt3A_22, %lt3A_24 : i1
      %and3A = arith.andi %ne3A_25, %ne3A_21 : i1
      %add3A_26 = arith.addi %rem3A, %select_n3A : i32
      %select_n3A_27 = arith.select %and3A, %add3A_26, %rem3A : i32
      %eq3A_28 = arith.constant 0 : i32
      %eq3A_29 = arith.cmpi eq, %select_n3A_27, %eq3A_28 : i32
      %lt3A_30 = arith.constant 2 : i32
      %lt3A_31 = arith.cmpi slt, %add3A_18, %lt3A_30 : i32
      %and3A_32 = arith.andi %eq3A_29, %lt3A_31 : i1
      %convert_element_type3A = arith.extui %and3A_32 : i1 to i32
      %cond3A = arith.constant 0 : i32
      %cond3A_33 = arith.cmpi ne, %convert_element_type3A, %cond3A : i32
      scf.if %cond3A_33 {
        %mul3A_103 = arith.constant 64 : i32
        %mul3A_104 = arith.muli %add3A_18, %mul3A_103 : i32
        %dma_start3A_105 = tpu.memref_slice %arg5[%mul3A_104] : memref<128xi32, #tpu.memory_space<vmem>> -> memref<64xi32, #tpu.memory_space<vmem>>
        %dma_start3A_106 = arith.constant 0 : i32
        %dma_start3A_107 = arith.constant 0 : i32
        %dma_start3A_108 = tpu.memref_slice %arg2[%dma_start3A_106, %dma_start3A_107] : memref<30522x768xf32, #tpu.memory_space<hbm>> -> memref<30522x768xf32, #tpu.memory_space<hbm>>
        tpu.enqueue_indirect_dma source(%dma_start3A_108 : memref<30522x768xf32, #tpu.memory_space<hbm>>) target(%arg6 : memref<64x768xf32, #tpu.memory_space<vmem>>) offsets(%dma_start3A_105 : memref<64xi32, #tpu.memory_space<vmem>>) semaphore(%arg8 : memref<!tpu.dma_semaphore, #tpu.memory_space<semaphore_mem>>)
      } else {
      }
      %add3A_34 = arith.constant 1 : i32
      %add3A_35 = arith.addi %scan3A_15, %add3A_34 : i32
      %jit3A_36 = arith.constant 2 : i32
      %eq3A_37 = arith.constant 0 : i32
      %eq3A_38 = arith.cmpi eq, %jit3A_36, %eq3A_37 : i32
      %jit3A_39 = arith.constant 1 : i32
      %select_n3A_40 = arith.select %eq3A_38, %jit3A_39, %jit3A_36 : i32
      %rem3A_41 = arith.remsi %add3A_35, %select_n3A_40 : i32
      %ne3A_42 = arith.constant 0 : i32
      %ne3A_43 = arith.cmpi ne, %rem3A_41, %ne3A_42 : i32
      %lt3A_44 = arith.constant 0 : i32
      %lt3A_45 = arith.cmpi slt, %rem3A_41, %lt3A_44 : i32
      %lt3A_46 = arith.constant 0 : i32
      %lt3A_47 = arith.cmpi slt, %select_n3A_40, %lt3A_46 : i32
      %ne3A_48 = arith.xori %lt3A_45, %lt3A_47 : i1
      %and3A_49 = arith.andi %ne3A_48, %ne3A_43 : i1
      %add3A_50 = arith.addi %rem3A_41, %select_n3A_40 : i32
      %select_n3A_51 = arith.select %and3A_49, %add3A_50, %rem3A_41 : i32
      %eq3A_52 = arith.constant 1 : i32
      %eq3A_53 = arith.cmpi eq, %select_n3A_51, %eq3A_52 : i32
      %lt3A_54 = arith.constant 2 : i32
      %lt3A_55 = arith.cmpi slt, %add3A_35, %lt3A_54 : i32
      %and3A_56 = arith.andi %eq3A_53, %lt3A_55 : i1
      %convert_element_type3A_57 = arith.extui %and3A_56 : i1 to i32
      %cond3A_58 = arith.constant 0 : i32
      %cond3A_59 = arith.cmpi ne, %convert_element_type3A_57, %cond3A_58 : i32
      scf.if %cond3A_59 {
        %mul3A_103 = arith.constant 64 : i32
        %mul3A_104 = arith.muli %add3A_35, %mul3A_103 : i32
        %dma_start3A_105 = tpu.memref_slice %arg5[%mul3A_104] : memref<128xi32, #tpu.memory_space<vmem>> -> memref<64xi32, #tpu.memory_space<vmem>>
        %dma_start3A_106 = arith.constant 0 : i32
        %dma_start3A_107 = arith.constant 0 : i32
        %dma_start3A_108 = tpu.memref_slice %arg2[%dma_start3A_106, %dma_start3A_107] : memref<30522x768xf32, #tpu.memory_space<hbm>> -> memref<30522x768xf32, #tpu.memory_space<hbm>>
        tpu.enqueue_indirect_dma source(%dma_start3A_108 : memref<30522x768xf32, #tpu.memory_space<hbm>>) target(%arg7 : memref<64x768xf32, #tpu.memory_space<vmem>>) offsets(%dma_start3A_105 : memref<64xi32, #tpu.memory_space<vmem>>) semaphore(%arg9 : memref<!tpu.dma_semaphore, #tpu.memory_space<semaphore_mem>>)
      } else {
      }
      %jit3A_60 = arith.constant 2 : i32
      %eq3A_61 = arith.constant 0 : i32
      %eq3A_62 = arith.cmpi eq, %jit3A_60, %eq3A_61 : i32
      %jit3A_63 = arith.constant 1 : i32
      %select_n3A_64 = arith.select %eq3A_62, %jit3A_63, %jit3A_60 : i32
      %rem3A_65 = arith.remsi %scan3A_15, %select_n3A_64 : i32
      %ne3A_66 = arith.constant 0 : i32
      %ne3A_67 = arith.cmpi ne, %rem3A_65, %ne3A_66 : i32
      %lt3A_68 = arith.constant 0 : i32
      %lt3A_69 = arith.cmpi slt, %rem3A_65, %lt3A_68 : i32
      %lt3A_70 = arith.constant 0 : i32
      %lt3A_71 = arith.cmpi slt, %select_n3A_64, %lt3A_70 : i32
      %ne3A_72 = arith.xori %lt3A_69, %lt3A_71 : i1
      %and3A_73 = arith.andi %ne3A_72, %ne3A_67 : i1
      %add3A_74 = arith.addi %rem3A_65, %select_n3A_64 : i32
      %select_n3A_75 = arith.select %and3A_73, %add3A_74, %rem3A_65 : i32
      %eq3A_76 = arith.constant 0 : i32
      %eq3A_77 = arith.cmpi eq, %select_n3A_75, %eq3A_76 : i32
      %convert_element_type3A_78 = arith.extui %eq3A_77 : i1 to i32
      %cond3A_79 = arith.constant 0 : i32
      %cond3A_80 = arith.cmpi ne, %convert_element_type3A_78, %cond3A_79 : i32
      scf.if %cond3A_80 {
        %mul3A_103 = arith.constant 64 : i32
        %mul3A_104 = arith.muli %scan3A_15, %mul3A_103 : i32
        %dma_wait3A = tpu.memref_slice %arg5[%mul3A_104] : memref<128xi32, #tpu.memory_space<vmem>> -> memref<64xi32, #tpu.memory_space<vmem>>
        %dma_wait3A_105 = arith.constant 0 : i32
        %dma_wait3A_106 = arith.constant 0 : i32
        %dma_wait3A_107 = tpu.memref_slice %arg2[%dma_wait3A_105, %dma_wait3A_106] : memref<30522x768xf32, #tpu.memory_space<hbm>> -> memref<30522x768xf32, #tpu.memory_space<hbm>>
        tpu.wait_indirect_dma semaphore(%arg8 : memref<!tpu.dma_semaphore, #tpu.memory_space<semaphore_mem>>) src(%dma_wait3A_107 : memref<30522x768xf32, #tpu.memory_space<hbm>>) dst(%arg6 : memref<64x768xf32, #tpu.memory_space<vmem>>)
        %mul3A_108 = arith.constant 64 : i32
        %mul3A_109 = arith.muli %scan3A_15, %mul3A_108 : i32
        %add3A_110 = arith.addi %mul3A_2, %mul3A_109 : i32
        "tpu.region"() ({
          %run_scoped3A = tpu.sem_alloc : memref<!tpu.dma_semaphore, #tpu.memory_space<semaphore_mem>>
          %dma_start3A_111 = arith.constant 0 : i32
          %dma_start3A_112 = tpu.memref_slice %arg4[%add3A_110, %dma_start3A_111] : memref<4096x768xf32, #tpu.memory_space<hbm>> -> memref<64x768xf32, #tpu.memory_space<hbm>>
          %dma_start3A_113 = arith.constant 0 : i32
          %dma_start3A_114 = tpu.memref_slice %arg4[%add3A_110, %dma_start3A_113] : memref<4096x768xf32, #tpu.memory_space<hbm>> -> memref<64x768xf32, #tpu.memory_space<hbm>>
          tpu.enqueue_dma source(%arg6 : memref<64x768xf32, #tpu.memory_space<vmem>>) target(%dma_start3A_114 : memref<64x768xf32, #tpu.memory_space<hbm>>) target_semaphore(%run_scoped3A : memref<!tpu.dma_semaphore, #tpu.memory_space<semaphore_mem>>)
          %dma_wait3A_115 = arith.constant 0 : i32
          %dma_wait3A_116 = tpu.memref_slice %arg4[%add3A_110, %dma_wait3A_115] : memref<4096x768xf32, #tpu.memory_space<hbm>> -> memref<64x768xf32, #tpu.memory_space<hbm>>
          %dma_wait3A_117 = arith.constant 0 : i32
          %dma_wait3A_118 = tpu.memref_slice %arg4[%add3A_110, %dma_wait3A_117] : memref<4096x768xf32, #tpu.memory_space<hbm>> -> memref<64x768xf32, #tpu.memory_space<hbm>>
          tpu.wait_dma2 semaphore(%run_scoped3A : memref<!tpu.dma_semaphore, #tpu.memory_space<semaphore_mem>>) src(%arg6 : memref<64x768xf32, #tpu.memory_space<vmem>>) dst(%dma_wait3A_118 : memref<64x768xf32, #tpu.memory_space<hbm>>)
          tpu.yield
        }) : () -> ()
      } else {
      }
      %jit3A_81 = arith.constant 2 : i32
      %eq3A_82 = arith.constant 0 : i32
      %eq3A_83 = arith.cmpi eq, %jit3A_81, %eq3A_82 : i32
      %jit3A_84 = arith.constant 1 : i32
      %select_n3A_85 = arith.select %eq3A_83, %jit3A_84, %jit3A_81 : i32
      %rem3A_86 = arith.remsi %scan3A_15, %select_n3A_85 : i32
      %ne3A_87 = arith.constant 0 : i32
      %ne3A_88 = arith.cmpi ne, %rem3A_86, %ne3A_87 : i32
      %lt3A_89 = arith.constant 0 : i32
      %lt3A_90 = arith.cmpi slt, %rem3A_86, %lt3A_89 : i32
      %lt3A_91 = arith.constant 0 : i32
      %lt3A_92 = arith.cmpi slt, %select_n3A_85, %lt3A_91 : i32
      %ne3A_93 = arith.xori %lt3A_90, %lt3A_92 : i1
      %and3A_94 = arith.andi %ne3A_93, %ne3A_88 : i1
      %add3A_95 = arith.addi %rem3A_86, %select_n3A_85 : i32
      %select_n3A_96 = arith.select %and3A_94, %add3A_95, %rem3A_86 : i32
      %eq3A_97 = arith.constant 1 : i32
      %eq3A_98 = arith.cmpi eq, %select_n3A_96, %eq3A_97 : i32
      %convert_element_type3A_99 = arith.extui %eq3A_98 : i1 to i32
      %cond3A_100 = arith.constant 0 : i32
      %cond3A_101 = arith.cmpi ne, %convert_element_type3A_99, %cond3A_100 : i32
      scf.if %cond3A_101 {
        %mul3A_103 = arith.constant 64 : i32
        %mul3A_104 = arith.muli %scan3A_15, %mul3A_103 : i32
        %dma_wait3A = tpu.memref_slice %arg5[%mul3A_104] : memref<128xi32, #tpu.memory_space<vmem>> -> memref<64xi32, #tpu.memory_space<vmem>>
        %dma_wait3A_105 = arith.constant 0 : i32
        %dma_wait3A_106 = arith.constant 0 : i32
        %dma_wait3A_107 = tpu.memref_slice %arg2[%dma_wait3A_105, %dma_wait3A_106] : memref<30522x768xf32, #tpu.memory_space<hbm>> -> memref<30522x768xf32, #tpu.memory_space<hbm>>
        tpu.wait_indirect_dma semaphore(%arg9 : memref<!tpu.dma_semaphore, #tpu.memory_space<semaphore_mem>>) src(%dma_wait3A_107 : memref<30522x768xf32, #tpu.memory_space<hbm>>) dst(%arg7 : memref<64x768xf32, #tpu.memory_space<vmem>>)
        %mul3A_108 = arith.constant 64 : i32
        %mul3A_109 = arith.muli %scan3A_15, %mul3A_108 : i32
        %add3A_110 = arith.addi %mul3A_2, %mul3A_109 : i32
        "tpu.region"() ({
          %run_scoped3A = tpu.sem_alloc : memref<!tpu.dma_semaphore, #tpu.memory_space<semaphore_mem>>
          %dma_start3A_111 = arith.constant 0 : i32
          %dma_start3A_112 = tpu.memref_slice %arg4[%add3A_110, %dma_start3A_111] : memref<4096x768xf32, #tpu.memory_space<hbm>> -> memref<64x768xf32, #tpu.memory_space<hbm>>
          %dma_start3A_113 = arith.constant 0 : i32
          %dma_start3A_114 = tpu.memref_slice %arg4[%add3A_110, %dma_start3A_113] : memref<4096x768xf32, #tpu.memory_space<hbm>> -> memref<64x768xf32, #tpu.memory_space<hbm>>
          tpu.enqueue_dma source(%arg7 : memref<64x768xf32, #tpu.memory_space<vmem>>) target(%dma_start3A_114 : memref<64x768xf32, #tpu.memory_space<hbm>>) target_semaphore(%run_scoped3A : memref<!tpu.dma_semaphore, #tpu.memory_space<semaphore_mem>>)
          %dma_wait3A_115 = arith.constant 0 : i32
          %dma_wait3A_116 = tpu.memref_slice %arg4[%add3A_110, %dma_wait3A_115] : memref<4096x768xf32, #tpu.memory_space<hbm>> -> memref<64x768xf32, #tpu.memory_space<hbm>>
          %dma_wait3A_117 = arith.constant 0 : i32
          %dma_wait3A_118 = tpu.memref_slice %arg4[%add3A_110, %dma_wait3A_117] : memref<4096x768xf32, #tpu.memory_space<hbm>> -> memref<64x768xf32, #tpu.memory_space<hbm>>
          tpu.wait_dma2 semaphore(%run_scoped3A : memref<!tpu.dma_semaphore, #tpu.memory_space<semaphore_mem>>) src(%arg7 : memref<64x768xf32, #tpu.memory_space<vmem>>) dst(%dma_wait3A_118 : memref<64x768xf32, #tpu.memory_space<hbm>>)
          tpu.yield
        }) : () -> ()
      } else {
      }
      %scan3A_102 = arith.constant 0 : i32
      scf.yield %scan3A_102 : i32
    }
    %scan3A_14 = arith.constant 2 : i32
    return
  }
}

module attributes {stable_mosaic.version = 14 : i64} {
  func.func @_ln_body(%arg0: i32, %arg1: memref<32x512x768xf32, #tpu.memory_space<any>>, %arg2: memref<1x512x768xf32, #tpu.memory_space<vmem>>, %arg3: memref<1x1x512xi32, #tpu.memory_space<vmem>>, %arg4: memref<512x768xf32, #tpu.memory_space<vmem>>, %arg5: memref<2x768xf32, #tpu.memory_space<vmem>>, %arg6: memref<768xf32, #tpu.memory_space<vmem>>, %arg7: memref<768xf32, #tpu.memory_space<vmem>>, %arg8: memref<1x512x768xf32, #tpu.memory_space<vmem>>) attributes {dimension_semantics = [#tpu.dimension_semantics<arbitrary>], iteration_bounds = array<i64: 8>, scalar_prefetch = 0 : i64, scratch_operands = 0 : i64, tpu.core_type = #tpu.core_type<tc>, window_params = [{}, {transform_indices = @transform_1, window_bounds = array<i64: 1, 512, 768>}, {transform_indices = @transform_2, window_bounds = array<i64: 1, 1, 512>}, {pipeline_mode = #tpu.pipeline_mode<synchronous>, transform_indices = @transform_3, window_bounds = array<i64: 512, 768>}, {pipeline_mode = #tpu.pipeline_mode<synchronous>, transform_indices = @transform_4, window_bounds = array<i64: 2, 768>}, {pipeline_mode = #tpu.pipeline_mode<synchronous>, transform_indices = @transform_5, window_bounds = array<i64: 768>}, {pipeline_mode = #tpu.pipeline_mode<synchronous>, transform_indices = @transform_6, window_bounds = array<i64: 768>}, {transform_indices = @transform_7, window_bounds = array<i64: 1, 512, 768>}]} {
    %get3A = arith.constant 0 : index
    %get3A_0 = arith.constant 0 : index
    %get3A_1 = arith.constant 0 : index
    %get3A_2 = vector.load %arg2[%get3A, %get3A_0, %get3A_1] : memref<1x512x768xf32, #tpu.memory_space<vmem>>, vector<1x512x768xf32>
    %get3A_3 = vector.shape_cast %get3A_2 : vector<1x512x768xf32> to vector<512x768xf32>
    %get3A_4 = arith.constant 0 : index
    %get3A_5 = arith.constant 0 : index
    %get3A_6 = arith.constant 0 : index
    %get3A_7 = vector.load %arg3[%get3A_4, %get3A_5, %get3A_6] : memref<1x1x512xi32, #tpu.memory_space<vmem>>, vector<1x1x512xi32>
    %get3A_8 = vector.shape_cast %get3A_7 : vector<1x1x512xi32> to vector<512xi32>
    %convert_element_type3A = arith.sitofp %get3A_8 : vector<512xi32> to vector<512xf32>
    %get3A_9 = arith.constant 0 : index
    %get3A_10 = arith.constant 0 : index
    %get3A_11 = vector.load %arg5[%get3A_9, %get3A_10] : memref<2x768xf32, #tpu.memory_space<vmem>>, vector<1x768xf32>
    %get3A_12 = vector.shape_cast %get3A_11 : vector<1x768xf32> to vector<768xf32>
    %get3A_13 = arith.constant 1 : index
    %get3A_14 = arith.constant 0 : index
    %get3A_15 = vector.load %arg5[%get3A_13, %get3A_14] : memref<2x768xf32, #tpu.memory_space<vmem>>, vector<1x768xf32>
    %get3A_16 = vector.shape_cast %get3A_15 : vector<1x768xf32> to vector<768xf32>
    %sub3A = arith.subf %get3A_16, %get3A_12 : vector<768xf32>
    %get3A_17 = arith.constant 0 : index
    %get3A_18 = arith.constant 0 : index
    %get3A_19 = vector.load %arg4[%get3A_17, %get3A_18] : memref<512x768xf32, #tpu.memory_space<vmem>>, vector<512x768xf32>
    %add3A = arith.addf %get3A_3, %get3A_19 : vector<512x768xf32>
    %broadcast_in_dim3A = vector.shape_cast %get3A_12 : vector<768xf32> to vector<1x768xf32>
    %add3A_20 = vector.broadcast %broadcast_in_dim3A : vector<1x768xf32> to vector<512x768xf32>
    %add3A_21 = arith.addf %add3A, %add3A_20 : vector<512x768xf32>
    %broadcast_in_dim3A_22 = vector.shape_cast %convert_element_type3A : vector<512xf32> to vector<512x1xf32>
    %broadcast_in_dim3A_23 = vector.shape_cast %sub3A : vector<768xf32> to vector<1x768xf32>
    %mul3A = vector.broadcast %broadcast_in_dim3A_22 : vector<512x1xf32> to vector<512x768xf32>
    %mul3A_24 = vector.broadcast %broadcast_in_dim3A_23 : vector<1x768xf32> to vector<512x768xf32>
    %mul3A_25 = arith.mulf %mul3A, %mul3A_24 : vector<512x768xf32>
    %add3A_26 = arith.addf %add3A_21, %mul3A_25 : vector<512x768xf32>
    %reduce_sum3A = arith.constant dense<0.000000e+00> : vector<512xf32>
    %reduce_sum3A_27 = vector.multi_reduction <add>, %add3A_26, %reduce_sum3A [1] : vector<512x768xf32> to vector<512xf32>
    %broadcast_in_dim3A_28 = vector.shape_cast %reduce_sum3A_27 : vector<512xf32> to vector<512x1xf32>
    %div3A = arith.constant 7.680000e+02 : f32
    %div3A_29 = vector.broadcast %div3A : f32 to vector<512x1xf32>
    %div3A_30 = arith.divf %broadcast_in_dim3A_28, %div3A_29 : vector<512x1xf32>
    %sub3A_31 = vector.broadcast %div3A_30 : vector<512x1xf32> to vector<512x768xf32>
    %sub3A_32 = arith.subf %add3A_26, %sub3A_31 : vector<512x768xf32>
    %mul3A_33 = arith.mulf %sub3A_32, %sub3A_32 : vector<512x768xf32>
    %reduce_sum3A_34 = arith.constant dense<0.000000e+00> : vector<512xf32>
    %reduce_sum3A_35 = vector.multi_reduction <add>, %mul3A_33, %reduce_sum3A_34 [1] : vector<512x768xf32> to vector<512xf32>
    %broadcast_in_dim3A_36 = vector.shape_cast %reduce_sum3A_35 : vector<512xf32> to vector<512x1xf32>
    %div3A_37 = arith.constant 7.680000e+02 : f32
    %div3A_38 = vector.broadcast %div3A_37 : f32 to vector<512x1xf32>
    %div3A_39 = arith.divf %broadcast_in_dim3A_36, %div3A_38 : vector<512x1xf32>
    %add3A_40 = arith.constant 9.99999996E-13 : f32
    %add3A_41 = vector.broadcast %add3A_40 : f32 to vector<512x1xf32>
    %add3A_42 = arith.addf %div3A_39, %add3A_41 : vector<512x1xf32>
    %rsqrt3A = math.rsqrt %add3A_42 : vector<512x1xf32>
    %mul3A_43 = vector.broadcast %rsqrt3A : vector<512x1xf32> to vector<512x768xf32>
    %mul3A_44 = arith.mulf %sub3A_32, %mul3A_43 : vector<512x768xf32>
    %get3A_45 = arith.constant 0 : index
    %get3A_46 = vector.load %arg6[%get3A_45] : memref<768xf32, #tpu.memory_space<vmem>>, vector<768xf32>
    %broadcast_in_dim3A_47 = vector.shape_cast %get3A_46 : vector<768xf32> to vector<1x768xf32>
    %mul3A_48 = vector.broadcast %broadcast_in_dim3A_47 : vector<1x768xf32> to vector<512x768xf32>
    %mul3A_49 = arith.mulf %mul3A_44, %mul3A_48 : vector<512x768xf32>
    %get3A_50 = arith.constant 0 : index
    %get3A_51 = vector.load %arg7[%get3A_50] : memref<768xf32, #tpu.memory_space<vmem>>, vector<768xf32>
    %broadcast_in_dim3A_52 = vector.shape_cast %get3A_51 : vector<768xf32> to vector<1x768xf32>
    %add3A_53 = vector.broadcast %broadcast_in_dim3A_52 : vector<1x768xf32> to vector<512x768xf32>
    %add3A_54 = arith.addf %mul3A_49, %add3A_53 : vector<512x768xf32>
    %swap3A = arith.constant 0 : index
    %swap3A_55 = arith.constant 0 : index
    %swap3A_56 = arith.constant 0 : index
    %swap3A_57 = vector.load %arg8[%swap3A, %swap3A_55, %swap3A_56] : memref<1x512x768xf32, #tpu.memory_space<vmem>>, vector<1x512x768xf32>
    %swap3A_58 = vector.shape_cast %swap3A_57 : vector<1x512x768xf32> to vector<512x768xf32>
    %swap3A_59 = vector.shape_cast %add3A_54 : vector<512x768xf32> to vector<1x512x768xf32>
    tpu.vector_store %arg8[%swap3A, %swap3A_55, %swap3A_56], %swap3A_59 {strides = array<i32>} : memref<1x512x768xf32, #tpu.memory_space<vmem>>, vector<1x512x768xf32>,
    return
  }
  func.func @transform_1(%arg0: i32) -> (i32, i32, i32) {
    %c0_i32 = arith.constant 0 : i32
    %c0_i32_0 = arith.constant 0 : i32
    %c0_i32_1 = arith.constant 0 : i32
    return %arg0, %c0_i32, %c0_i32_0 : i32, i32, i32
  }
  func.func @transform_2(%arg0: i32) -> (i32, i32, i32) {
    %add3A = arith.constant 8 : i32
    %add3A_0 = arith.addi %add3A, %arg0 : i32
    %c0_i32 = arith.constant 0 : i32
    %c0_i32_1 = arith.constant 0 : i32
    %c0_i32_2 = arith.constant 0 : i32
    return %add3A_0, %c0_i32, %c0_i32_1 : i32, i32, i32
  }
  func.func @transform_3(%arg0: i32) -> (i32, i32) {
    %c0_i32 = arith.constant 0 : i32
    %c0_i32_0 = arith.constant 0 : i32
    %c0_i32_1 = arith.constant 0 : i32
    return %c0_i32, %c0_i32_0 : i32, i32
  }
  func.func @transform_4(%arg0: i32) -> (i32, i32) {
    %c0_i32 = arith.constant 0 : i32
    %c0_i32_0 = arith.constant 0 : i32
    %c0_i32_1 = arith.constant 0 : i32
    return %c0_i32, %c0_i32_0 : i32, i32
  }
  func.func @transform_5(%arg0: i32) -> i32 {
    %c0_i32 = arith.constant 0 : i32
    %c0_i32_0 = arith.constant 0 : i32
    return %c0_i32 : i32
  }
  func.func @transform_6(%arg0: i32) -> i32 {
    %c0_i32 = arith.constant 0 : i32
    %c0_i32_0 = arith.constant 0 : i32
    return %c0_i32 : i32
  }
  func.func @transform_7(%arg0: i32) -> (i32, i32, i32) {
    %add3A = arith.constant 8 : i32
    %add3A_0 = arith.addi %add3A, %arg0 : i32
    %c0_i32 = arith.constant 0 : i32
    %c0_i32_1 = arith.constant 0 : i32
    %c0_i32_2 = arith.constant 0 : i32
    return %add3A_0, %c0_i32, %c0_i32_1 : i32, i32, i32
  }
}

module attributes {stable_mosaic.version = 14 : i64} {
  func.func @_ln_body(%arg0: i32, %arg1: memref<32x512x768xf32, #tpu.memory_space<any>>, %arg2: memref<1x512x768xf32, #tpu.memory_space<vmem>>, %arg3: memref<1x1x512xi32, #tpu.memory_space<vmem>>, %arg4: memref<512x768xf32, #tpu.memory_space<vmem>>, %arg5: memref<2x768xf32, #tpu.memory_space<vmem>>, %arg6: memref<768xf32, #tpu.memory_space<vmem>>, %arg7: memref<768xf32, #tpu.memory_space<vmem>>, %arg8: memref<1x512x768xf32, #tpu.memory_space<vmem>>) attributes {dimension_semantics = [#tpu.dimension_semantics<arbitrary>], iteration_bounds = array<i64: 8>, scalar_prefetch = 0 : i64, scratch_operands = 0 : i64, tpu.core_type = #tpu.core_type<tc>, window_params = [{}, {transform_indices = @transform_1, window_bounds = array<i64: 1, 512, 768>}, {transform_indices = @transform_2, window_bounds = array<i64: 1, 1, 512>}, {pipeline_mode = #tpu.pipeline_mode<synchronous>, transform_indices = @transform_3, window_bounds = array<i64: 512, 768>}, {pipeline_mode = #tpu.pipeline_mode<synchronous>, transform_indices = @transform_4, window_bounds = array<i64: 2, 768>}, {pipeline_mode = #tpu.pipeline_mode<synchronous>, transform_indices = @transform_5, window_bounds = array<i64: 768>}, {pipeline_mode = #tpu.pipeline_mode<synchronous>, transform_indices = @transform_6, window_bounds = array<i64: 768>}, {transform_indices = @transform_7, window_bounds = array<i64: 1, 512, 768>}]} {
    %get3A = arith.constant 0 : index
    %get3A_0 = arith.constant 0 : index
    %get3A_1 = arith.constant 0 : index
    %get3A_2 = vector.load %arg2[%get3A, %get3A_0, %get3A_1] : memref<1x512x768xf32, #tpu.memory_space<vmem>>, vector<1x512x768xf32>
    %get3A_3 = vector.shape_cast %get3A_2 : vector<1x512x768xf32> to vector<512x768xf32>
    %get3A_4 = arith.constant 0 : index
    %get3A_5 = arith.constant 0 : index
    %get3A_6 = arith.constant 0 : index
    %get3A_7 = vector.load %arg3[%get3A_4, %get3A_5, %get3A_6] : memref<1x1x512xi32, #tpu.memory_space<vmem>>, vector<1x1x512xi32>
    %get3A_8 = vector.shape_cast %get3A_7 : vector<1x1x512xi32> to vector<512xi32>
    %convert_element_type3A = arith.sitofp %get3A_8 : vector<512xi32> to vector<512xf32>
    %get3A_9 = arith.constant 0 : index
    %get3A_10 = arith.constant 0 : index
    %get3A_11 = vector.load %arg5[%get3A_9, %get3A_10] : memref<2x768xf32, #tpu.memory_space<vmem>>, vector<1x768xf32>
    %get3A_12 = vector.shape_cast %get3A_11 : vector<1x768xf32> to vector<768xf32>
    %get3A_13 = arith.constant 1 : index
    %get3A_14 = arith.constant 0 : index
    %get3A_15 = vector.load %arg5[%get3A_13, %get3A_14] : memref<2x768xf32, #tpu.memory_space<vmem>>, vector<1x768xf32>
    %get3A_16 = vector.shape_cast %get3A_15 : vector<1x768xf32> to vector<768xf32>
    %sub3A = arith.subf %get3A_16, %get3A_12 : vector<768xf32>
    %get3A_17 = arith.constant 0 : index
    %get3A_18 = arith.constant 0 : index
    %get3A_19 = vector.load %arg4[%get3A_17, %get3A_18] : memref<512x768xf32, #tpu.memory_space<vmem>>, vector<512x768xf32>
    %add3A = arith.addf %get3A_3, %get3A_19 : vector<512x768xf32>
    %broadcast_in_dim3A = vector.shape_cast %get3A_12 : vector<768xf32> to vector<1x768xf32>
    %add3A_20 = vector.broadcast %broadcast_in_dim3A : vector<1x768xf32> to vector<512x768xf32>
    %add3A_21 = arith.addf %add3A, %add3A_20 : vector<512x768xf32>
    %broadcast_in_dim3A_22 = vector.shape_cast %convert_element_type3A : vector<512xf32> to vector<512x1xf32>
    %broadcast_in_dim3A_23 = vector.shape_cast %sub3A : vector<768xf32> to vector<1x768xf32>
    %mul3A = vector.broadcast %broadcast_in_dim3A_22 : vector<512x1xf32> to vector<512x768xf32>
    %mul3A_24 = vector.broadcast %broadcast_in_dim3A_23 : vector<1x768xf32> to vector<512x768xf32>
    %mul3A_25 = arith.mulf %mul3A, %mul3A_24 : vector<512x768xf32>
    %add3A_26 = arith.addf %add3A_21, %mul3A_25 : vector<512x768xf32>
    %reduce_sum3A = arith.constant dense<0.000000e+00> : vector<512xf32>
    %reduce_sum3A_27 = vector.multi_reduction <add>, %add3A_26, %reduce_sum3A [1] : vector<512x768xf32> to vector<512xf32>
    %broadcast_in_dim3A_28 = vector.shape_cast %reduce_sum3A_27 : vector<512xf32> to vector<512x1xf32>
    %div3A = arith.constant 7.680000e+02 : f32
    %div3A_29 = vector.broadcast %div3A : f32 to vector<512x1xf32>
    %div3A_30 = arith.divf %broadcast_in_dim3A_28, %div3A_29 : vector<512x1xf32>
    %sub3A_31 = vector.broadcast %div3A_30 : vector<512x1xf32> to vector<512x768xf32>
    %sub3A_32 = arith.subf %add3A_26, %sub3A_31 : vector<512x768xf32>
    %mul3A_33 = arith.mulf %sub3A_32, %sub3A_32 : vector<512x768xf32>
    %reduce_sum3A_34 = arith.constant dense<0.000000e+00> : vector<512xf32>
    %reduce_sum3A_35 = vector.multi_reduction <add>, %mul3A_33, %reduce_sum3A_34 [1] : vector<512x768xf32> to vector<512xf32>
    %broadcast_in_dim3A_36 = vector.shape_cast %reduce_sum3A_35 : vector<512xf32> to vector<512x1xf32>
    %div3A_37 = arith.constant 7.680000e+02 : f32
    %div3A_38 = vector.broadcast %div3A_37 : f32 to vector<512x1xf32>
    %div3A_39 = arith.divf %broadcast_in_dim3A_36, %div3A_38 : vector<512x1xf32>
    %add3A_40 = arith.constant 9.99999996E-13 : f32
    %add3A_41 = vector.broadcast %add3A_40 : f32 to vector<512x1xf32>
    %add3A_42 = arith.addf %div3A_39, %add3A_41 : vector<512x1xf32>
    %rsqrt3A = math.rsqrt %add3A_42 : vector<512x1xf32>
    %mul3A_43 = vector.broadcast %rsqrt3A : vector<512x1xf32> to vector<512x768xf32>
    %mul3A_44 = arith.mulf %sub3A_32, %mul3A_43 : vector<512x768xf32>
    %get3A_45 = arith.constant 0 : index
    %get3A_46 = vector.load %arg6[%get3A_45] : memref<768xf32, #tpu.memory_space<vmem>>, vector<768xf32>
    %broadcast_in_dim3A_47 = vector.shape_cast %get3A_46 : vector<768xf32> to vector<1x768xf32>
    %mul3A_48 = vector.broadcast %broadcast_in_dim3A_47 : vector<1x768xf32> to vector<512x768xf32>
    %mul3A_49 = arith.mulf %mul3A_44, %mul3A_48 : vector<512x768xf32>
    %get3A_50 = arith.constant 0 : index
    %get3A_51 = vector.load %arg7[%get3A_50] : memref<768xf32, #tpu.memory_space<vmem>>, vector<768xf32>
    %broadcast_in_dim3A_52 = vector.shape_cast %get3A_51 : vector<768xf32> to vector<1x768xf32>
    %add3A_53 = vector.broadcast %broadcast_in_dim3A_52 : vector<1x768xf32> to vector<512x768xf32>
    %add3A_54 = arith.addf %mul3A_49, %add3A_53 : vector<512x768xf32>
    %swap3A = arith.constant 0 : index
    %swap3A_55 = arith.constant 0 : index
    %swap3A_56 = arith.constant 0 : index
    %swap3A_57 = vector.load %arg8[%swap3A, %swap3A_55, %swap3A_56] : memref<1x512x768xf32, #tpu.memory_space<vmem>>, vector<1x512x768xf32>
    %swap3A_58 = vector.shape_cast %swap3A_57 : vector<1x512x768xf32> to vector<512x768xf32>
    %swap3A_59 = vector.shape_cast %add3A_54 : vector<512x768xf32> to vector<1x512x768xf32>
    tpu.vector_store %arg8[%swap3A, %swap3A_55, %swap3A_56], %swap3A_59 {strides = array<i32>} : memref<1x512x768xf32, #tpu.memory_space<vmem>>, vector<1x512x768xf32>,
    return
  }
  func.func @transform_1(%arg0: i32) -> (i32, i32, i32) {
    %c0_i32 = arith.constant 0 : i32
    %c0_i32_0 = arith.constant 0 : i32
    %c0_i32_1 = arith.constant 0 : i32
    return %arg0, %c0_i32, %c0_i32_0 : i32, i32, i32
  }
  func.func @transform_2(%arg0: i32) -> (i32, i32, i32) {
    %add3A = arith.constant 24 : i32
    %add3A_0 = arith.addi %add3A, %arg0 : i32
    %c0_i32 = arith.constant 0 : i32
    %c0_i32_1 = arith.constant 0 : i32
    %c0_i32_2 = arith.constant 0 : i32
    return %add3A_0, %c0_i32, %c0_i32_1 : i32, i32, i32
  }
  func.func @transform_3(%arg0: i32) -> (i32, i32) {
    %c0_i32 = arith.constant 0 : i32
    %c0_i32_0 = arith.constant 0 : i32
    %c0_i32_1 = arith.constant 0 : i32
    return %c0_i32, %c0_i32_0 : i32, i32
  }
  func.func @transform_4(%arg0: i32) -> (i32, i32) {
    %c0_i32 = arith.constant 0 : i32
    %c0_i32_0 = arith.constant 0 : i32
    %c0_i32_1 = arith.constant 0 : i32
    return %c0_i32, %c0_i32_0 : i32, i32
  }
  func.func @transform_5(%arg0: i32) -> i32 {
    %c0_i32 = arith.constant 0 : i32
    %c0_i32_0 = arith.constant 0 : i32
    return %c0_i32 : i32
  }
  func.func @transform_6(%arg0: i32) -> i32 {
    %c0_i32 = arith.constant 0 : i32
    %c0_i32_0 = arith.constant 0 : i32
    return %c0_i32 : i32
  }
  func.func @transform_7(%arg0: i32) -> (i32, i32, i32) {
    %add3A = arith.constant 24 : i32
    %add3A_0 = arith.addi %add3A, %arg0 : i32
    %c0_i32 = arith.constant 0 : i32
    %c0_i32_1 = arith.constant 0 : i32
    %c0_i32_2 = arith.constant 0 : i32
    return %add3A_0, %c0_i32, %c0_i32_1 : i32, i32, i32
  }
}

module attributes {stable_mosaic.version = 14 : i64} {
  func.func @_ln_body_first(%arg0: i32, %arg1: memref<1x512x768xf32, #tpu.memory_space<vmem>>, %arg2: memref<1x1x512xi32, #tpu.memory_space<vmem>>, %arg3: memref<512x768xf32, #tpu.memory_space<vmem>>, %arg4: memref<2x768xf32, #tpu.memory_space<vmem>>, %arg5: memref<768xf32, #tpu.memory_space<vmem>>, %arg6: memref<768xf32, #tpu.memory_space<vmem>>, %arg7: memref<1x512x768xf32, #tpu.memory_space<vmem>>) attributes {dimension_semantics = [#tpu.dimension_semantics<arbitrary>], iteration_bounds = array<i64: 8>, scalar_prefetch = 0 : i64, scratch_operands = 0 : i64, tpu.core_type = #tpu.core_type<tc>, window_params = [{transform_indices = @transform_0, window_bounds = array<i64: 1, 512, 768>}, {transform_indices = @transform_1, window_bounds = array<i64: 1, 1, 512>}, {pipeline_mode = #tpu.pipeline_mode<synchronous>, transform_indices = @transform_2, window_bounds = array<i64: 512, 768>}, {pipeline_mode = #tpu.pipeline_mode<synchronous>, transform_indices = @transform_3, window_bounds = array<i64: 2, 768>}, {pipeline_mode = #tpu.pipeline_mode<synchronous>, transform_indices = @transform_4, window_bounds = array<i64: 768>}, {pipeline_mode = #tpu.pipeline_mode<synchronous>, transform_indices = @transform_5, window_bounds = array<i64: 768>}, {transform_indices = @transform_6, window_bounds = array<i64: 1, 512, 768>}]} {
    %get3A = arith.constant 0 : index
    %get3A_0 = arith.constant 0 : index
    %get3A_1 = arith.constant 0 : index
    %get3A_2 = vector.load %arg1[%get3A, %get3A_0, %get3A_1] : memref<1x512x768xf32, #tpu.memory_space<vmem>>, vector<1x512x768xf32>
    %get3A_3 = vector.shape_cast %get3A_2 : vector<1x512x768xf32> to vector<512x768xf32>
    %get3A_4 = arith.constant 0 : index
    %get3A_5 = arith.constant 0 : index
    %get3A_6 = arith.constant 0 : index
    %get3A_7 = vector.load %arg2[%get3A_4, %get3A_5, %get3A_6] : memref<1x1x512xi32, #tpu.memory_space<vmem>>, vector<1x1x512xi32>
    %get3A_8 = vector.shape_cast %get3A_7 : vector<1x1x512xi32> to vector<512xi32>
    %convert_element_type3A = arith.sitofp %get3A_8 : vector<512xi32> to vector<512xf32>
    %get3A_9 = arith.constant 0 : index
    %get3A_10 = arith.constant 0 : index
    %get3A_11 = vector.load %arg4[%get3A_9, %get3A_10] : memref<2x768xf32, #tpu.memory_space<vmem>>, vector<1x768xf32>
    %get3A_12 = vector.shape_cast %get3A_11 : vector<1x768xf32> to vector<768xf32>
    %get3A_13 = arith.constant 1 : index
    %get3A_14 = arith.constant 0 : index
    %get3A_15 = vector.load %arg4[%get3A_13, %get3A_14] : memref<2x768xf32, #tpu.memory_space<vmem>>, vector<1x768xf32>
    %get3A_16 = vector.shape_cast %get3A_15 : vector<1x768xf32> to vector<768xf32>
    %sub3A = arith.subf %get3A_16, %get3A_12 : vector<768xf32>
    %get3A_17 = arith.constant 0 : index
    %get3A_18 = arith.constant 0 : index
    %get3A_19 = vector.load %arg3[%get3A_17, %get3A_18] : memref<512x768xf32, #tpu.memory_space<vmem>>, vector<512x768xf32>
    %add3A = arith.addf %get3A_3, %get3A_19 : vector<512x768xf32>
    %broadcast_in_dim3A = vector.shape_cast %get3A_12 : vector<768xf32> to vector<1x768xf32>
    %add3A_20 = vector.broadcast %broadcast_in_dim3A : vector<1x768xf32> to vector<512x768xf32>
    %add3A_21 = arith.addf %add3A, %add3A_20 : vector<512x768xf32>
    %broadcast_in_dim3A_22 = vector.shape_cast %convert_element_type3A : vector<512xf32> to vector<512x1xf32>
    %broadcast_in_dim3A_23 = vector.shape_cast %sub3A : vector<768xf32> to vector<1x768xf32>
    %mul3A = vector.broadcast %broadcast_in_dim3A_22 : vector<512x1xf32> to vector<512x768xf32>
    %mul3A_24 = vector.broadcast %broadcast_in_dim3A_23 : vector<1x768xf32> to vector<512x768xf32>
    %mul3A_25 = arith.mulf %mul3A, %mul3A_24 : vector<512x768xf32>
    %add3A_26 = arith.addf %add3A_21, %mul3A_25 : vector<512x768xf32>
    %reduce_sum3A = arith.constant dense<0.000000e+00> : vector<512xf32>
    %reduce_sum3A_27 = vector.multi_reduction <add>, %add3A_26, %reduce_sum3A [1] : vector<512x768xf32> to vector<512xf32>
    %broadcast_in_dim3A_28 = vector.shape_cast %reduce_sum3A_27 : vector<512xf32> to vector<512x1xf32>
    %div3A = arith.constant 7.680000e+02 : f32
    %div3A_29 = vector.broadcast %div3A : f32 to vector<512x1xf32>
    %div3A_30 = arith.divf %broadcast_in_dim3A_28, %div3A_29 : vector<512x1xf32>
    %sub3A_31 = vector.broadcast %div3A_30 : vector<512x1xf32> to vector<512x768xf32>
    %sub3A_32 = arith.subf %add3A_26, %sub3A_31 : vector<512x768xf32>
    %mul3A_33 = arith.mulf %sub3A_32, %sub3A_32 : vector<512x768xf32>
    %reduce_sum3A_34 = arith.constant dense<0.000000e+00> : vector<512xf32>
    %reduce_sum3A_35 = vector.multi_reduction <add>, %mul3A_33, %reduce_sum3A_34 [1] : vector<512x768xf32> to vector<512xf32>
    %broadcast_in_dim3A_36 = vector.shape_cast %reduce_sum3A_35 : vector<512xf32> to vector<512x1xf32>
    %div3A_37 = arith.constant 7.680000e+02 : f32
    %div3A_38 = vector.broadcast %div3A_37 : f32 to vector<512x1xf32>
    %div3A_39 = arith.divf %broadcast_in_dim3A_36, %div3A_38 : vector<512x1xf32>
    %add3A_40 = arith.constant 9.99999996E-13 : f32
    %add3A_41 = vector.broadcast %add3A_40 : f32 to vector<512x1xf32>
    %add3A_42 = arith.addf %div3A_39, %add3A_41 : vector<512x1xf32>
    %rsqrt3A = math.rsqrt %add3A_42 : vector<512x1xf32>
    %mul3A_43 = vector.broadcast %rsqrt3A : vector<512x1xf32> to vector<512x768xf32>
    %mul3A_44 = arith.mulf %sub3A_32, %mul3A_43 : vector<512x768xf32>
    %get3A_45 = arith.constant 0 : index
    %get3A_46 = vector.load %arg5[%get3A_45] : memref<768xf32, #tpu.memory_space<vmem>>, vector<768xf32>
    %broadcast_in_dim3A_47 = vector.shape_cast %get3A_46 : vector<768xf32> to vector<1x768xf32>
    %mul3A_48 = vector.broadcast %broadcast_in_dim3A_47 : vector<1x768xf32> to vector<512x768xf32>
    %mul3A_49 = arith.mulf %mul3A_44, %mul3A_48 : vector<512x768xf32>
    %get3A_50 = arith.constant 0 : index
    %get3A_51 = vector.load %arg6[%get3A_50] : memref<768xf32, #tpu.memory_space<vmem>>, vector<768xf32>
    %broadcast_in_dim3A_52 = vector.shape_cast %get3A_51 : vector<768xf32> to vector<1x768xf32>
    %add3A_53 = vector.broadcast %broadcast_in_dim3A_52 : vector<1x768xf32> to vector<512x768xf32>
    %add3A_54 = arith.addf %mul3A_49, %add3A_53 : vector<512x768xf32>
    %swap3A = arith.constant 0 : index
    %swap3A_55 = arith.constant 0 : index
    %swap3A_56 = arith.constant 0 : index
    %swap3A_57 = vector.load %arg7[%swap3A, %swap3A_55, %swap3A_56] : memref<1x512x768xf32, #tpu.memory_space<vmem>>, vector<1x512x768xf32>
    %swap3A_58 = vector.shape_cast %swap3A_57 : vector<1x512x768xf32> to vector<512x768xf32>
    %swap3A_59 = vector.shape_cast %add3A_54 : vector<512x768xf32> to vector<1x512x768xf32>
    tpu.vector_store %arg7[%swap3A, %swap3A_55, %swap3A_56], %swap3A_59 {strides = array<i32>} : memref<1x512x768xf32, #tpu.memory_space<vmem>>, vector<1x512x768xf32>,
    return
  }
  func.func @transform_0(%arg0: i32) -> (i32, i32, i32) {
    %c0_i32 = arith.constant 0 : i32
    %c0_i32_0 = arith.constant 0 : i32
    %c0_i32_1 = arith.constant 0 : i32
    return %arg0, %c0_i32, %c0_i32_0 : i32, i32, i32
  }
  func.func @transform_1(%arg0: i32) -> (i32, i32, i32) {
    %add3A = arith.constant 0 : i32
    %add3A_0 = arith.addi %add3A, %arg0 : i32
    %c0_i32 = arith.constant 0 : i32
    %c0_i32_1 = arith.constant 0 : i32
    %c0_i32_2 = arith.constant 0 : i32
    return %add3A_0, %c0_i32, %c0_i32_1 : i32, i32, i32
  }
  func.func @transform_2(%arg0: i32) -> (i32, i32) {
    %c0_i32 = arith.constant 0 : i32
    %c0_i32_0 = arith.constant 0 : i32
    %c0_i32_1 = arith.constant 0 : i32
    return %c0_i32, %c0_i32_0 : i32, i32
  }
  func.func @transform_3(%arg0: i32) -> (i32, i32) {
    %c0_i32 = arith.constant 0 : i32
    %c0_i32_0 = arith.constant 0 : i32
    %c0_i32_1 = arith.constant 0 : i32
    return %c0_i32, %c0_i32_0 : i32, i32
  }
  func.func @transform_4(%arg0: i32) -> i32 {
    %c0_i32 = arith.constant 0 : i32
    %c0_i32_0 = arith.constant 0 : i32
    return %c0_i32 : i32
  }
  func.func @transform_5(%arg0: i32) -> i32 {
    %c0_i32 = arith.constant 0 : i32
    %c0_i32_0 = arith.constant 0 : i32
    return %c0_i32 : i32
  }
  func.func @transform_6(%arg0: i32) -> (i32, i32, i32) {
    %add3A = arith.constant 0 : i32
    %add3A_0 = arith.addi %add3A, %arg0 : i32
    %c0_i32 = arith.constant 0 : i32
    %c0_i32_1 = arith.constant 0 : i32
    %c0_i32_2 = arith.constant 0 : i32
    return %add3A_0, %c0_i32, %c0_i32_1 : i32, i32, i32
  }
}

module attributes {stable_mosaic.version = 14 : i64} {
  func.func @_ln_body(%arg0: i32, %arg1: memref<32x512x768xf32, #tpu.memory_space<any>>, %arg2: memref<1x512x768xf32, #tpu.memory_space<vmem>>, %arg3: memref<1x1x512xi32, #tpu.memory_space<vmem>>, %arg4: memref<512x768xf32, #tpu.memory_space<vmem>>, %arg5: memref<2x768xf32, #tpu.memory_space<vmem>>, %arg6: memref<768xf32, #tpu.memory_space<vmem>>, %arg7: memref<768xf32, #tpu.memory_space<vmem>>, %arg8: memref<1x512x768xf32, #tpu.memory_space<vmem>>) attributes {dimension_semantics = [#tpu.dimension_semantics<arbitrary>], iteration_bounds = array<i64: 8>, scalar_prefetch = 0 : i64, scratch_operands = 0 : i64, tpu.core_type = #tpu.core_type<tc>, window_params = [{}, {transform_indices = @transform_1, window_bounds = array<i64: 1, 512, 768>}, {transform_indices = @transform_2, window_bounds = array<i64: 1, 1, 512>}, {pipeline_mode = #tpu.pipeline_mode<synchronous>, transform_indices = @transform_3, window_bounds = array<i64: 512, 768>}, {pipeline_mode = #tpu.pipeline_mode<synchronous>, transform_indices = @transform_4, window_bounds = array<i64: 2, 768>}, {pipeline_mode = #tpu.pipeline_mode<synchronous>, transform_indices = @transform_5, window_bounds = array<i64: 768>}, {pipeline_mode = #tpu.pipeline_mode<synchronous>, transform_indices = @transform_6, window_bounds = array<i64: 768>}, {transform_indices = @transform_7, window_bounds = array<i64: 1, 512, 768>}]} {
    %get3A = arith.constant 0 : index
    %get3A_0 = arith.constant 0 : index
    %get3A_1 = arith.constant 0 : index
    %get3A_2 = vector.load %arg2[%get3A, %get3A_0, %get3A_1] : memref<1x512x768xf32, #tpu.memory_space<vmem>>, vector<1x512x768xf32>
    %get3A_3 = vector.shape_cast %get3A_2 : vector<1x512x768xf32> to vector<512x768xf32>
    %get3A_4 = arith.constant 0 : index
    %get3A_5 = arith.constant 0 : index
    %get3A_6 = arith.constant 0 : index
    %get3A_7 = vector.load %arg3[%get3A_4, %get3A_5, %get3A_6] : memref<1x1x512xi32, #tpu.memory_space<vmem>>, vector<1x1x512xi32>
    %get3A_8 = vector.shape_cast %get3A_7 : vector<1x1x512xi32> to vector<512xi32>
    %convert_element_type3A = arith.sitofp %get3A_8 : vector<512xi32> to vector<512xf32>
    %get3A_9 = arith.constant 0 : index
    %get3A_10 = arith.constant 0 : index
    %get3A_11 = vector.load %arg5[%get3A_9, %get3A_10] : memref<2x768xf32, #tpu.memory_space<vmem>>, vector<1x768xf32>
    %get3A_12 = vector.shape_cast %get3A_11 : vector<1x768xf32> to vector<768xf32>
    %get3A_13 = arith.constant 1 : index
    %get3A_14 = arith.constant 0 : index
    %get3A_15 = vector.load %arg5[%get3A_13, %get3A_14] : memref<2x768xf32, #tpu.memory_space<vmem>>, vector<1x768xf32>
    %get3A_16 = vector.shape_cast %get3A_15 : vector<1x768xf32> to vector<768xf32>
    %sub3A = arith.subf %get3A_16, %get3A_12 : vector<768xf32>
    %get3A_17 = arith.constant 0 : index
    %get3A_18 = arith.constant 0 : index
    %get3A_19 = vector.load %arg4[%get3A_17, %get3A_18] : memref<512x768xf32, #tpu.memory_space<vmem>>, vector<512x768xf32>
    %add3A = arith.addf %get3A_3, %get3A_19 : vector<512x768xf32>
    %broadcast_in_dim3A = vector.shape_cast %get3A_12 : vector<768xf32> to vector<1x768xf32>
    %add3A_20 = vector.broadcast %broadcast_in_dim3A : vector<1x768xf32> to vector<512x768xf32>
    %add3A_21 = arith.addf %add3A, %add3A_20 : vector<512x768xf32>
    %broadcast_in_dim3A_22 = vector.shape_cast %convert_element_type3A : vector<512xf32> to vector<512x1xf32>
    %broadcast_in_dim3A_23 = vector.shape_cast %sub3A : vector<768xf32> to vector<1x768xf32>
    %mul3A = vector.broadcast %broadcast_in_dim3A_22 : vector<512x1xf32> to vector<512x768xf32>
    %mul3A_24 = vector.broadcast %broadcast_in_dim3A_23 : vector<1x768xf32> to vector<512x768xf32>
    %mul3A_25 = arith.mulf %mul3A, %mul3A_24 : vector<512x768xf32>
    %add3A_26 = arith.addf %add3A_21, %mul3A_25 : vector<512x768xf32>
    %reduce_sum3A = arith.constant dense<0.000000e+00> : vector<512xf32>
    %reduce_sum3A_27 = vector.multi_reduction <add>, %add3A_26, %reduce_sum3A [1] : vector<512x768xf32> to vector<512xf32>
    %broadcast_in_dim3A_28 = vector.shape_cast %reduce_sum3A_27 : vector<512xf32> to vector<512x1xf32>
    %div3A = arith.constant 7.680000e+02 : f32
    %div3A_29 = vector.broadcast %div3A : f32 to vector<512x1xf32>
    %div3A_30 = arith.divf %broadcast_in_dim3A_28, %div3A_29 : vector<512x1xf32>
    %sub3A_31 = vector.broadcast %div3A_30 : vector<512x1xf32> to vector<512x768xf32>
    %sub3A_32 = arith.subf %add3A_26, %sub3A_31 : vector<512x768xf32>
    %mul3A_33 = arith.mulf %sub3A_32, %sub3A_32 : vector<512x768xf32>
    %reduce_sum3A_34 = arith.constant dense<0.000000e+00> : vector<512xf32>
    %reduce_sum3A_35 = vector.multi_reduction <add>, %mul3A_33, %reduce_sum3A_34 [1] : vector<512x768xf32> to vector<512xf32>
    %broadcast_in_dim3A_36 = vector.shape_cast %reduce_sum3A_35 : vector<512xf32> to vector<512x1xf32>
    %div3A_37 = arith.constant 7.680000e+02 : f32
    %div3A_38 = vector.broadcast %div3A_37 : f32 to vector<512x1xf32>
    %div3A_39 = arith.divf %broadcast_in_dim3A_36, %div3A_38 : vector<512x1xf32>
    %add3A_40 = arith.constant 9.99999996E-13 : f32
    %add3A_41 = vector.broadcast %add3A_40 : f32 to vector<512x1xf32>
    %add3A_42 = arith.addf %div3A_39, %add3A_41 : vector<512x1xf32>
    %rsqrt3A = math.rsqrt %add3A_42 : vector<512x1xf32>
    %mul3A_43 = vector.broadcast %rsqrt3A : vector<512x1xf32> to vector<512x768xf32>
    %mul3A_44 = arith.mulf %sub3A_32, %mul3A_43 : vector<512x768xf32>
    %get3A_45 = arith.constant 0 : index
    %get3A_46 = vector.load %arg6[%get3A_45] : memref<768xf32, #tpu.memory_space<vmem>>, vector<768xf32>
    %broadcast_in_dim3A_47 = vector.shape_cast %get3A_46 : vector<768xf32> to vector<1x768xf32>
    %mul3A_48 = vector.broadcast %broadcast_in_dim3A_47 : vector<1x768xf32> to vector<512x768xf32>
    %mul3A_49 = arith.mulf %mul3A_44, %mul3A_48 : vector<512x768xf32>
    %get3A_50 = arith.constant 0 : index
    %get3A_51 = vector.load %arg7[%get3A_50] : memref<768xf32, #tpu.memory_space<vmem>>, vector<768xf32>
    %broadcast_in_dim3A_52 = vector.shape_cast %get3A_51 : vector<768xf32> to vector<1x768xf32>
    %add3A_53 = vector.broadcast %broadcast_in_dim3A_52 : vector<1x768xf32> to vector<512x768xf32>
    %add3A_54 = arith.addf %mul3A_49, %add3A_53 : vector<512x768xf32>
    %swap3A = arith.constant 0 : index
    %swap3A_55 = arith.constant 0 : index
    %swap3A_56 = arith.constant 0 : index
    %swap3A_57 = vector.load %arg8[%swap3A, %swap3A_55, %swap3A_56] : memref<1x512x768xf32, #tpu.memory_space<vmem>>, vector<1x512x768xf32>
    %swap3A_58 = vector.shape_cast %swap3A_57 : vector<1x512x768xf32> to vector<512x768xf32>
    %swap3A_59 = vector.shape_cast %add3A_54 : vector<512x768xf32> to vector<1x512x768xf32>
    tpu.vector_store %arg8[%swap3A, %swap3A_55, %swap3A_56], %swap3A_59 {strides = array<i32>} : memref<1x512x768xf32, #tpu.memory_space<vmem>>, vector<1x512x768xf32>,
    return
  }
  func.func @transform_1(%arg0: i32) -> (i32, i32, i32) {
    %c0_i32 = arith.constant 0 : i32
    %c0_i32_0 = arith.constant 0 : i32
    %c0_i32_1 = arith.constant 0 : i32
    return %arg0, %c0_i32, %c0_i32_0 : i32, i32, i32
  }
  func.func @transform_2(%arg0: i32) -> (i32, i32, i32) {
    %add3A = arith.constant 16 : i32
    %add3A_0 = arith.addi %add3A, %arg0 : i32
    %c0_i32 = arith.constant 0 : i32
    %c0_i32_1 = arith.constant 0 : i32
    %c0_i32_2 = arith.constant 0 : i32
    return %add3A_0, %c0_i32, %c0_i32_1 : i32, i32, i32
  }
  func.func @transform_3(%arg0: i32) -> (i32, i32) {
    %c0_i32 = arith.constant 0 : i32
    %c0_i32_0 = arith.constant 0 : i32
    %c0_i32_1 = arith.constant 0 : i32
    return %c0_i32, %c0_i32_0 : i32, i32
  }
  func.func @transform_4(%arg0: i32) -> (i32, i32) {
    %c0_i32 = arith.constant 0 : i32
    %c0_i32_0 = arith.constant 0 : i32
    %c0_i32_1 = arith.constant 0 : i32
    return %c0_i32, %c0_i32_0 : i32, i32
  }
  func.func @transform_5(%arg0: i32) -> i32 {
    %c0_i32 = arith.constant 0 : i32
    %c0_i32_0 = arith.constant 0 : i32
    return %c0_i32 : i32
  }
  func.func @transform_6(%arg0: i32) -> i32 {
    %c0_i32 = arith.constant 0 : i32
    %c0_i32_0 = arith.constant 0 : i32
    return %c0_i32 : i32
  }
  func.func @transform_7(%arg0: i32) -> (i32, i32, i32) {
    %add3A = arith.constant 16 : i32
    %add3A_0 = arith.addi %add3A, %arg0 : i32
    %c0_i32 = arith.constant 0 : i32
    %c0_i32_1 = arith.constant 0 : i32
    %c0_i32_2 = arith.constant 0 : i32
    return %add3A_0, %c0_i32, %c0_i32_1 : i32, i32, i32
  }
}

</mosaic_0001>

<sc_bundles>
// kernel: kernel.10.cloned.1.call-start
scs
__scs_entry_jumppad:
0x0: {  	(pc) =	sbr.rel $0x88, $3  }
0x1: {  	(tag) =	ssettag $0x0;
	lr =	simm.s32 $0x1  }
0x2: {  	[smem:$0x3F9A] =	sst lr;
	_ =	strace $0xD0000000  }
0x3: {  	_ = 	snop  }
0x4: {  	_ = 	snop  }
0x5: {  	_ = 	snop  }
0x6: {  	_ = 	snop  }
0x7: {  	_ = 	snop  }
__scs_overlays_trampoline_lowered:
0x8: {  	[smem:$0x3FA9] =	sst s0  }
0x9: {  	[smem:$0x3FAA] =	sst s1  }
0xa: {  	[smem:$0x3FAB] =	sst s2  }
0xb: {  	[smem:$0x3FAC] =	sst s3  }
0xc: {  	[smem:$0x3FAD] =	sst s4  }
0xd: {  	[smem:$0x3FAE] =	sst s5  }
0xe: {  	[smem:$0x3FAF] =	sst s6  }
0xf: {  	[smem:$0x3FB0] =	sst s7  }
0x10: {  	[smem:$0x3FB1] =	sst s8  }
0x11: {  	[smem:$0x3FB2] =	sst s9;
	s0 =	simm.s32 @!p0 $0x0  }
0x12: {  	s1 =	sld [smem:$0x3F98];
	s0 =	simm.s32 @p0 $0x1  }
0x13: {  	[smem:$0x3FB3] =	sst s0;
	s0 =	simm.s32 @!p1 $0x0  }
0x14: {  	s2 =	sld [smem:$0x3F97];
	s0 =	simm.s32 @p1 $0x1  }
0x15: {  	[smem:$0x3FB4] =	sst s0;
	s0 =	simm.s32 @!p2 $0x0  }
0x16: {  	s3 =	sld [smem:$0x3FDB];
	s0 =	simm.s32 @p2 $0x1  }
0x17: {  	s4 =	simm.s32 $0x1BF5;
	[smem:$0x3FB6] =	sst s0  }
0x18: {  	s0 =	sld [smem:$0x3F99];
	_ =	swait.ge [sflag:s4], $0x0  }
0x19: {  	s7 =	sld [smem:$0x3F9A]  }
0x1a: {  	s8 =	sadd.s32 $0xFFFFE003, lr  }
0x1b: {  	s9 =	sadd.s32 $0xFFFFFEF7, lr;
	s5 =	simm.s32 $0xFFFFFFFF;
	p2 =	slt.u32 s8, $0xFFFFF086  }
0x1c: {  	p1 =	slt.u32 s9, $0xF7A;
	s5 =	simm.s32 @!p2 $0x0  }
0x1d: {  	s5 =	simm.s32 @p1 $0x1;
	p0 =	seq.s32 s7, s2  }
0x1e: {  	s7 =	smul.u32 @!p0 $0xF7A, s2;
	p2 =	seq.s32 @!p0 s5, $0x0  }
0x1f: {  	s9 =	smul.u32 $0xF7A, s1;
	s8 =	simm.s32 @!p0 $0x1BF5;
	p2 =	por !p2, p0  }
0x20: {  	[sflag:s8] =	ssyncset.s32 @!p0 $0xFFFFF086;
	s6 =	sadd.s32 @!p0 s3, s7;
	s7 =	simm.s32 @!p0 $0x108  }
0x21: {  	s3 =	sadd.s32 s3, s9;
	s6 =	sadd.s32 @!p0 $0x88, s6;
	s7 =	simm.s32 @p2 $0x1082  }
0x22: {  	[simem:s7], [sflag:s8] =	dma.local @!p0 [hbm:s6], $0xF7A  }
0x23: {  	s9 =	sor.u32 $0xD0000000, s2;
	s6 =	simm.s32 $0x108;
	_ =	swait.ge @!p0 [sflag:s8], $0x0  }
0x24: {  	s3 =	sadd.s32 $0x88, s3;
	s6 =	simm.s32 @!p1 $0x1082;
	[sflag:s4] =	ssyncset.s32 $0xFFFFF086  }
0x25: {  	[simem:s6], [sflag:s4] =	dma.local [hbm:s3], $0xF7A  }
0x26: {  	[smem:$0x3F9A] =	sst s1;
	(tag) =	ssettag s2;
	_ =	strace s9  }
0x27: {  	s1 =	sld [smem:$0x3FAA]  }
0x28: {  	s2 =	sld [smem:$0x3FAB]  }
0x29: {  	s4 =	sld [smem:$0x3FAD]  }
0x2a: {  	p0 =	seq.s32 s5, $0x0;
	s5 =	sld [smem:$0x3FAE]  }
0x2b: {  	s6 =	sld [smem:$0x3FAF]  }
0x2c: {  	s7 =	sld [smem:$0x3FB0]  }
0x2d: {  	s3 =	simm.s32 $0x108;
	s8 =	sld [smem:$0x3FB1]  }
0x2e: {  	s3 =	simm.s32 @!p0 $0x1082;
	s9 =	sld [smem:$0x3FB2]  }
0x2f: {  	lr =	sadd.s32 s0, s3;
	s0 =	sld [smem:$0x3FA9]  }
0x30: {  	s3 =	sld [smem:$0x3FAC]  }
0x31: {  	[smem:$0x3FB5] =	sst s10  }
0x32: {  	s10 =	sld [smem:$0x3FB3];
	_ =	sdelay $0x3  }
0x33: {  	p0 =	seq.s32 s10, $0x1;
	s10 =	sld [smem:$0x3FB5];
	_ =	sdelay $0x3  }
0x34: {  	[smem:$0x3FB5] =	sst s10  }
0x35: {  	s10 =	sld [smem:$0x3FB4];
	_ =	sdelay $0x3  }
0x36: {  	p1 =	seq.s32 s10, $0x1;
	s10 =	sld [smem:$0x3FB5];
	_ =	sdelay $0x3  }
0x37: {  	[smem:$0x3FB5] =	sst s10  }
0x38: {  	s10 =	sld [smem:$0x3FB6]  }
0x39: {  	_ = 	snop;
	(pc) =	sbr.ind lr, $3  }
0x3a: {  	_ = 	snop  }
0x3b: {  	_ = 	snop  }
0x3c: {  	p2 =	seq.s32 s10, $0x1;
	s10 =	sld [smem:$0x3FB5]  }
0x3d: {  	_ =	shalt  }
0x3e: {  	_ =	shalt  }
0x3f: {  	_ =	shalt  }
0x40: {  	_ =	shalt  }
0x41: {  	_ =	shalt  }
0x42: {  	_ =	shalt  }
0x43: {  	_ =	shalt  }
0x44: {  	_ =	shalt  }
0x45: {  	_ =	shalt  }
0x46: {  	_ =	shalt  }
0x47: {  	_ =	shalt  }
0x48: {  	_ =	shalt  }
0x49: {  	_ =	shalt  }
0x4a: {  	_ =	shalt  }
0x4b: {  	_ =	shalt  }
0x4c: {  	_ =	shalt  }
0x4d: {  	_ =	shalt  }
0x4e: {  	_ =	shalt  }
0x4f: {  	_ =	shalt  }
0x50: {  	_ =	shalt  }
0x51: {  	_ =	shalt  }
0x52: {  	_ =	shalt  }
0x53: {  	_ =	shalt  }
0x54: {  	_ =	shalt  }
0x55: {  	_ =	shalt  }
0x56: {  	_ =	shalt  }
0x57: {  	_ =	shalt  }
0x58: {  	_ =	shalt  }
0x59: {  	_ =	shalt  }
0x5a: {  	_ =	shalt  }
0x5b: {  	_ =	shalt  }
0x5c: {  	_ =	shalt  }
0x5d: {  	_ =	shalt  }
0x5e: {  	_ =	shalt  }
0x5f: {  	_ =	shalt  }
0x60: {  	_ =	shalt  }
0x61: {  	_ =	shalt  }
0x62: {  	_ =	shalt  }
0x63: {  	_ =	shalt  }
0x64: {  	_ =	shalt  }
0x65: {  	_ =	shalt  }
0x66: {  	_ =	shalt  }
0x67: {  	_ =	shalt  }
0x68: {  	_ =	shalt  }
0x69: {  	_ =	shalt  }
0x6a: {  	_ =	shalt  }
0x6b: {  	_ =	shalt  }
0x6c: {  	_ =	shalt  }
0x6d: {  	_ =	shalt  }
0x6e: {  	_ =	shalt  }
0x6f: {  	_ =	shalt  }
0x70: {  	_ =	shalt  }
0x71: {  	_ =	shalt  }
0x72: {  	_ =	shalt  }
0x73: {  	_ =	shalt  }
0x74: {  	_ =	shalt  }
0x75: {  	_ =	shalt  }
0x76: {  	_ =	shalt  }
0x77: {  	_ =	shalt  }
0x78: {  	_ =	shalt  }
0x79: {  	_ =	shalt  }
0x7a: {  	_ =	shalt  }
0x7b: {  	_ =	shalt  }
0x7c: {  	_ =	shalt  }
0x7d: {  	_ =	shalt  }
0x7e: {  	_ =	shalt  }
0x7f: {  	_ =	shalt  }
0x80: {  	_ =	shalt  }
0x81: {  	_ =	shalt  }
0x82: {  	_ =	shalt  }
0x83: {  	_ =	shalt  }
0x84: {  	_ =	shalt  }
0x85: {  	_ =	shalt  }
0x86: {  	_ =	shalt  }
0x87: {  	_ =	shalt  }
.Lfunc_end0:
.L_simem_size_0:
called_computation_lowered:
.L_overlay_start_0:
0x88: {  	s2 =	sld [smem:$0x3FD9]  }
0x89: {  	s3 =	sld [smem:$0x3FFE];
	_ =	sdelay $0x1  }
0x8a: {  	s1 =	srdreg.scid  }
0x8b: {  	s0 =	sand.u32 $0x1, s1  }
0x8c: {  	s17 =	sshll.u32 s0, $0xA;
	s2 =	sadd.s32 s3, s2  }
0x8d: {  	s2 =	sadd.s32 s2, s17  }
0x8e: {  	[smem:$0x3FC1] =	sst s2  }
0x8f: {  	_ = 	snop  }
0x90: {  	s2 =	sld [smem:$0x3FC7]  }
0x91: {  	s18 =	sld [smem:$0x3FD0];
	(tm) =	ssettm $0x1  }
0x92: {  	s4 =	sld [smem:$0x3FFB];
	_ =	sdelay $0x3  }
0x93: {  	_ =	strace s4  }
0x94: {  	s4 =	sld [smem:$0x3FFC];
	_ =	sdelay $0x3  }
0x95: {  	_ =	strace s4  }
0x96: {  	s4 =	sld [smem:$0x3FFD];
	_ =	sdelay $0x3  }
0x97: {  	_ =	strace s4  }
0x98: {  	_ =	strace $0x8FFFFFFF  }
0x99: {  	s19 =	sld [smem:$0x3FDB];
	_ =	sdelay $0x1  }
0x9a: {  	s5 =	simm.s32 $_scs_section_size  }
0x9b: {  	s6 =	simm.s32 $_size__tile_overlayer_lowered;
	s7 =	simm.s32 $_tile_overlayer_lowered  }
0x9c: {  	s22 =	simm.s32 $0x1BFF;
	s21 =	sshll.u32 s7, $0x1;
	s4 =	sadd.s32 s5, s19  }
0x9d: {  	s8 =	simm.s32 $0x0;
	s20 =	sshll.u32 s6, $0x1;
	s6 =	sadd.s32 s21, s4  }
0x9e: {  	[timem:s8], [sflag:s22] =	dma.local [hbm:s6], s20  }
0x9f: {  	_ =	swait.ge [sflag:s22], s20  }
0xa0: {  	s5 =	ssub.s32 $0x0, s20;
	[sflag:s22] =	ssyncset.done $0x0  }
0xa1: {  	[sflag:s22] =	ssyncadd.s32 s5;
	_ =	sdelay $0x1  }
0xa2: {  	s23 =	simm.s32 $0x1B8B  }
0xa3: {  	_ =	swait.ge [sflag:s23], $0x1  }
0xa4: {  	[sflag:s23] =	ssyncset.done $0x0  }
0xa5: {  	s25 =	simm.s32 $0x1B8E;
	s24 =	sld [smem:$0x3FFE];
	[sflag:s23] =	ssyncadd.s32 $0xFFFFFFFF  }
0xa6: {  	s26 =	simm.s32 $execute0_lowered;
	[smem:$0x3FD2] =	sst s25  }
0xa7: {  	s6 =	sshll.u32 s26, $0x1;
	_ =	strace $0x80000046;
	[dreg:$0x1] =	wrdreg $0xFFFFFFFF  }
0xa8: {  	s28 =	simm.s32 $_size_execute0_lowered;
	s4 =	sadd.s32 s4, s6;
	[dreg:$0x0] =	wrdreg $0x0  }
0xa9: {  	s6 =	sshll.u32 s28, $0x1;
	[dreg:$0x2] =	wrdreg s4  }
0xaa: {  	[dreg:$0x3] =	wrdreg s6  }
0xab: {  	[dreg:$0x4] =	wrdreg $0xC0  }
0xac: {  	_ =	task [dreg:s8], $0x5FFFF  }
0xad: {  	[dreg:$0x1] =	wrdreg $0xFFFFFFFF  }
0xae: {  	[dreg:$0x0] =	wrdreg $0x60  }
0xaf: {  	[dreg:$0x2] =	wrdreg s2  }
0xb0: {  	[dreg:$0x3] =	wrdreg s24  }
0xb1: {  	[dreg:$0x4] =	wrdreg s18  }
0xb2: {  	[dreg:$0x5] =	wrdreg $0x9  }
0xb3: {  	_ =	task.clear_ibuf [dreg:s8], $0x6FFFF;
	_ =	strace $0x90000046  }
0xb4: {  	s29 =	simm.s32 $0x9;
	_ =	strace $0x80000048  }
0xb5: {  	_ =	swait.ge [sflag:s29], $0x1  }
0xb6: {  	[sflag:s29] =	ssyncadd.s32 $0xFFFFFFFF  }
0xb7: {  	_ =	strace $0x90000048  }
0xb8: {  	_ =	sfence  }
0xb9: {  	s30 =	sld [smem:$0x0];
	_ =	sdelay $0x2  }
0xba: {  	s31 =	sshll.u32 s1, $0xD;
	s1 =	sshrl.u32 s1, $0x2  }
0xbb: {  	s3 =	sand.u32 $0x4000, s31;
	s1 =	sadd.s32 s1, s30  }
0xbc: {  	s0 =	sor.u32 s3, s0;
	s1 =	sshll.u32 s1, $0x11  }
0xbd: {  	s0 =	sor.u32 s1, s0  }
0xbe: {  	s0 =	sadd.s32 $0x8F2B, s0  }
0xbf: {  	[sflag:s0] =	ssyncadd.remote.s32 $0x1  }
0xc0: {  	_ =	sfence.sel $0xFFFF  }
0xc1: {  	[dreg:$0x0] =	wrdreg $0xFFFFFFFF;
	(pc) =	sbr.abs _section_cstart, $3  }
0xc2: {  	[dreg:$0x1] =	wrdreg $0xFFFFFFFF  }
0xc3: {  	_ =	task.clear_ibuf [dreg:s8], $0x2FFFF;
	_ =	strace $0x9FFFFFFF  }
0xc4: {  	(tm) =	ssettm $0x7FFFFFFF  }
0xc5: {  	_ =	shalt  }
tec
execute0_lowered:
.L_overlay_start_1:
0x0: {  	(tag) =	ssettag $0x1  }
0x1: {  	s2 =	srdreg.scid  }
0x2: {  	s1 =	rddreg [dreg:$0x0];
	s0 =	stileid.u32;
	s2 =	sand.u32 $0x1, s2  }
0x3: {  	s4 =	rddreg [dreg:$0x1];
	s3 =	sshll.u32 s0, $0x5;
	s5 =	sshll.u32 s2, $0x4  }
0x4: {  	s6 =	rddreg [dreg:$0x2];
	s5 =	sor.u32 s5, s3;
	s3 =	simm.s32 $0x0  }
0x5: {  	s21 =	simm.s32 $0x880;
	[smem:$0x7FF] =	sst s3  }
0x6: {  	s22 =	simm.s32 $0x1080;
	_ =	strace $0x80000047;
	[dreg:$0x6] =	wrdreg s21  }
0x7: {  	s23 =	simm.s32 $0x1880;
	[dreg:$0x7] =	wrdreg s22  }
0x8: {  	s24 =	simm.s32 $0x2080;
	[dreg:$0x8] =	wrdreg s23  }
0x9: {  	s25 =	simm.s32 $0x2880;
	[dreg:$0x9] =	wrdreg s24  }
0xa: {  	s26 =	simm.s32 $0x3080;
	[dreg:$0xa] =	wrdreg s25  }
0xb: {  	s0 =	simm.s32 $0x3880;
	[dreg:$0xb] =	wrdreg s26  }
0xc: {  	s8 =	simm.s32 $0x5080;
	[dreg:$0xc] =	wrdreg s0  }
0xd: {  	s9 =	simm.s32 $0x5880;
	[dreg:$0xf] =	wrdreg s8  }
0xe: {  	s10 =	simm.s32 $0x6080;
	[dreg:$0x10] =	wrdreg s9  }
0xf: {  	s11 =	simm.s32 $0x6880;
	[dreg:$0x11] =	wrdreg s10  }
0x10: {  	s12 =	simm.s32 $0x7080;
	[dreg:$0x12] =	wrdreg s11  }
0x11: {  	s13 =	simm.s32 $0x7880;
	s14 =	simm.s32 $0x8080;
	[dreg:$0x13] =	wrdreg s12  }
0x12: {  	s15 =	simm.s32 $0x8880;
	s16 =	simm.s32 $0x9080;
	[dreg:$0x14] =	wrdreg s13  }
0x13: {  	s17 =	simm.s32 $0x9880;
	s18 =	simm.s32 $0xA080;
	[dreg:$0x15] =	wrdreg s14  }
0x14: {  	s19 =	simm.s32 $0xA880;
	s28 =	simm.s32 $0x17080;
	[dreg:$0x16] =	wrdreg s15  }
0x15: {  	s29 =	simm.s32 $0x17880;
	s30 =	simm.s32 $0x1;
	[dreg:$0x17] =	wrdreg s16  }
0x16: {  	s31 =	simm.s32 $0x4;
	s2 =	ssub.s32 $0x2, s2;
	[dreg:$0x18] =	wrdreg s17  }
0x17: {  	s7 =	smul.u32 $0x300, s5;
	s4 =	sadd.s32 s5, s4;
	[dreg:$0x19] =	wrdreg s18  }
0x18: {  	s5 =	sadd.s32 $0x2200, s4;
	[dreg:$0x1a] =	wrdreg s19;
	s21 =	sshrl.u32 s2, $0x1  }
0x19: {  	s22 =	simm.s32 $0xB880;
	s23 =	simm.s32 $0xC880;
	s24 =	simm.s32 $0xD080  }
0x1a: {  	s8 =	simm.s32 $0xD880;
	s25 =	simm.s32 $0xE080;
	s26 =	simm.s32 $0xE880  }
0x1b: {  	s9 =	simm.s32 $0x80;
	s10 =	simm.s32 $0xC080;
	s12 =	simm.s32 $0xF880  }
0x1c: {  	s13 =	simm.s32 $0x10080;
	s14 =	simm.s32 $0x10880;
	[dreg:$0x4] =	wrdreg s5  }
0x1d: {  	s15 =	simm.s32 $0x11080;
	s16 =	simm.s32 $0x11880;
	[dreg:$0x1c] =	wrdreg s22  }
0x1e: {  	s17 =	simm.s32 $0x12080;
	s18 =	simm.s32 $0x12880;
	[dreg:$0x1d] =	wrdreg s23  }
0x1f: {  	s19 =	simm.s32 $0x13080;
	s4 =	sadd.s32 s6, s7;
	[dreg:$0x1e] =	wrdreg s24  }
0x20: {  	s6 =	simm.s32 $0x4080;
	s7 =	simm.s32 $0x4880;
	[dreg:$0x1f] =	wrdreg s8  }
0x21: {  	s2 =	ssub.s32 s2, s21;
	s5 =	sadd.s32 $0x100, s1;
	[smem:$0x7FC] =	sst s25  }
0x22: {  	s8 =	simm.s32 $0x3;
	[smem:$0x7FD] =	sst s26;
	s21 =	simm.s32 $0x14080  }
0x23: {  	s22 =	simm.s32 $0x14880;
	s23 =	simm.s32 $0x15080;
	s24 =	simm.s32 $0x15880  }
0x24: {  	s25 =	simm.s32 $0x16080;
	s26 =	simm.s32 $0x16880;
	[dreg:$0xd] =	wrdreg s6  }
0x25: {  	v2 =	vlaneseq.u32;
	s20 =	sadd.s32 $0x1800, s4;
	[dreg:$0xe] =	wrdreg s7;
	s6 =	sadd.s32 $0x200, s1  }
0x26: {  	vm0 =	vmmov $0xffff;
	v1 =	vshrl.u32 v2, $0x3;
	s7 =	smax.u32 s2, $0x1;
	[dreg:$0x5] =	wrdreg s20;
	s20 =	simm.s32 $0xB080  }
0x27: {  	v0 =	vand.u32 $0x7, v2;
	v2 =	vor.u32 $0x8, v2;
	v1 =	vmul.u32 $0x8, v1;
	s2 =	simm.s32 $0x2;
	[dreg:$0x1b] =	wrdreg s20;
	s20 =	simm.s32 $0x13880  }
.LBB2_1:
0x28: {  	s0 =	rddreg [dreg:$0x4]  }
0x29: {  	[tilespmem:s3], [sflag:$0x3] =	stream.linear.gather [hbm4b:s0+s3], $0x80, $0x38;
	[tilespmem:$0x18080] =	vst v63  }
0x2a: {  	_ =	swait.ge [sflag:s8], $0x80  }
0x2b: {  	[sflag:s8] =	ssyncset.done $0x0  }
0x2c: {  	[sflag:s8] =	ssyncadd.s32 $0xFFFFFF80  }
0x2d: {  	v3 =	vld [tilespmem:$0x0];
	_ =	sdelay $0x4  }
0x2e: {  	v4 =	vshrl.u32 v3, $0x3  }
0x2f: {  	v4 =	vmul.u32 $0x30, v4  }
0x30: {  	v3 =	vand.u32 $0x7, v3  }
0x31: {  	v3 =	vor.u32 v3, v4  }
0x32: {  	v4 =	vperm.xlane v3, v0;
	_ =	sdelay $0x1  }
0x33: {  	v4 =	vadd.s32 v1, v4;
	_ =	sdelay $0x3  }
0x34: {  	v3 =	vperm.xlane v3, v2  }
0x35: {  	[tilespmem:s9], [sflag:$0x1] =	stream.indirect_vreg.gather [hbm4b:s1+s3], $0x80, v4, vm0, $0xb8;
	[tilespmem:$0x18080] =	vst v63  }
0x36: {  	s0 =	rddreg [dreg:$0x6];
	v3 =	vadd.s32 v1, v3  }
0x37: {  	[tilespmem:s0], [sflag:$0x1] =	stream.indirect_vreg.gather [hbm4b:s5+s3], $0x80, v4, vm0, $0xb8;
	[tilespmem:$0x18080] =	vst v63  }
0x38: {  	s11 =	rddreg [dreg:$0x7]  }
0x39: {  	[tilespmem:s11], [sflag:$0x1] =	stream.indirect_vreg.gather [hbm4b:s6+s3], $0x80, v4, vm0, $0xb8;
	[tilespmem:$0x18080] =	vst v63  }
0x3a: {  	s0 =	rddreg [dreg:$0x8]  }
0x3b: {  	[tilespmem:s0], [sflag:$0x1] =	stream.indirect_vreg.gather [hbm4b:s1+s3], $0x80, v3, vm0, $0xb8;
	[tilespmem:$0x18080] =	vst v63  }
0x3c: {  	s11 =	rddreg [dreg:$0x9]  }
0x3d: {  	[tilespmem:s11], [sflag:$0x1] =	stream.indirect_vreg.gather [hbm4b:s5+s3], $0x80, v3, vm0, $0xb8;
	[tilespmem:$0x18080] =	vst v63  }
0x3e: {  	s0 =	rddreg [dreg:$0xa]  }
0x3f: {  	[tilespmem:s0], [sflag:$0x1] =	stream.indirect_vreg.gather [hbm4b:s6+s3], $0x80, v3, vm0, $0xb8;
	[tilespmem:$0x18080] =	vst v63  }
0x40: {  	v3 =	vld [tilespmem:$0x10];
	_ =	sdelay $0x4  }
0x41: {  	v57 =	vshrl.u32 v3, $0x3  }
0x42: {  	v4 =	vmul.u32 $0x30, v57  }
0x43: {  	v3 =	vand.u32 $0x7, v3  }
0x44: {  	v3 =	vor.u32 v3, v4  }
0x45: {  	v4 =	vperm.xlane v3, v0;
	_ =	sdelay $0x1  }
0x46: {  	v4 =	vadd.s32 v1, v4;
	_ =	sdelay $0x3  }
0x47: {  	s0 =	rddreg [dreg:$0xb];
	v3 =	vperm.xlane v3, v2  }
0x48: {  	[tilespmem:s0], [sflag:$0x1] =	stream.indirect_vreg.gather [hbm4b:s1+s3], $0x80, v4, vm0, $0xb8;
	[tilespmem:$0x18080] =	vst v63  }
0x49: {  	s11 =	rddreg [dreg:$0xc];
	v3 =	vadd.s32 v1, v3  }
0x4a: {  	[tilespmem:s11], [sflag:$0x1] =	stream.indirect_vreg.gather [hbm4b:s5+s3], $0x80, v4, vm0, $0xb8;
	[tilespmem:$0x18080] =	vst v63  }
0x4b: {  	s0 =	rddreg [dreg:$0xd]  }
0x4c: {  	[tilespmem:s0], [sflag:$0x1] =	stream.indirect_vreg.gather [hbm4b:s6+s3], $0x80, v4, vm0, $0xb8;
	[tilespmem:$0x18080] =	vst v63  }
0x4d: {  	s11 =	rddreg [dreg:$0xe]  }
0x4e: {  	[tilespmem:s11], [sflag:$0x1] =	stream.indirect_vreg.gather [hbm4b:s1+s3], $0x80, v3, vm0, $0xb8;
	[tilespmem:$0x18080] =	vst v63  }
0x4f: {  	s0 =	rddreg [dreg:$0xf]  }
0x50: {  	[tilespmem:s0], [sflag:$0x1] =	stream.indirect_vreg.gather [hbm4b:s5+s3], $0x80, v3, vm0, $0xb8;
	[tilespmem:$0x18080] =	vst v63  }
0x51: {  	s11 =	rddreg [dreg:$0x10]  }
0x52: {  	[tilespmem:s11], [sflag:$0x1] =	stream.indirect_vreg.gather [hbm4b:s6+s3], $0x80, v3, vm0, $0xb8;
	[tilespmem:$0x18080] =	vst v63  }
0x53: {  	v3 =	vld [tilespmem:$0x20];
	_ =	sdelay $0x4  }
0x54: {  	v58 =	vshrl.u32 v3, $0x3  }
0x55: {  	v4 =	vmul.u32 $0x30, v58  }
0x56: {  	v3 =	vand.u32 $0x7, v3  }
0x57: {  	v3 =	vor.u32 v3, v4  }
0x58: {  	v4 =	vperm.xlane v3, v0;
	_ =	sdelay $0x1  }
0x59: {  	v4 =	vadd.s32 v1, v4;
	_ =	sdelay $0x3  }
0x5a: {  	s0 =	rddreg [dreg:$0x11];
	v3 =	vperm.xlane v3, v2  }
0x5b: {  	[tilespmem:s0], [sflag:$0x1] =	stream.indirect_vreg.gather [hbm4b:s1+s3], $0x80, v4, vm0, $0xb8;
	[tilespmem:$0x18080] =	vst v63  }
0x5c: {  	s11 =	rddreg [dreg:$0x12];
	v3 =	vadd.s32 v1, v3  }
0x5d: {  	[tilespmem:s11], [sflag:$0x1] =	stream.indirect_vreg.gather [hbm4b:s5+s3], $0x80, v4, vm0, $0xb8;
	[tilespmem:$0x18080] =	vst v63  }
0x5e: {  	s0 =	rddreg [dreg:$0x13]  }
0x5f: {  	[tilespmem:s0], [sflag:$0x1] =	stream.indirect_vreg.gather [hbm4b:s6+s3], $0x80, v4, vm0, $0xb8;
	[tilespmem:$0x18080] =	vst v63  }
0x60: {  	s11 =	rddreg [dreg:$0x14]  }
0x61: {  	[tilespmem:s11], [sflag:$0x1] =	stream.indirect_vreg.gather [hbm4b:s1+s3], $0x80, v3, vm0, $0xb8;
	[tilespmem:$0x18080] =	vst v63  }
0x62: {  	s0 =	rddreg [dreg:$0x15]  }
0x63: {  	[tilespmem:s0], [sflag:$0x1] =	stream.indirect_vreg.gather [hbm4b:s5+s3], $0x80, v3, vm0, $0xb8;
	[tilespmem:$0x18080] =	vst v63  }
0x64: {  	s11 =	rddreg [dreg:$0x16]  }
0x65: {  	[tilespmem:s11], [sflag:$0x1] =	stream.indirect_vreg.gather [hbm4b:s6+s3], $0x80, v3, vm0, $0xb8;
	[tilespmem:$0x18080] =	vst v63  }
0x66: {  	v3 =	vld [tilespmem:$0x30];
	_ =	sdelay $0x4  }
0x67: {  	v59 =	vshrl.u32 v3, $0x3  }
0x68: {  	v4 =	vmul.u32 $0x30, v59  }
0x69: {  	v3 =	vand.u32 $0x7, v3  }
0x6a: {  	v3 =	vor.u32 v3, v4  }
0x6b: {  	v4 =	vperm.xlane v3, v0;
	_ =	sdelay $0x1  }
0x6c: {  	v4 =	vadd.s32 v1, v4;
	_ =	sdelay $0x3  }
0x6d: {  	s0 =	rddreg [dreg:$0x17];
	v3 =	vperm.xlane v3, v2  }
0x6e: {  	[tilespmem:s0], [sflag:$0x1] =	stream.indirect_vreg.gather [hbm4b:s1+s3], $0x80, v4, vm0, $0xb8;
	[tilespmem:$0x18080] =	vst v63  }
0x6f: {  	s11 =	rddreg [dreg:$0x18];
	v3 =	vadd.s32 v1, v3  }
0x70: {  	[tilespmem:s11], [sflag:$0x1] =	stream.indirect_vreg.gather [hbm4b:s5+s3], $0x80, v4, vm0, $0xb8;
	[tilespmem:$0x18080] =	vst v63  }
0x71: {  	s0 =	rddreg [dreg:$0x19]  }
0x72: {  	[tilespmem:s0], [sflag:$0x1] =	stream.indirect_vreg.gather [hbm4b:s6+s3], $0x80, v4, vm0, $0xb8;
	[tilespmem:$0x18080] =	vst v63  }
0x73: {  	s11 =	rddreg [dreg:$0x1a]  }
0x74: {  	[tilespmem:s11], [sflag:$0x1] =	stream.indirect_vreg.gather [hbm4b:s1+s3], $0x80, v3, vm0, $0xb8;
	[tilespmem:$0x18080] =	vst v63  }
0x75: {  	s0 =	rddreg [dreg:$0x1b]  }
0x76: {  	[tilespmem:s0], [sflag:$0x1] =	stream.indirect_vreg.gather [hbm4b:s5+s3], $0x80, v3, vm0, $0xb8;
	[tilespmem:$0x18080] =	vst v63  }
0x77: {  	s11 =	rddreg [dreg:$0x1c]  }
0x78: {  	[tilespmem:s11], [sflag:$0x1] =	stream.indirect_vreg.gather [hbm4b:s6+s3], $0x80, v3, vm0, $0xb8;
	[tilespmem:$0x18080] =	vst v63  }
0x79: {  	v3 =	vld [tilespmem:$0x40];
	_ =	sdelay $0x4  }
0x7a: {  	v60 =	vshrl.u32 v3, $0x3  }
0x7b: {  	v4 =	vmul.u32 $0x30, v60  }
0x7c: {  	v3 =	vand.u32 $0x7, v3  }
0x7d: {  	v3 =	vor.u32 v3, v4  }
0x7e: {  	v4 =	vperm.xlane v3, v0;
	_ =	sdelay $0x1  }
0x7f: {  	v4 =	vadd.s32 v1, v4;
	_ =	sdelay $0x3  }
0x80: {  	s0 =	rddreg [dreg:$0x1d];
	v3 =	vperm.xlane v3, v2  }
0x81: {  	[tilespmem:s10], [sflag:$0x2] =	stream.indirect_vreg.gather [hbm4b:s1+s3], $0x80, v4, vm0, $0xb8;
	[tilespmem:$0x18080] =	vst v63  }
0x82: {  	s11 =	rddreg [dreg:$0x1e];
	v3 =	vadd.s32 v1, v3  }
0x83: {  	[tilespmem:s0], [sflag:$0x2] =	stream.indirect_vreg.gather [hbm4b:s5+s3], $0x80, v4, vm0, $0xb8;
	[tilespmem:$0x18080] =	vst v63  }
0x84: {  	s0 =	rddreg [dreg:$0x1f]  }
0x85: {  	[tilespmem:s11], [sflag:$0x2] =	stream.indirect_vreg.gather [hbm4b:s6+s3], $0x80, v4, vm0, $0xb8;
	[tilespmem:$0x18080] =	vst v63  }
0x86: {  	s11 =	sld [smem:$0x7FC]  }
0x87: {  	[tilespmem:s0], [sflag:$0x2] =	stream.indirect_vreg.gather [hbm4b:s1+s3], $0x80, v3, vm0, $0xb8;
	[tilespmem:$0x18080] =	vst v63  }
0x88: {  	s0 =	sld [smem:$0x7FD]  }
0x89: {  	[tilespmem:s11], [sflag:$0x2] =	stream.indirect_vreg.gather [hbm4b:s5+s3], $0x80, v3, vm0, $0xb8;
	[tilespmem:$0x18080] =	vst v63  }
0x8a: {  	_ = 	snop  }
0x8b: {  	[tilespmem:s0], [sflag:$0x2] =	stream.indirect_vreg.gather [hbm4b:s6+s3], $0x80, v3, vm0, $0xb8;
	[tilespmem:$0x18080] =	vst v63  }
0x8c: {  	v3 =	vld [tilespmem:$0x50];
	_ =	sdelay $0x4  }
0x8d: {  	v61 =	vshrl.u32 v3, $0x3  }
0x8e: {  	v4 =	vmul.u32 $0x30, v61  }
0x8f: {  	v3 =	vand.u32 $0x7, v3  }
0x90: {  	v3 =	vor.u32 v3, v4  }
0x91: {  	v4 =	vperm.xlane v3, v0;
	_ =	sdelay $0x1  }
0x92: {  	v4 =	vadd.s32 v1, v4;
	_ =	sdelay $0x3  }
0x93: {  	s11 =	simm.s32 $0xF080;
	v3 =	vperm.xlane v3, v2  }
0x94: {  	[tilespmem:s11], [sflag:$0x2] =	stream.indirect_vreg.gather [hbm4b:s1+s3], $0x80, v4, vm0, $0xb8;
	[tilespmem:$0x18080] =	vst v63  }
0x95: {  	v3 =	vadd.s32 v1, v3  }
0x96: {  	[tilespmem:s12], [sflag:$0x2] =	stream.indirect_vreg.gather [hbm4b:s5+s3], $0x80, v4, vm0, $0xb8;
	[tilespmem:$0x18080] =	vst v63  }
0x97: {  	_ = 	snop  }
0x98: {  	[tilespmem:s13], [sflag:$0x2] =	stream.indirect_vreg.gather [hbm4b:s6+s3], $0x80, v4, vm0, $0xb8;
	[tilespmem:$0x18080] =	vst v63  }
0x99: {  	_ = 	snop  }
0x9a: {  	[tilespmem:s14], [sflag:$0x2] =	stream.indirect_vreg.gather [hbm4b:s1+s3], $0x80, v3, vm0, $0xb8;
	[tilespmem:$0x18080] =	vst v63  }
0x9b: {  	_ = 	snop  }
0x9c: {  	[tilespmem:s15], [sflag:$0x2] =	stream.indirect_vreg.gather [hbm4b:s5+s3], $0x80, v3, vm0, $0xb8;
	[tilespmem:$0x18080] =	vst v63  }
0x9d: {  	_ = 	snop  }
0x9e: {  	[tilespmem:s16], [sflag:$0x2] =	stream.indirect_vreg.gather [hbm4b:s6+s3], $0x80, v3, vm0, $0xb8;
	[tilespmem:$0x18080] =	vst v63  }
0x9f: {  	v3 =	vld [tilespmem:$0x60];
	_ =	sdelay $0x4  }
0xa0: {  	v62 =	vshrl.u32 v3, $0x3  }
0xa1: {  	v4 =	vmul.u32 $0x30, v62  }
0xa2: {  	v3 =	vand.u32 $0x7, v3  }
0xa3: {  	v3 =	vor.u32 v3, v4  }
0xa4: {  	v4 =	vperm.xlane v3, v0;
	_ =	sdelay $0x1  }
0xa5: {  	v4 =	vadd.s32 v1, v4;
	_ =	sdelay $0x3  }
0xa6: {  	v3 =	vperm.xlane v3, v2  }
0xa7: {  	[tilespmem:s17], [sflag:$0x2] =	stream.indirect_vreg.gather [hbm4b:s1+s3], $0x80, v4, vm0, $0xb8;
	[tilespmem:$0x18080] =	vst v63  }
0xa8: {  	v3 =	vadd.s32 v1, v3  }
0xa9: {  	[tilespmem:s18], [sflag:$0x2] =	stream.indirect_vreg.gather [hbm4b:s5+s3], $0x80, v4, vm0, $0xb8;
	[tilespmem:$0x18080] =	vst v63  }
0xaa: {  	_ = 	snop  }
0xab: {  	[tilespmem:s19], [sflag:$0x2] =	stream.indirect_vreg.gather [hbm4b:s6+s3], $0x80, v4, vm0, $0xb8;
	[tilespmem:$0x18080] =	vst v63  }
0xac: {  	_ = 	snop  }
0xad: {  	[tilespmem:s20], [sflag:$0x2] =	stream.indirect_vreg.gather [hbm4b:s1+s3], $0x80, v3, vm0, $0xb8;
	[tilespmem:$0x18080] =	vst v63  }
0xae: {  	_ = 	snop  }
0xaf: {  	[tilespmem:s21], [sflag:$0x2] =	stream.indirect_vreg.gather [hbm4b:s5+s3], $0x80, v3, vm0, $0xb8;
	[tilespmem:$0x18080] =	vst v63  }
0xb0: {  	_ = 	snop  }
0xb1: {  	[tilespmem:s22], [sflag:$0x2] =	stream.indirect_vreg.gather [hbm4b:s6+s3], $0x80, v3, vm0, $0xb8;
	[tilespmem:$0x18080] =	vst v63  }
0xb2: {  	v3 =	vld [tilespmem:$0x70];
	_ =	sdelay $0x4  }
0xb3: {  	v63 =	vshrl.u32 v3, $0x3  }
0xb4: {  	v4 =	vmul.u32 $0x30, v63  }
0xb5: {  	v3 =	vand.u32 $0x7, v3  }
0xb6: {  	v3 =	vor.u32 v3, v4  }
0xb7: {  	v4 =	vperm.xlane v3, v0;
	_ =	sdelay $0x1  }
0xb8: {  	v4 =	vadd.s32 v1, v4;
	_ =	sdelay $0x3  }
0xb9: {  	v3 =	vperm.xlane v3, v2  }
0xba: {  	[tilespmem:s23], [sflag:$0x2] =	stream.indirect_vreg.gather [hbm4b:s1+s3], $0x80, v4, vm0, $0xb8;
	[tilespmem:$0x18080] =	vst v63  }
0xbb: {  	v3 =	vadd.s32 v1, v3  }
0xbc: {  	[tilespmem:s24], [sflag:$0x2] =	stream.indirect_vreg.gather [hbm4b:s5+s3], $0x80, v4, vm0, $0xb8;
	[tilespmem:$0x18080] =	vst v63  }
0xbd: {  	_ = 	snop  }
0xbe: {  	[tilespmem:s25], [sflag:$0x2] =	stream.indirect_vreg.gather [hbm4b:s6+s3], $0x80, v4, vm0, $0xb8;
	[tilespmem:$0x18080] =	vst v63  }
0xbf: {  	_ = 	snop  }
0xc0: {  	[tilespmem:s26], [sflag:$0x2] =	stream.indirect_vreg.gather [hbm4b:s1+s3], $0x80, v3, vm0, $0xb8;
	[tilespmem:$0x18080] =	vst v63  }
0xc1: {  	_ = 	snop  }
0xc2: {  	[tilespmem:s28], [sflag:$0x2] =	stream.indirect_vreg.gather [hbm4b:s5+s3], $0x80, v3, vm0, $0xb8;
	[tilespmem:$0x18080] =	vst v63  }
0xc3: {  	_ = 	snop  }
0xc4: {  	[tilespmem:s29], [sflag:$0x2] =	stream.indirect_vreg.gather [hbm4b:s6+s3], $0x80, v3, vm0, $0xb8;
	[tilespmem:$0x18080] =	vst v63  }
0xc5: {  	_ =	swait.ge [sflag:s30], $0xC000  }
0xc6: {  	[sflag:s30] =	ssyncset.done $0x0  }
0xc7: {  	[sflag:s30] =	ssyncadd.s32 $0xFFFF4000  }
0xc8: {  	[hbm4b:s4+s3] =	stream.linear.scatter [tilespmem:s9], [sflag:$0x4], $0xC000, $0x38;
	[tilespmem:$0x18080] =	vst v63  }
0xc9: {  	_ =	swait.ge [sflag:s31], $0xC000  }
0xca: {  	[sflag:s31] =	ssyncset.done $0x0  }
0xcb: {  	[sflag:s31] =	ssyncadd.s32 $0xFFFF4000  }
0xcc: {  	_ =	swait.ge [sflag:s2], $0xC000  }
0xcd: {  	p0 =	sne.s32 s7, $0x1;
	[sflag:s2] =	ssyncset.done $0x0  }
.Ltmp0:
0xce: {  	s11 =	rddreg [dreg:$0x5];
	[sflag:s2] =	ssyncadd.s32 $0xFFFF4000;
	(pc) =	sbr.rel @p0 .LBB2_1-.Ltmp0, $4  }
0xcf: {  	[hbm4b:s11+s3] =	stream.linear.scatter [tilespmem:s10], [sflag:$0x3], $0xC000, $0x38;
	[tilespmem:$0x18080] =	vst v63  }
0xd0: {  	_ =	swait.ge [sflag:s8], $0xC000  }
0xd1: {  	[sflag:s8] =	ssyncset.done $0x0  }
0xd2: {  	s7 =	sadd.s32 $0xFFFFFFFF, s7;
	[sflag:s8] =	ssyncadd.s32 $0xFFFF4000  }
0xd3: {  	_ =	sfence.sel $0x180000  }
0xd4: {  	[bflag:$0x0] =	sbarrier.arrive $0xFFFF  }
0xd5: {  	_ =	strace $0x90000047  }
0xd6: {  	s0 =	stileid.u32;
	[bflag:$0x2] =	sbarrier.arrive $0xFFFF  }
0xd7: {  	p0 =	sne.s32 s0, $0x0;
	s0 =	rddreg [dreg:$0x3]  }
0xd8: {  	s0 =	sadd.s32 @!p0 $0x100000, s0  }
0xd9: {  	[sflag:s0] =	ssyncadd.tile.s32 @!p0 $0x1;
	_ =	shalt  }
.Lfunc_end2:
_tile_overlayer_lowered:
.L_overlay_start_2:
0xda: {  	(tag) =	ssettag $0x2  }
0xdb: {  	s0 =	rddreg [dreg:$0x0];
	s2 =	stileid.u32  }
0xdc: {  	s1 =	rddreg [dreg:$0x1];
	p0 =	sne.s32 s2, $0x0  }
0xdd: {  	s3 =	rddreg [dreg:$0x2];
	[bflag:$0x3] =	sbarrier.arrive $0xFFFF;
	s2 =	simm.s32 @!p0 $0x1C03  }
0xde: {  	[timem:s3], [sflag:s2] =	dma.local @!p0 [hbm:s0], s1  }
0xdf: {  	s0 =	simm.s32 @!p0 $0x3  }
0xe0: {  	_ =	swait.ge @!p0 [sflag:s0], s1  }
0xe1: {  	s1 =	ssub.s32 @!p0 $0x0, s1;
	[sflag:s0] =	ssyncset.done @!p0 $0x0  }
0xe2: {  	[sflag:s0] =	ssyncadd.s32 @!p0 s1  }
0xe3: {  	[bflag:$0x3] =	sbarrier.arrive $0xFFFF  }
0xe4: {  	_ =	shalt  }

// kernel: kernel.13.cloned.1.call-start
scs
__scs_entry_jumppad:
0x0: {  	(pc) =	sbr.rel $0x88, $3  }
0x1: {  	(tag) =	ssettag $0x0;
	lr =	simm.s32 $0x1  }
0x2: {  	[smem:$0x3F9A] =	sst lr;
	_ =	strace $0xD0000000  }
0x3: {  	_ = 	snop  }
0x4: {  	_ = 	snop  }
0x5: {  	_ = 	snop  }
0x6: {  	_ = 	snop  }
0x7: {  	_ = 	snop  }
__scs_overlays_trampoline_lowered:
0x8: {  	[smem:$0x3FA9] =	sst s0  }
0x9: {  	[smem:$0x3FAA] =	sst s1  }
0xa: {  	[smem:$0x3FAB] =	sst s2  }
0xb: {  	[smem:$0x3FAC] =	sst s3  }
0xc: {  	[smem:$0x3FAD] =	sst s4  }
0xd: {  	[smem:$0x3FAE] =	sst s5  }
0xe: {  	[smem:$0x3FAF] =	sst s6  }
0xf: {  	[smem:$0x3FB0] =	sst s7  }
0x10: {  	[smem:$0x3FB1] =	sst s8  }
0x11: {  	[smem:$0x3FB2] =	sst s9;
	s0 =	simm.s32 @!p0 $0x0  }
0x12: {  	s1 =	sld [smem:$0x3F98];
	s0 =	simm.s32 @p0 $0x1  }
0x13: {  	[smem:$0x3FB3] =	sst s0;
	s0 =	simm.s32 @!p1 $0x0  }
0x14: {  	s2 =	sld [smem:$0x3F97];
	s0 =	simm.s32 @p1 $0x1  }
0x15: {  	[smem:$0x3FB4] =	sst s0;
	s0 =	simm.s32 @!p2 $0x0  }
0x16: {  	s3 =	sld [smem:$0x3FDB];
	s0 =	simm.s32 @p2 $0x1  }
0x17: {  	s4 =	simm.s32 $0x1BF5;
	[smem:$0x3FB6] =	sst s0  }
0x18: {  	s0 =	sld [smem:$0x3F99];
	_ =	swait.ge [sflag:s4], $0x0  }
0x19: {  	s7 =	sld [smem:$0x3F9A]  }
0x1a: {  	s8 =	sadd.s32 $0xFFFFE003, lr  }
0x1b: {  	s9 =	sadd.s32 $0xFFFFFEF7, lr;
	s5 =	simm.s32 $0xFFFFFFFF;
	p2 =	slt.u32 s8, $0xFFFFF086  }
0x1c: {  	p1 =	slt.u32 s9, $0xF7A;
	s5 =	simm.s32 @!p2 $0x0  }
0x1d: {  	s5 =	simm.s32 @p1 $0x1;
	p0 =	seq.s32 s7, s2  }
0x1e: {  	s7 =	smul.u32 @!p0 $0xF7A, s2;
	p2 =	seq.s32 @!p0 s5, $0x0  }
0x1f: {  	s9 =	smul.u32 $0xF7A, s1;
	s8 =	simm.s32 @!p0 $0x1BF5;
	p2 =	por !p2, p0  }
0x20: {  	[sflag:s8] =	ssyncset.s32 @!p0 $0xFFFFF086;
	s6 =	sadd.s32 @!p0 s3, s7;
	s7 =	simm.s32 @!p0 $0x108  }
0x21: {  	s3 =	sadd.s32 s3, s9;
	s6 =	sadd.s32 @!p0 $0x88, s6;
	s7 =	simm.s32 @p2 $0x1082  }
0x22: {  	[simem:s7], [sflag:s8] =	dma.local @!p0 [hbm:s6], $0xF7A  }
0x23: {  	s9 =	sor.u32 $0xD0000000, s2;
	s6 =	simm.s32 $0x108;
	_ =	swait.ge @!p0 [sflag:s8], $0x0  }
0x24: {  	s3 =	sadd.s32 $0x88, s3;
	s6 =	simm.s32 @!p1 $0x1082;
	[sflag:s4] =	ssyncset.s32 $0xFFFFF086  }
0x25: {  	[simem:s6], [sflag:s4] =	dma.local [hbm:s3], $0xF7A  }
0x26: {  	[smem:$0x3F9A] =	sst s1;
	(tag) =	ssettag s2;
	_ =	strace s9  }
0x27: {  	s1 =	sld [smem:$0x3FAA]  }
0x28: {  	s2 =	sld [smem:$0x3FAB]  }
0x29: {  	s4 =	sld [smem:$0x3FAD]  }
0x2a: {  	p0 =	seq.s32 s5, $0x0;
	s5 =	sld [smem:$0x3FAE]  }
0x2b: {  	s6 =	sld [smem:$0x3FAF]  }
0x2c: {  	s7 =	sld [smem:$0x3FB0]  }
0x2d: {  	s3 =	simm.s32 $0x108;
	s8 =	sld [smem:$0x3FB1]  }
0x2e: {  	s3 =	simm.s32 @!p0 $0x1082;
	s9 =	sld [smem:$0x3FB2]  }
0x2f: {  	lr =	sadd.s32 s0, s3;
	s0 =	sld [smem:$0x3FA9]  }
0x30: {  	s3 =	sld [smem:$0x3FAC]  }
0x31: {  	[smem:$0x3FB5] =	sst s10  }
0x32: {  	s10 =	sld [smem:$0x3FB3];
	_ =	sdelay $0x3  }
0x33: {  	p0 =	seq.s32 s10, $0x1;
	s10 =	sld [smem:$0x3FB5];
	_ =	sdelay $0x3  }
0x34: {  	[smem:$0x3FB5] =	sst s10  }
0x35: {  	s10 =	sld [smem:$0x3FB4];
	_ =	sdelay $0x3  }
0x36: {  	p1 =	seq.s32 s10, $0x1;
	s10 =	sld [smem:$0x3FB5];
	_ =	sdelay $0x3  }
0x37: {  	[smem:$0x3FB5] =	sst s10  }
0x38: {  	s10 =	sld [smem:$0x3FB6]  }
0x39: {  	_ = 	snop;
	(pc) =	sbr.ind lr, $3  }
0x3a: {  	_ = 	snop  }
0x3b: {  	_ = 	snop  }
0x3c: {  	p2 =	seq.s32 s10, $0x1;
	s10 =	sld [smem:$0x3FB5]  }
0x3d: {  	_ =	shalt  }
0x3e: {  	_ =	shalt  }
0x3f: {  	_ =	shalt  }
0x40: {  	_ =	shalt  }
0x41: {  	_ =	shalt  }
0x42: {  	_ =	shalt  }
0x43: {  	_ =	shalt  }
0x44: {  	_ =	shalt  }
0x45: {  	_ =	shalt  }
0x46: {  	_ =	shalt  }
0x47: {  	_ =	shalt  }
0x48: {  	_ =	shalt  }
0x49: {  	_ =	shalt  }
0x4a: {  	_ =	shalt  }
0x4b: {  	_ =	shalt  }
0x4c: {  	_ =	shalt  }
0x4d: {  	_ =	shalt  }
0x4e: {  	_ =	shalt  }
0x4f: {  	_ =	shalt  }
0x50: {  	_ =	shalt  }
0x51: {  	_ =	shalt  }
0x52: {  	_ =	shalt  }
0x53: {  	_ =	shalt  }
0x54: {  	_ =	shalt  }
0x55: {  	_ =	shalt  }
0x56: {  	_ =	shalt  }
0x57: {  	_ =	shalt  }
0x58: {  	_ =	shalt  }
0x59: {  	_ =	shalt  }
0x5a: {  	_ =	shalt  }
0x5b: {  	_ =	shalt  }
0x5c: {  	_ =	shalt  }
0x5d: {  	_ =	shalt  }
0x5e: {  	_ =	shalt  }
0x5f: {  	_ =	shalt  }
0x60: {  	_ =	shalt  }
0x61: {  	_ =	shalt  }
0x62: {  	_ =	shalt  }
0x63: {  	_ =	shalt  }
0x64: {  	_ =	shalt  }
0x65: {  	_ =	shalt  }
0x66: {  	_ =	shalt  }
0x67: {  	_ =	shalt  }
0x68: {  	_ =	shalt  }
0x69: {  	_ =	shalt  }
0x6a: {  	_ =	shalt  }
0x6b: {  	_ =	shalt  }
0x6c: {  	_ =	shalt  }
0x6d: {  	_ =	shalt  }
0x6e: {  	_ =	shalt  }
0x6f: {  	_ =	shalt  }
0x70: {  	_ =	shalt  }
0x71: {  	_ =	shalt  }
0x72: {  	_ =	shalt  }
0x73: {  	_ =	shalt  }
0x74: {  	_ =	shalt  }
0x75: {  	_ =	shalt  }
0x76: {  	_ =	shalt  }
0x77: {  	_ =	shalt  }
0x78: {  	_ =	shalt  }
0x79: {  	_ =	shalt  }
0x7a: {  	_ =	shalt  }
0x7b: {  	_ =	shalt  }
0x7c: {  	_ =	shalt  }
0x7d: {  	_ =	shalt  }
0x7e: {  	_ =	shalt  }
0x7f: {  	_ =	shalt  }
0x80: {  	_ =	shalt  }
0x81: {  	_ =	shalt  }
0x82: {  	_ =	shalt  }
0x83: {  	_ =	shalt  }
0x84: {  	_ =	shalt  }
0x85: {  	_ =	shalt  }
0x86: {  	_ =	shalt  }
0x87: {  	_ =	shalt  }
.Lfunc_end0:
.L_simem_size_0:
called_computation.1_lowered:
.L_overlay_start_0:
0x88: {  	s2 =	sld [smem:$0x3FD9]  }
0x89: {  	s3 =	sld [smem:$0x3FFE];
	_ =	sdelay $0x1  }
0x8a: {  	s1 =	srdreg.scid  }
0x8b: {  	s0 =	sand.u32 $0x1, s1  }
0x8c: {  	s17 =	sshll.u32 s0, $0xA;
	s2 =	sadd.s32 s3, s2  }
0x8d: {  	s2 =	sadd.s32 s2, s17  }
0x8e: {  	[smem:$0x3FC1] =	sst s2  }
0x8f: {  	_ = 	snop  }
0x90: {  	s18 =	sld [smem:$0x3FC7];
	(tm) =	ssettm $0x1  }
0x91: {  	s19 =	sld [smem:$0x3FFB];
	_ =	sdelay $0x3  }
0x92: {  	_ =	strace s19  }
0x93: {  	s2 =	sld [smem:$0x3FFC];
	_ =	sdelay $0x3  }
0x94: {  	_ =	strace s2  }
0x95: {  	s2 =	sld [smem:$0x3FFD];
	_ =	sdelay $0x3  }
0x96: {  	_ =	strace s2  }
0x97: {  	_ =	strace $0x8FFFFFFF  }
0x98: {  	s20 =	sld [smem:$0x3FDB];
	_ =	sdelay $0x1  }
0x99: {  	s4 =	simm.s32 $_scs_section_size  }
0x9a: {  	s5 =	simm.s32 $_size__tile_overlayer_lowered;
	s6 =	simm.s32 $_tile_overlayer_lowered  }
0x9b: {  	s7 =	simm.s32 $0x1BFF;
	s21 =	sshll.u32 s6, $0x1;
	s4 =	sadd.s32 s4, s20  }
0x9c: {  	s22 =	simm.s32 $0x0;
	s5 =	sshll.u32 s5, $0x1;
	s6 =	sadd.s32 s21, s4  }
0x9d: {  	[timem:s22], [sflag:s7] =	dma.local [hbm:s6], s5  }
0x9e: {  	_ =	swait.ge [sflag:s7], s5  }
0x9f: {  	s5 =	ssub.s32 $0x0, s5;
	[sflag:s7] =	ssyncset.done $0x0  }
0xa0: {  	[sflag:s7] =	ssyncadd.s32 s5;
	_ =	sdelay $0x1  }
0xa1: {  	s23 =	simm.s32 $0x1B8B  }
0xa2: {  	_ =	swait.ge [sflag:s23], $0x1  }
0xa3: {  	[sflag:s23] =	ssyncset.done $0x0  }
0xa4: {  	[sflag:s23] =	ssyncadd.s32 $0xFFFFFFFF  }
0xa5: {  	s5 =	sld [smem:$0x0]  }
0xa6: {  	s6 =	sand.u32 $0xFFFFFFFE, s1  }
0xa7: {  	p0 =	sne.s32 s1, s6  }
0xa8: {  	s6 =	sshll.u32 @p0 s6, $0xE  }
0xa9: {  	s6 =	sadd.s32 @p0 $0x11B8D, s6;
	s7 =	sshll.u32 @p0 s5, $0x11  }
0xaa: {  	s6 =	sor.u32 @p0 s7, s6  }
0xab: {  	[sflag:s6] =	ssyncadd.remote.s32 @p0 $0x1;
	_ =	sdelay $0x1  }
0xac: {  	s6 =	simm.s32 @p0 $0x1B8D  }
0xad: {  	_ =	swait.eq @p0 [sflag:s6], $0x1  }
0xae: {  	[sflag:s6] =	ssyncadd.s32 @p0 $0xFFFFFFFF  }
0xaf: {  	s7 =	sshll.u32 @!p0 s1, $0xE  }
0xb0: {  	s7 =	sor.u32 @!p0 $0x4000, s7;
	s6 =	simm.s32 @!p0 $0x1B8D  }
0xb1: {  	s5 =	sshll.u32 @!p0 s5, $0x11;
	s7 =	sadd.s32 @!p0 $0x11B8D, s7;
	_ =	swait.eq @!p0 [sflag:s6], $0x1  }
0xb2: {  	s5 =	sor.u32 @!p0 s5, s7;
	[sflag:s6] =	ssyncadd.s32 @!p0 $0xFFFFFFFF  }
0xb3: {  	s25 =	simm.s32 $0x1B8E;
	s24 =	sld [smem:$0x3FFE];
	[sflag:s5] =	ssyncadd.remote.s32 @!p0 $0x1  }
0xb4: {  	s26 =	simm.s32 $execute0_lowered;
	[smem:$0x3FD2] =	sst s25  }
0xb5: {  	s6 =	sshll.u32 s26, $0x1;
	_ =	strace $0x80000049;
	[dreg:$0x1] =	wrdreg $0xFFFFFFFF  }
0xb6: {  	s28 =	simm.s32 $_size_execute0_lowered;
	s4 =	sadd.s32 s4, s6;
	[dreg:$0x0] =	wrdreg $0x0  }
0xb7: {  	s6 =	sshll.u32 s28, $0x1;
	[dreg:$0x2] =	wrdreg s4  }
0xb8: {  	[dreg:$0x3] =	wrdreg s6  }
0xb9: {  	[dreg:$0x4] =	wrdreg $0xC0  }
0xba: {  	_ =	task [dreg:s22], $0x5FFFF  }
0xbb: {  	[dreg:$0x1] =	wrdreg $0xFFFFFFFF  }
0xbc: {  	[dreg:$0x0] =	wrdreg $0x60  }
0xbd: {  	[dreg:$0x2] =	wrdreg s18  }
0xbe: {  	[dreg:$0x3] =	wrdreg s24  }
0xbf: {  	[dreg:$0x4] =	wrdreg $0xA  }
0xc0: {  	_ =	task.clear_ibuf [dreg:s22], $0x5FFFF;
	_ =	strace $0x90000049  }
0xc1: {  	s29 =	simm.s32 $0xA;
	_ =	strace $0x8000004B  }
0xc2: {  	_ =	swait.ge [sflag:s29], $0x1  }
0xc3: {  	[sflag:s29] =	ssyncadd.s32 $0xFFFFFFFF  }
0xc4: {  	_ =	strace $0x9000004B  }
0xc5: {  	_ =	sfence  }
0xc6: {  	s30 =	sld [smem:$0x0];
	_ =	sdelay $0x2  }
0xc7: {  	s31 =	sshll.u32 s1, $0xD;
	s1 =	sshrl.u32 s1, $0x2  }
0xc8: {  	s4 =	sand.u32 $0x4000, s31;
	s1 =	sadd.s32 s1, s30  }
0xc9: {  	s0 =	sor.u32 s4, s0;
	s1 =	sshll.u32 s1, $0x11  }
0xca: {  	s0 =	sor.u32 s1, s0  }
0xcb: {  	s0 =	sadd.s32 $0x8F2B, s0  }
0xcc: {  	[sflag:s0] =	ssyncadd.remote.s32 $0x1  }
0xcd: {  	_ =	sfence.sel $0xFFFF  }
0xce: {  	[dreg:$0x0] =	wrdreg $0xFFFFFFFF;
	(pc) =	sbr.abs _section_cstart, $3  }
0xcf: {  	[dreg:$0x1] =	wrdreg $0xFFFFFFFF  }
0xd0: {  	_ =	task.clear_ibuf [dreg:s22], $0x2FFFF;
	_ =	strace $0x9FFFFFFF  }
0xd1: {  	(tm) =	ssettm $0x7FFFFFFF  }
tec
execute0_lowered:
.L_overlay_start_1:
0x0: {  	(tag) =	ssettag $0x1  }
0x1: {  	s1 =	srdreg.scid  }
0x2: {  	s0 =	stileid.u32;
	s1 =	sand.u32 $0x1, s1  }
0x3: {  	s2 =	rddreg [dreg:$0x0];
	s3 =	sshll.u32 s0, $0x5;
	s4 =	sshll.u32 s1, $0x4  }
0x4: {  	s5 =	rddreg [dreg:$0x1];
	s4 =	sor.u32 s4, s3;
	s3 =	simm.s32 $0x0  }
0x5: {  	s23 =	simm.s32 $0x880;
	[smem:$0x7FF] =	sst s3  }
0x6: {  	s24 =	simm.s32 $0x1080;
	_ =	strace $0x8000004A;
	[dreg:$0x6] =	wrdreg s23  }
0x7: {  	s25 =	simm.s32 $0x1880;
	[dreg:$0x7] =	wrdreg s24  }
0x8: {  	s26 =	simm.s32 $0x2080;
	[dreg:$0x8] =	wrdreg s25  }
0x9: {  	s0 =	simm.s32 $0x2880;
	[dreg:$0x9] =	wrdreg s26  }
0xa: {  	s7 =	simm.s32 $0x4080;
	[dreg:$0xa] =	wrdreg s0  }
0xb: {  	s8 =	simm.s32 $0x4880;
	[dreg:$0xd] =	wrdreg s7  }
0xc: {  	s9 =	simm.s32 $0x5080;
	[dreg:$0xe] =	wrdreg s8  }
0xd: {  	s10 =	simm.s32 $0x5880;
	s11 =	simm.s32 $0x6080;
	[dreg:$0xf] =	wrdreg s9  }
0xe: {  	s12 =	simm.s32 $0x6880;
	s13 =	simm.s32 $0x7080;
	[dreg:$0x10] =	wrdreg s10  }
0xf: {  	s14 =	simm.s32 $0x7880;
	s15 =	simm.s32 $0x8080;
	[dreg:$0x11] =	wrdreg s11  }
0x10: {  	s16 =	simm.s32 $0x8880;
	s17 =	simm.s32 $0x9080;
	[dreg:$0x12] =	wrdreg s12  }
0x11: {  	s18 =	simm.s32 $0x9880;
	s19 =	simm.s32 $0xA080;
	[dreg:$0x13] =	wrdreg s13  }
0x12: {  	s28 =	simm.s32 $0x17080;
	s29 =	simm.s32 $0x17880;
	[dreg:$0x14] =	wrdreg s14  }
0x13: {  	s30 =	simm.s32 $0x1;
	s1 =	ssub.s32 $0x2, s1;
	[dreg:$0x15] =	wrdreg s15  }
0x14: {  	s31 =	simm.s32 $0x4;
	s20 =	sshrl.u32 s1, $0x1;
	[dreg:$0x16] =	wrdreg s16  }
0x15: {  	s6 =	smul.u32 $0x300, s4;
	s4 =	sadd.s32 s4, s5;
	[dreg:$0x17] =	wrdreg s17  }
0x16: {  	s1 =	ssub.s32 s1, s20;
	s20 =	simm.s32 $0x13880;
	[dreg:$0x18] =	wrdreg s18  }
0x17: {  	s4 =	sadd.s32 $0x2400, s4;
	[dreg:$0x19] =	wrdreg s19;
	s23 =	simm.s32 $0xB880  }
0x18: {  	s7 =	simm.s32 $0xC880;
	s24 =	simm.s32 $0xD080;
	s25 =	simm.s32 $0xD880  }
0x19: {  	s8 =	simm.s32 $0x80;
	s26 =	simm.s32 $0xE080;
	s9 =	simm.s32 $0xC080  }
0x1a: {  	s11 =	simm.s32 $0xF080;
	s12 =	simm.s32 $0xF880;
	s13 =	simm.s32 $0x10080  }
0x1b: {  	s14 =	simm.s32 $0x10880;
	s15 =	simm.s32 $0x11080;
	[dreg:$0x3] =	wrdreg s4  }
0x1c: {  	s16 =	simm.s32 $0x11880;
	s17 =	simm.s32 $0x12080;
	[dreg:$0x1c] =	wrdreg s23  }
0x1d: {  	s18 =	simm.s32 $0x12880;
	s19 =	simm.s32 $0x13080;
	[dreg:$0x1d] =	wrdreg s7  }
0x1e: {  	s5 =	sadd.s32 s6, s5;
	s6 =	simm.s32 $0x3880;
	[dreg:$0x1e] =	wrdreg s24  }
0x1f: {  	s4 =	sadd.s32 $0x100, s2;
	s7 =	simm.s32 $0x3;
	[dreg:$0x1f] =	wrdreg s25  }
0x20: {  	[smem:$0x7FD] =	sst s26;
	s23 =	simm.s32 $0x15080;
	s24 =	simm.s32 $0x15880  }
0x21: {  	s25 =	simm.s32 $0x16080;
	s21 =	sadd.s32 $0x2A00, s5;
	[dreg:$0xc] =	wrdreg s6  }
0x22: {  	s26 =	simm.s32 $0x16880;
	s22 =	sadd.s32 $0x4200, s5;
	[dreg:$0x4] =	wrdreg s21  }
0x23: {  	s5 =	simm.s32 $0x3080;
	s6 =	smax.u32 s1, $0x1;
	[dreg:$0x5] =	wrdreg s22  }
0x24: {  	v2 =	vlaneseq.u32;
	s1 =	simm.s32 $0x2;
	[dreg:$0xb] =	wrdreg s5;
	s21 =	simm.s32 $0xA880  }
0x25: {  	vm0 =	vmmov $0xffff;
	v1 =	vshrl.u32 v2, $0x3;
	s22 =	simm.s32 $0xB080;
	s5 =	sadd.s32 $0x200, s2;
	[dreg:$0x1a] =	wrdreg s21  }
0x26: {  	v0 =	vand.u32 $0x7, v2;
	v2 =	vor.u32 $0x8, v2;
	v1 =	vmul.u32 $0x8, v1;
	[dreg:$0x1b] =	wrdreg s22;
	s21 =	simm.s32 $0x14080;
	s22 =	simm.s32 $0x14880  }
.LBB2_1:
0x27: {  	s0 =	rddreg [dreg:$0x3]  }
0x28: {  	[tilespmem:s3], [sflag:$0x3] =	stream.linear.gather [hbm4b:s0+s3], $0x80, $0x38;
	[tilespmem:$0x18080] =	vst v63  }
0x29: {  	_ =	swait.ge [sflag:s7], $0x80  }
0x2a: {  	[sflag:s7] =	ssyncset.done $0x0  }
0x2b: {  	[sflag:s7] =	ssyncadd.s32 $0xFFFFFF80  }
0x2c: {  	v3 =	vld [tilespmem:$0x0];
	_ =	sdelay $0x4  }
0x2d: {  	v4 =	vshrl.u32 v3, $0x3  }
0x2e: {  	v4 =	vmul.u32 $0x30, v4  }
0x2f: {  	v3 =	vand.u32 $0x7, v3  }
0x30: {  	v3 =	vor.u32 v3, v4  }
0x31: {  	v4 =	vperm.xlane v3, v0;
	_ =	sdelay $0x1  }
0x32: {  	v4 =	vadd.s32 v1, v4;
	_ =	sdelay $0x3  }
0x33: {  	v3 =	vperm.xlane v3, v2  }
0x34: {  	[tilespmem:s8], [sflag:$0x1] =	stream.indirect_vreg.gather [hbm4b:s2+s3], $0x80, v4, vm0, $0xb8;
	[tilespmem:$0x18080] =	vst v63  }
0x35: {  	s0 =	rddreg [dreg:$0x6];
	v3 =	vadd.s32 v1, v3  }
0x36: {  	[tilespmem:s0], [sflag:$0x1] =	stream.indirect_vreg.gather [hbm4b:s4+s3], $0x80, v4, vm0, $0xb8;
	[tilespmem:$0x18080] =	vst v63  }
0x37: {  	s10 =	rddreg [dreg:$0x7]  }
0x38: {  	[tilespmem:s10], [sflag:$0x1] =	stream.indirect_vreg.gather [hbm4b:s5+s3], $0x80, v4, vm0, $0xb8;
	[tilespmem:$0x18080] =	vst v63  }
0x39: {  	s0 =	rddreg [dreg:$0x8]  }
0x3a: {  	[tilespmem:s0], [sflag:$0x1] =	stream.indirect_vreg.gather [hbm4b:s2+s3], $0x80, v3, vm0, $0xb8;
	[tilespmem:$0x18080] =	vst v63  }
0x3b: {  	s10 =	rddreg [dreg:$0x9]  }
0x3c: {  	[tilespmem:s10], [sflag:$0x1] =	stream.indirect_vreg.gather [hbm4b:s4+s3], $0x80, v3, vm0, $0xb8;
	[tilespmem:$0x18080] =	vst v63  }
0x3d: {  	s0 =	rddreg [dreg:$0xa]  }
0x3e: {  	[tilespmem:s0], [sflag:$0x1] =	stream.indirect_vreg.gather [hbm4b:s5+s3], $0x80, v3, vm0, $0xb8;
	[tilespmem:$0x18080] =	vst v63  }
0x3f: {  	v3 =	vld [tilespmem:$0x10];
	_ =	sdelay $0x4  }
0x40: {  	v57 =	vshrl.u32 v3, $0x3  }
0x41: {  	v4 =	vmul.u32 $0x30, v57  }
0x42: {  	v3 =	vand.u32 $0x7, v3  }
0x43: {  	v3 =	vor.u32 v3, v4  }
0x44: {  	v4 =	vperm.xlane v3, v0;
	_ =	sdelay $0x1  }
0x45: {  	v4 =	vadd.s32 v1, v4;
	_ =	sdelay $0x3  }
0x46: {  	s0 =	rddreg [dreg:$0xb];
	v3 =	vperm.xlane v3, v2  }
0x47: {  	[tilespmem:s0], [sflag:$0x1] =	stream.indirect_vreg.gather [hbm4b:s2+s3], $0x80, v4, vm0, $0xb8;
	[tilespmem:$0x18080] =	vst v63  }
0x48: {  	s10 =	rddreg [dreg:$0xc];
	v3 =	vadd.s32 v1, v3  }
0x49: {  	[tilespmem:s10], [sflag:$0x1] =	stream.indirect_vreg.gather [hbm4b:s4+s3], $0x80, v4, vm0, $0xb8;
	[tilespmem:$0x18080] =	vst v63  }
0x4a: {  	s0 =	rddreg [dreg:$0xd]  }
0x4b: {  	[tilespmem:s0], [sflag:$0x1] =	stream.indirect_vreg.gather [hbm4b:s5+s3], $0x80, v4, vm0, $0xb8;
	[tilespmem:$0x18080] =	vst v63  }
0x4c: {  	s10 =	rddreg [dreg:$0xe]  }
0x4d: {  	[tilespmem:s10], [sflag:$0x1] =	stream.indirect_vreg.gather [hbm4b:s2+s3], $0x80, v3, vm0, $0xb8;
	[tilespmem:$0x18080] =	vst v63  }
0x4e: {  	s0 =	rddreg [dreg:$0xf]  }
0x4f: {  	[tilespmem:s0], [sflag:$0x1] =	stream.indirect_vreg.gather [hbm4b:s4+s3], $0x80, v3, vm0, $0xb8;
	[tilespmem:$0x18080] =	vst v63  }
0x50: {  	s10 =	rddreg [dreg:$0x10]  }
0x51: {  	[tilespmem:s10], [sflag:$0x1] =	stream.indirect_vreg.gather [hbm4b:s5+s3], $0x80, v3, vm0, $0xb8;
	[tilespmem:$0x18080] =	vst v63  }
0x52: {  	v3 =	vld [tilespmem:$0x20];
	_ =	sdelay $0x4  }
0x53: {  	v58 =	vshrl.u32 v3, $0x3  }
0x54: {  	v4 =	vmul.u32 $0x30, v58  }
0x55: {  	v3 =	vand.u32 $0x7, v3  }
0x56: {  	v3 =	vor.u32 v3, v4  }
0x57: {  	v4 =	vperm.xlane v3, v0;
	_ =	sdelay $0x1  }
0x58: {  	v4 =	vadd.s32 v1, v4;
	_ =	sdelay $0x3  }
0x59: {  	s0 =	rddreg [dreg:$0x11];
	v3 =	vperm.xlane v3, v2  }
0x5a: {  	[tilespmem:s0], [sflag:$0x1] =	stream.indirect_vreg.gather [hbm4b:s2+s3], $0x80, v4, vm0, $0xb8;
	[tilespmem:$0x18080] =	vst v63  }
0x5b: {  	s10 =	rddreg [dreg:$0x12];
	v3 =	vadd.s32 v1, v3  }
0x5c: {  	[tilespmem:s10], [sflag:$0x1] =	stream.indirect_vreg.gather [hbm4b:s4+s3], $0x80, v4, vm0, $0xb8;
	[tilespmem:$0x18080] =	vst v63  }
0x5d: {  	s0 =	rddreg [dreg:$0x13]  }
0x5e: {  	[tilespmem:s0], [sflag:$0x1] =	stream.indirect_vreg.gather [hbm4b:s5+s3], $0x80, v4, vm0, $0xb8;
	[tilespmem:$0x18080] =	vst v63  }
0x5f: {  	s10 =	rddreg [dreg:$0x14]  }
0x60: {  	[tilespmem:s10], [sflag:$0x1] =	stream.indirect_vreg.gather [hbm4b:s2+s3], $0x80, v3, vm0, $0xb8;
	[tilespmem:$0x18080] =	vst v63  }
0x61: {  	s0 =	rddreg [dreg:$0x15]  }
0x62: {  	[tilespmem:s0], [sflag:$0x1] =	stream.indirect_vreg.gather [hbm4b:s4+s3], $0x80, v3, vm0, $0xb8;
	[tilespmem:$0x18080] =	vst v63  }
0x63: {  	s10 =	rddreg [dreg:$0x16]  }
0x64: {  	[tilespmem:s10], [sflag:$0x1] =	stream.indirect_vreg.gather [hbm4b:s5+s3], $0x80, v3, vm0, $0xb8;
	[tilespmem:$0x18080] =	vst v63  }
0x65: {  	v3 =	vld [tilespmem:$0x30];
	_ =	sdelay $0x4  }
0x66: {  	v59 =	vshrl.u32 v3, $0x3  }
0x67: {  	v4 =	vmul.u32 $0x30, v59  }
0x68: {  	v3 =	vand.u32 $0x7, v3  }
0x69: {  	v3 =	vor.u32 v3, v4  }
0x6a: {  	v4 =	vperm.xlane v3, v0;
	_ =	sdelay $0x1  }
0x6b: {  	v4 =	vadd.s32 v1, v4;
	_ =	sdelay $0x3  }
0x6c: {  	s0 =	rddreg [dreg:$0x17];
	v3 =	vperm.xlane v3, v2  }
0x6d: {  	[tilespmem:s0], [sflag:$0x1] =	stream.indirect_vreg.gather [hbm4b:s2+s3], $0x80, v4, vm0, $0xb8;
	[tilespmem:$0x18080] =	vst v63  }
0x6e: {  	s10 =	rddreg [dreg:$0x18];
	v3 =	vadd.s32 v1, v3  }
0x6f: {  	[tilespmem:s10], [sflag:$0x1] =	stream.indirect_vreg.gather [hbm4b:s4+s3], $0x80, v4, vm0, $0xb8;
	[tilespmem:$0x18080] =	vst v63  }
0x70: {  	s0 =	rddreg [dreg:$0x19]  }
0x71: {  	[tilespmem:s0], [sflag:$0x1] =	stream.indirect_vreg.gather [hbm4b:s5+s3], $0x80, v4, vm0, $0xb8;
	[tilespmem:$0x18080] =	vst v63  }
0x72: {  	s10 =	rddreg [dreg:$0x1a]  }
0x73: {  	[tilespmem:s10], [sflag:$0x1] =	stream.indirect_vreg.gather [hbm4b:s2+s3], $0x80, v3, vm0, $0xb8;
	[tilespmem:$0x18080] =	vst v63  }
0x74: {  	s0 =	rddreg [dreg:$0x1b]  }
0x75: {  	[tilespmem:s0], [sflag:$0x1] =	stream.indirect_vreg.gather [hbm4b:s4+s3], $0x80, v3, vm0, $0xb8;
	[tilespmem:$0x18080] =	vst v63  }
0x76: {  	s10 =	rddreg [dreg:$0x1c]  }
0x77: {  	[tilespmem:s10], [sflag:$0x1] =	stream.indirect_vreg.gather [hbm4b:s5+s3], $0x80, v3, vm0, $0xb8;
	[tilespmem:$0x18080] =	vst v63  }
0x78: {  	v3 =	vld [tilespmem:$0x40];
	_ =	sdelay $0x4  }
0x79: {  	v60 =	vshrl.u32 v3, $0x3  }
0x7a: {  	v4 =	vmul.u32 $0x30, v60  }
0x7b: {  	v3 =	vand.u32 $0x7, v3  }
0x7c: {  	v3 =	vor.u32 v3, v4  }
0x7d: {  	v4 =	vperm.xlane v3, v0;
	_ =	sdelay $0x1  }
0x7e: {  	v4 =	vadd.s32 v1, v4;
	_ =	sdelay $0x3  }
0x7f: {  	s0 =	rddreg [dreg:$0x1d];
	v3 =	vperm.xlane v3, v2  }
0x80: {  	[tilespmem:s9], [sflag:$0x2] =	stream.indirect_vreg.gather [hbm4b:s2+s3], $0x80, v4, vm0, $0xb8;
	[tilespmem:$0x18080] =	vst v63  }
0x81: {  	s10 =	rddreg [dreg:$0x1e];
	v3 =	vadd.s32 v1, v3  }
0x82: {  	[tilespmem:s0], [sflag:$0x2] =	stream.indirect_vreg.gather [hbm4b:s4+s3], $0x80, v4, vm0, $0xb8;
	[tilespmem:$0x18080] =	vst v63  }
0x83: {  	s0 =	rddreg [dreg:$0x1f]  }
0x84: {  	[tilespmem:s10], [sflag:$0x2] =	stream.indirect_vreg.gather [hbm4b:s5+s3], $0x80, v4, vm0, $0xb8;
	[tilespmem:$0x18080] =	vst v63  }
0x85: {  	s10 =	sld [smem:$0x7FD]  }
0x86: {  	[tilespmem:s0], [sflag:$0x2] =	stream.indirect_vreg.gather [hbm4b:s2+s3], $0x80, v3, vm0, $0xb8;
	[tilespmem:$0x18080] =	vst v63  }
0x87: {  	_ = 	snop  }
0x88: {  	[tilespmem:s10], [sflag:$0x2] =	stream.indirect_vreg.gather [hbm4b:s4+s3], $0x80, v3, vm0, $0xb8;
	[tilespmem:$0x18080] =	vst v63  }
0x89: {  	s10 =	simm.s32 $0xE880  }
0x8a: {  	[tilespmem:s10], [sflag:$0x2] =	stream.indirect_vreg.gather [hbm4b:s5+s3], $0x80, v3, vm0, $0xb8;
	[tilespmem:$0x18080] =	vst v63  }
0x8b: {  	v3 =	vld [tilespmem:$0x50];
	_ =	sdelay $0x4  }
0x8c: {  	v61 =	vshrl.u32 v3, $0x3  }
0x8d: {  	v4 =	vmul.u32 $0x30, v61  }
0x8e: {  	v3 =	vand.u32 $0x7, v3  }
0x8f: {  	v3 =	vor.u32 v3, v4  }
0x90: {  	v4 =	vperm.xlane v3, v0;
	_ =	sdelay $0x1  }
0x91: {  	v4 =	vadd.s32 v1, v4;
	_ =	sdelay $0x3  }
0x92: {  	v3 =	vperm.xlane v3, v2  }
0x93: {  	[tilespmem:s11], [sflag:$0x2] =	stream.indirect_vreg.gather [hbm4b:s2+s3], $0x80, v4, vm0, $0xb8;
	[tilespmem:$0x18080] =	vst v63  }
0x94: {  	v3 =	vadd.s32 v1, v3  }
0x95: {  	[tilespmem:s12], [sflag:$0x2] =	stream.indirect_vreg.gather [hbm4b:s4+s3], $0x80, v4, vm0, $0xb8;
	[tilespmem:$0x18080] =	vst v63  }
0x96: {  	_ = 	snop  }
0x97: {  	[tilespmem:s13], [sflag:$0x2] =	stream.indirect_vreg.gather [hbm4b:s5+s3], $0x80, v4, vm0, $0xb8;
	[tilespmem:$0x18080] =	vst v63  }
0x98: {  	_ = 	snop  }
0x99: {  	[tilespmem:s14], [sflag:$0x2] =	stream.indirect_vreg.gather [hbm4b:s2+s3], $0x80, v3, vm0, $0xb8;
	[tilespmem:$0x18080] =	vst v63  }
0x9a: {  	_ = 	snop  }
0x9b: {  	[tilespmem:s15], [sflag:$0x2] =	stream.indirect_vreg.gather [hbm4b:s4+s3], $0x80, v3, vm0, $0xb8;
	[tilespmem:$0x18080] =	vst v63  }
0x9c: {  	_ = 	snop  }
0x9d: {  	[tilespmem:s16], [sflag:$0x2] =	stream.indirect_vreg.gather [hbm4b:s5+s3], $0x80, v3, vm0, $0xb8;
	[tilespmem:$0x18080] =	vst v63  }
0x9e: {  	v3 =	vld [tilespmem:$0x60];
	_ =	sdelay $0x4  }
0x9f: {  	v62 =	vshrl.u32 v3, $0x3  }
0xa0: {  	v4 =	vmul.u32 $0x30, v62  }
0xa1: {  	v3 =	vand.u32 $0x7, v3  }
0xa2: {  	v3 =	vor.u32 v3, v4  }
0xa3: {  	v4 =	vperm.xlane v3, v0;
	_ =	sdelay $0x1  }
0xa4: {  	v4 =	vadd.s32 v1, v4;
	_ =	sdelay $0x3  }
0xa5: {  	v3 =	vperm.xlane v3, v2  }
0xa6: {  	[tilespmem:s17], [sflag:$0x2] =	stream.indirect_vreg.gather [hbm4b:s2+s3], $0x80, v4, vm0, $0xb8;
	[tilespmem:$0x18080] =	vst v63  }
0xa7: {  	v3 =	vadd.s32 v1, v3  }
0xa8: {  	[tilespmem:s18], [sflag:$0x2] =	stream.indirect_vreg.gather [hbm4b:s4+s3], $0x80, v4, vm0, $0xb8;
	[tilespmem:$0x18080] =	vst v63  }
0xa9: {  	_ = 	snop  }
0xaa: {  	[tilespmem:s19], [sflag:$0x2] =	stream.indirect_vreg.gather [hbm4b:s5+s3], $0x80, v4, vm0, $0xb8;
	[tilespmem:$0x18080] =	vst v63  }
0xab: {  	_ = 	snop  }
0xac: {  	[tilespmem:s20], [sflag:$0x2] =	stream.indirect_vreg.gather [hbm4b:s2+s3], $0x80, v3, vm0, $0xb8;
	[tilespmem:$0x18080] =	vst v63  }
0xad: {  	_ = 	snop  }
0xae: {  	[tilespmem:s21], [sflag:$0x2] =	stream.indirect_vreg.gather [hbm4b:s4+s3], $0x80, v3, vm0, $0xb8;
	[tilespmem:$0x18080] =	vst v63  }
0xaf: {  	_ = 	snop  }
0xb0: {  	[tilespmem:s22], [sflag:$0x2] =	stream.indirect_vreg.gather [hbm4b:s5+s3], $0x80, v3, vm0, $0xb8;
	[tilespmem:$0x18080] =	vst v63  }
0xb1: {  	v3 =	vld [tilespmem:$0x70];
	_ =	sdelay $0x4  }
0xb2: {  	v63 =	vshrl.u32 v3, $0x3  }
0xb3: {  	v4 =	vmul.u32 $0x30, v63  }
0xb4: {  	v3 =	vand.u32 $0x7, v3  }
0xb5: {  	v3 =	vor.u32 v3, v4  }
0xb6: {  	v4 =	vperm.xlane v3, v0;
	_ =	sdelay $0x1  }
0xb7: {  	v4 =	vadd.s32 v1, v4;
	_ =	sdelay $0x3  }
0xb8: {  	v3 =	vperm.xlane v3, v2  }
0xb9: {  	[tilespmem:s23], [sflag:$0x2] =	stream.indirect_vreg.gather [hbm4b:s2+s3], $0x80, v4, vm0, $0xb8;
	[tilespmem:$0x18080] =	vst v63  }
0xba: {  	v3 =	vadd.s32 v1, v3  }
0xbb: {  	[tilespmem:s24], [sflag:$0x2] =	stream.indirect_vreg.gather [hbm4b:s4+s3], $0x80, v4, vm0, $0xb8;
	[tilespmem:$0x18080] =	vst v63  }
0xbc: {  	_ = 	snop  }
0xbd: {  	[tilespmem:s25], [sflag:$0x2] =	stream.indirect_vreg.gather [hbm4b:s5+s3], $0x80, v4, vm0, $0xb8;
	[tilespmem:$0x18080] =	vst v63  }
0xbe: {  	_ = 	snop  }
0xbf: {  	[tilespmem:s26], [sflag:$0x2] =	stream.indirect_vreg.gather [hbm4b:s2+s3], $0x80, v3, vm0, $0xb8;
	[tilespmem:$0x18080] =	vst v63  }
0xc0: {  	_ = 	snop  }
0xc1: {  	[tilespmem:s28], [sflag:$0x2] =	stream.indirect_vreg.gather [hbm4b:s4+s3], $0x80, v3, vm0, $0xb8;
	[tilespmem:$0x18080] =	vst v63  }
0xc2: {  	_ = 	snop  }
0xc3: {  	[tilespmem:s29], [sflag:$0x2] =	stream.indirect_vreg.gather [hbm4b:s5+s3], $0x80, v3, vm0, $0xb8;
	[tilespmem:$0x18080] =	vst v63  }
0xc4: {  	_ =	swait.ge [sflag:s30], $0xC000  }
0xc5: {  	[sflag:s30] =	ssyncset.done $0x0  }
0xc6: {  	s10 =	rddreg [dreg:$0x4];
	[sflag:s30] =	ssyncadd.s32 $0xFFFF4000  }
0xc7: {  	[hbm4b:s10+s3] =	stream.linear.scatter [tilespmem:s8], [sflag:$0x4], $0xC000, $0x38;
	[tilespmem:$0x18080] =	vst v63  }
0xc8: {  	_ =	swait.ge [sflag:s31], $0xC000  }
0xc9: {  	[sflag:s31] =	ssyncset.done $0x0  }
0xca: {  	[sflag:s31] =	ssyncadd.s32 $0xFFFF4000  }
0xcb: {  	_ =	swait.ge [sflag:s1], $0xC000  }
0xcc: {  	p0 =	sne.s32 s6, $0x1;
	[sflag:s1] =	ssyncset.done $0x0  }
.Ltmp0:
0xcd: {  	s10 =	rddreg [dreg:$0x5];
	[sflag:s1] =	ssyncadd.s32 $0xFFFF4000;
	(pc) =	sbr.rel @p0 .LBB2_1-.Ltmp0, $4  }
0xce: {  	[hbm4b:s10+s3] =	stream.linear.scatter [tilespmem:s9], [sflag:$0x3], $0xC000, $0x38;
	[tilespmem:$0x18080] =	vst v63  }
0xcf: {  	_ =	swait.ge [sflag:s7], $0xC000  }
0xd0: {  	[sflag:s7] =	ssyncset.done $0x0  }
0xd1: {  	s6 =	sadd.s32 $0xFFFFFFFF, s6;
	[sflag:s7] =	ssyncadd.s32 $0xFFFF4000  }
0xd2: {  	_ =	sfence.sel $0x180000  }
0xd3: {  	[bflag:$0x0] =	sbarrier.arrive $0xFFFF  }
0xd4: {  	_ =	strace $0x9000004A  }
0xd5: {  	s0 =	stileid.u32;
	[bflag:$0x2] =	sbarrier.arrive $0xFFFF  }
0xd6: {  	p0 =	sne.s32 s0, $0x0;
	s0 =	rddreg [dreg:$0x2]  }
0xd7: {  	s0 =	sadd.s32 @!p0 $0x100000, s0  }
0xd8: {  	[sflag:s0] =	ssyncadd.tile.s32 @!p0 $0x1;
	_ =	shalt  }
.Lfunc_end2:
_tile_overlayer_lowered:
.L_overlay_start_2:
0xd9: {  	(tag) =	ssettag $0x2  }
0xda: {  	s0 =	rddreg [dreg:$0x0];
	s2 =	stileid.u32  }
0xdb: {  	s1 =	rddreg [dreg:$0x1];
	p0 =	sne.s32 s2, $0x0  }
0xdc: {  	s3 =	rddreg [dreg:$0x2];
	[bflag:$0x3] =	sbarrier.arrive $0xFFFF;
	s2 =	simm.s32 @!p0 $0x1C03  }
0xdd: {  	[timem:s3], [sflag:s2] =	dma.local @!p0 [hbm:s0], s1  }
0xde: {  	s0 =	simm.s32 @!p0 $0x3  }
0xdf: {  	_ =	swait.ge @!p0 [sflag:s0], s1  }
0xe0: {  	s1 =	ssub.s32 @!p0 $0x0, s1;
	[sflag:s0] =	ssyncset.done @!p0 $0x0  }
0xe1: {  	[sflag:s0] =	ssyncadd.s32 @!p0 s1  }
0xe2: {  	[bflag:$0x3] =	sbarrier.arrive $0xFFFF  }
0xe3: {  	_ =	shalt  }

// kernel: kernel.16.cloned.1.call-start
scs
__scs_entry_jumppad:
0x0: {  	(pc) =	sbr.rel $0x88, $3  }
0x1: {  	(tag) =	ssettag $0x0;
	lr =	simm.s32 $0x1  }
0x2: {  	[smem:$0x3F9A] =	sst lr;
	_ =	strace $0xD0000000  }
0x3: {  	_ = 	snop  }
0x4: {  	_ = 	snop  }
0x5: {  	_ = 	snop  }
0x6: {  	_ = 	snop  }
0x7: {  	_ = 	snop  }
__scs_overlays_trampoline_lowered:
0x8: {  	[smem:$0x3FA9] =	sst s0  }
0x9: {  	[smem:$0x3FAA] =	sst s1  }
0xa: {  	[smem:$0x3FAB] =	sst s2  }
0xb: {  	[smem:$0x3FAC] =	sst s3  }
0xc: {  	[smem:$0x3FAD] =	sst s4  }
0xd: {  	[smem:$0x3FAE] =	sst s5  }
0xe: {  	[smem:$0x3FAF] =	sst s6  }
0xf: {  	[smem:$0x3FB0] =	sst s7  }
0x10: {  	[smem:$0x3FB1] =	sst s8  }
0x11: {  	[smem:$0x3FB2] =	sst s9;
	s0 =	simm.s32 @!p0 $0x0  }
0x12: {  	s1 =	sld [smem:$0x3F98];
	s0 =	simm.s32 @p0 $0x1  }
0x13: {  	[smem:$0x3FB3] =	sst s0;
	s0 =	simm.s32 @!p1 $0x0  }
0x14: {  	s2 =	sld [smem:$0x3F97];
	s0 =	simm.s32 @p1 $0x1  }
0x15: {  	[smem:$0x3FB4] =	sst s0;
	s0 =	simm.s32 @!p2 $0x0  }
0x16: {  	s3 =	sld [smem:$0x3FDB];
	s0 =	simm.s32 @p2 $0x1  }
0x17: {  	s4 =	simm.s32 $0x1BF5;
	[smem:$0x3FB6] =	sst s0  }
0x18: {  	s0 =	sld [smem:$0x3F99];
	_ =	swait.ge [sflag:s4], $0x0  }
0x19: {  	s7 =	sld [smem:$0x3F9A]  }
0x1a: {  	s8 =	sadd.s32 $0xFFFFE003, lr  }
0x1b: {  	s9 =	sadd.s32 $0xFFFFFEF7, lr;
	s5 =	simm.s32 $0xFFFFFFFF;
	p2 =	slt.u32 s8, $0xFFFFF086  }
0x1c: {  	p1 =	slt.u32 s9, $0xF7A;
	s5 =	simm.s32 @!p2 $0x0  }
0x1d: {  	s5 =	simm.s32 @p1 $0x1;
	p0 =	seq.s32 s7, s2  }
0x1e: {  	s7 =	smul.u32 @!p0 $0xF7A, s2;
	p2 =	seq.s32 @!p0 s5, $0x0  }
0x1f: {  	s9 =	smul.u32 $0xF7A, s1;
	s8 =	simm.s32 @!p0 $0x1BF5;
	p2 =	por !p2, p0  }
0x20: {  	[sflag:s8] =	ssyncset.s32 @!p0 $0xFFFFF086;
	s6 =	sadd.s32 @!p0 s3, s7;
	s7 =	simm.s32 @!p0 $0x108  }
0x21: {  	s3 =	sadd.s32 s3, s9;
	s6 =	sadd.s32 @!p0 $0x88, s6;
	s7 =	simm.s32 @p2 $0x1082  }
0x22: {  	[simem:s7], [sflag:s8] =	dma.local @!p0 [hbm:s6], $0xF7A  }
0x23: {  	s9 =	sor.u32 $0xD0000000, s2;
	s6 =	simm.s32 $0x108;
	_ =	swait.ge @!p0 [sflag:s8], $0x0  }
0x24: {  	s3 =	sadd.s32 $0x88, s3;
	s6 =	simm.s32 @!p1 $0x1082;
	[sflag:s4] =	ssyncset.s32 $0xFFFFF086  }
0x25: {  	[simem:s6], [sflag:s4] =	dma.local [hbm:s3], $0xF7A  }
0x26: {  	[smem:$0x3F9A] =	sst s1;
	(tag) =	ssettag s2;
	_ =	strace s9  }
0x27: {  	s1 =	sld [smem:$0x3FAA]  }
0x28: {  	s2 =	sld [smem:$0x3FAB]  }
0x29: {  	s4 =	sld [smem:$0x3FAD]  }
0x2a: {  	p0 =	seq.s32 s5, $0x0;
	s5 =	sld [smem:$0x3FAE]  }
0x2b: {  	s6 =	sld [smem:$0x3FAF]  }
0x2c: {  	s7 =	sld [smem:$0x3FB0]  }
0x2d: {  	s3 =	simm.s32 $0x108;
	s8 =	sld [smem:$0x3FB1]  }
0x2e: {  	s3 =	simm.s32 @!p0 $0x1082;
	s9 =	sld [smem:$0x3FB2]  }
0x2f: {  	lr =	sadd.s32 s0, s3;
	s0 =	sld [smem:$0x3FA9]  }
0x30: {  	s3 =	sld [smem:$0x3FAC]  }
0x31: {  	[smem:$0x3FB5] =	sst s10  }
0x32: {  	s10 =	sld [smem:$0x3FB3];
	_ =	sdelay $0x3  }
0x33: {  	p0 =	seq.s32 s10, $0x1;
	s10 =	sld [smem:$0x3FB5];
	_ =	sdelay $0x3  }
0x34: {  	[smem:$0x3FB5] =	sst s10  }
0x35: {  	s10 =	sld [smem:$0x3FB4];
	_ =	sdelay $0x3  }
0x36: {  	p1 =	seq.s32 s10, $0x1;
	s10 =	sld [smem:$0x3FB5];
	_ =	sdelay $0x3  }
0x37: {  	[smem:$0x3FB5] =	sst s10  }
0x38: {  	s10 =	sld [smem:$0x3FB6]  }
0x39: {  	_ = 	snop;
	(pc) =	sbr.ind lr, $3  }
0x3a: {  	_ = 	snop  }
0x3b: {  	_ = 	snop  }
0x3c: {  	p2 =	seq.s32 s10, $0x1;
	s10 =	sld [smem:$0x3FB5]  }
0x3d: {  	_ =	shalt  }
0x3e: {  	_ =	shalt  }
0x3f: {  	_ =	shalt  }
0x40: {  	_ =	shalt  }
0x41: {  	_ =	shalt  }
0x42: {  	_ =	shalt  }
0x43: {  	_ =	shalt  }
0x44: {  	_ =	shalt  }
0x45: {  	_ =	shalt  }
0x46: {  	_ =	shalt  }
0x47: {  	_ =	shalt  }
0x48: {  	_ =	shalt  }
0x49: {  	_ =	shalt  }
0x4a: {  	_ =	shalt  }
0x4b: {  	_ =	shalt  }
0x4c: {  	_ =	shalt  }
0x4d: {  	_ =	shalt  }
0x4e: {  	_ =	shalt  }
0x4f: {  	_ =	shalt  }
0x50: {  	_ =	shalt  }
0x51: {  	_ =	shalt  }
0x52: {  	_ =	shalt  }
0x53: {  	_ =	shalt  }
0x54: {  	_ =	shalt  }
0x55: {  	_ =	shalt  }
0x56: {  	_ =	shalt  }
0x57: {  	_ =	shalt  }
0x58: {  	_ =	shalt  }
0x59: {  	_ =	shalt  }
0x5a: {  	_ =	shalt  }
0x5b: {  	_ =	shalt  }
0x5c: {  	_ =	shalt  }
0x5d: {  	_ =	shalt  }
0x5e: {  	_ =	shalt  }
0x5f: {  	_ =	shalt  }
0x60: {  	_ =	shalt  }
0x61: {  	_ =	shalt  }
0x62: {  	_ =	shalt  }
0x63: {  	_ =	shalt  }
0x64: {  	_ =	shalt  }
0x65: {  	_ =	shalt  }
0x66: {  	_ =	shalt  }
0x67: {  	_ =	shalt  }
0x68: {  	_ =	shalt  }
0x69: {  	_ =	shalt  }
0x6a: {  	_ =	shalt  }
0x6b: {  	_ =	shalt  }
0x6c: {  	_ =	shalt  }
0x6d: {  	_ =	shalt  }
0x6e: {  	_ =	shalt  }
0x6f: {  	_ =	shalt  }
0x70: {  	_ =	shalt  }
0x71: {  	_ =	shalt  }
0x72: {  	_ =	shalt  }
0x73: {  	_ =	shalt  }
0x74: {  	_ =	shalt  }
0x75: {  	_ =	shalt  }
0x76: {  	_ =	shalt  }
0x77: {  	_ =	shalt  }
0x78: {  	_ =	shalt  }
0x79: {  	_ =	shalt  }
0x7a: {  	_ =	shalt  }
0x7b: {  	_ =	shalt  }
0x7c: {  	_ =	shalt  }
0x7d: {  	_ =	shalt  }
0x7e: {  	_ =	shalt  }
0x7f: {  	_ =	shalt  }
0x80: {  	_ =	shalt  }
0x81: {  	_ =	shalt  }
0x82: {  	_ =	shalt  }
0x83: {  	_ =	shalt  }
0x84: {  	_ =	shalt  }
0x85: {  	_ =	shalt  }
0x86: {  	_ =	shalt  }
0x87: {  	_ =	shalt  }
.Lfunc_end0:
.L_simem_size_0:
called_computation.2_lowered:
.L_overlay_start_0:
0x88: {  	s2 =	sld [smem:$0x3FD9]  }
0x89: {  	s3 =	sld [smem:$0x3FFE];
	_ =	sdelay $0x1  }
0x8a: {  	s1 =	srdreg.scid  }
0x8b: {  	s0 =	sand.u32 $0x1, s1  }
0x8c: {  	s17 =	sshll.u32 s0, $0xA;
	s2 =	sadd.s32 s3, s2  }
0x8d: {  	s2 =	sadd.s32 s2, s17  }
0x8e: {  	[smem:$0x3FC1] =	sst s2  }
0x8f: {  	_ = 	snop  }
0x90: {  	s18 =	sld [smem:$0x3FC7];
	(tm) =	ssettm $0x1  }
0x91: {  	s19 =	sld [smem:$0x3FFB];
	_ =	sdelay $0x3  }
0x92: {  	_ =	strace s19  }
0x93: {  	s2 =	sld [smem:$0x3FFC];
	_ =	sdelay $0x3  }
0x94: {  	_ =	strace s2  }
0x95: {  	s2 =	sld [smem:$0x3FFD];
	_ =	sdelay $0x3  }
0x96: {  	_ =	strace s2  }
0x97: {  	_ =	strace $0x8FFFFFFF  }
0x98: {  	s20 =	sld [smem:$0x3FDB];
	_ =	sdelay $0x1  }
0x99: {  	s4 =	simm.s32 $_scs_section_size  }
0x9a: {  	s5 =	simm.s32 $_size__tile_overlayer_lowered;
	s6 =	simm.s32 $_tile_overlayer_lowered  }
0x9b: {  	s7 =	simm.s32 $0x1BFF;
	s21 =	sshll.u32 s6, $0x1;
	s4 =	sadd.s32 s4, s20  }
0x9c: {  	s22 =	simm.s32 $0x0;
	s5 =	sshll.u32 s5, $0x1;
	s6 =	sadd.s32 s21, s4  }
0x9d: {  	[timem:s22], [sflag:s7] =	dma.local [hbm:s6], s5  }
0x9e: {  	_ =	swait.ge [sflag:s7], s5  }
0x9f: {  	s5 =	ssub.s32 $0x0, s5;
	[sflag:s7] =	ssyncset.done $0x0  }
0xa0: {  	[sflag:s7] =	ssyncadd.s32 s5;
	_ =	sdelay $0x1  }
0xa1: {  	s23 =	simm.s32 $0x1B8B  }
0xa2: {  	_ =	swait.ge [sflag:s23], $0x1  }
0xa3: {  	[sflag:s23] =	ssyncset.done $0x0  }
0xa4: {  	[sflag:s23] =	ssyncadd.s32 $0xFFFFFFFF  }
0xa5: {  	s5 =	sld [smem:$0x0]  }
0xa6: {  	s6 =	sand.u32 $0xFFFFFFFE, s1  }
0xa7: {  	p0 =	sne.s32 s1, s6  }
0xa8: {  	s6 =	sshll.u32 @p0 s6, $0xE  }
0xa9: {  	s6 =	sadd.s32 @p0 $0x11B8D, s6;
	s7 =	sshll.u32 @p0 s5, $0x11  }
0xaa: {  	s6 =	sor.u32 @p0 s7, s6  }
0xab: {  	[sflag:s6] =	ssyncadd.remote.s32 @p0 $0x1;
	_ =	sdelay $0x1  }
0xac: {  	s6 =	simm.s32 @p0 $0x1B8D  }
0xad: {  	_ =	swait.eq @p0 [sflag:s6], $0x1  }
0xae: {  	[sflag:s6] =	ssyncadd.s32 @p0 $0xFFFFFFFF  }
0xaf: {  	s7 =	sshll.u32 @!p0 s1, $0xE  }
0xb0: {  	s7 =	sor.u32 @!p0 $0x4000, s7;
	s6 =	simm.s32 @!p0 $0x1B8D  }
0xb1: {  	s5 =	sshll.u32 @!p0 s5, $0x11;
	s7 =	sadd.s32 @!p0 $0x11B8D, s7;
	_ =	swait.eq @!p0 [sflag:s6], $0x1  }
0xb2: {  	s5 =	sor.u32 @!p0 s5, s7;
	[sflag:s6] =	ssyncadd.s32 @!p0 $0xFFFFFFFF  }
0xb3: {  	s25 =	simm.s32 $0x1B8E;
	s24 =	sld [smem:$0x3FFE];
	[sflag:s5] =	ssyncadd.remote.s32 @!p0 $0x1  }
0xb4: {  	s26 =	simm.s32 $execute0_lowered;
	[smem:$0x3FD2] =	sst s25  }
0xb5: {  	s6 =	sshll.u32 s26, $0x1;
	_ =	strace $0x8000004C;
	[dreg:$0x1] =	wrdreg $0xFFFFFFFF  }
0xb6: {  	s28 =	simm.s32 $_size_execute0_lowered;
	s4 =	sadd.s32 s4, s6;
	[dreg:$0x0] =	wrdreg $0x0  }
0xb7: {  	s6 =	sshll.u32 s28, $0x1;
	[dreg:$0x2] =	wrdreg s4  }
0xb8: {  	[dreg:$0x3] =	wrdreg s6  }
0xb9: {  	[dreg:$0x4] =	wrdreg $0xC0  }
0xba: {  	_ =	task [dreg:s22], $0x5FFFF  }
0xbb: {  	[dreg:$0x1] =	wrdreg $0xFFFFFFFF  }
0xbc: {  	[dreg:$0x0] =	wrdreg $0x60  }
0xbd: {  	[dreg:$0x2] =	wrdreg s18  }
0xbe: {  	[dreg:$0x3] =	wrdreg s24  }
0xbf: {  	[dreg:$0x4] =	wrdreg $0xB  }
0xc0: {  	_ =	task.clear_ibuf [dreg:s22], $0x5FFFF;
	_ =	strace $0x9000004C  }
0xc1: {  	s29 =	simm.s32 $0xB;
	_ =	strace $0x8000004E  }
0xc2: {  	_ =	swait.ge [sflag:s29], $0x1  }
0xc3: {  	[sflag:s29] =	ssyncadd.s32 $0xFFFFFFFF  }
0xc4: {  	_ =	strace $0x9000004E  }
0xc5: {  	_ =	sfence  }
0xc6: {  	s30 =	sld [smem:$0x0];
	_ =	sdelay $0x2  }
0xc7: {  	s31 =	sshll.u32 s1, $0xD;
	s1 =	sshrl.u32 s1, $0x2  }
0xc8: {  	s4 =	sand.u32 $0x4000, s31;
	s1 =	sadd.s32 s1, s30  }
0xc9: {  	s0 =	sor.u32 s4, s0;
	s1 =	sshll.u32 s1, $0x11  }
0xca: {  	s0 =	sor.u32 s1, s0  }
0xcb: {  	s0 =	sadd.s32 $0x8F2B, s0  }
0xcc: {  	[sflag:s0] =	ssyncadd.remote.s32 $0x1  }
0xcd: {  	_ =	sfence.sel $0xFFFF  }
0xce: {  	[dreg:$0x0] =	wrdreg $0xFFFFFFFF;
	(pc) =	sbr.abs _section_cstart, $3  }
0xcf: {  	[dreg:$0x1] =	wrdreg $0xFFFFFFFF  }
0xd0: {  	_ =	task.clear_ibuf [dreg:s22], $0x2FFFF;
	_ =	strace $0x9FFFFFFF  }
0xd1: {  	(tm) =	ssettm $0x7FFFFFFF  }
tec
execute0_lowered:
.L_overlay_start_1:
0x0: {  	(tag) =	ssettag $0x1  }
0x1: {  	s1 =	srdreg.scid  }
0x2: {  	s0 =	stileid.u32;
	s1 =	sand.u32 $0x1, s1  }
0x3: {  	s2 =	rddreg [dreg:$0x0];
	s3 =	sshll.u32 s0, $0x5;
	s4 =	sshll.u32 s1, $0x4  }
0x4: {  	s5 =	rddreg [dreg:$0x1];
	s4 =	sor.u32 s4, s3;
	s3 =	simm.s32 $0x0  }
0x5: {  	s23 =	simm.s32 $0x880;
	[smem:$0x7FF] =	sst s3  }
0x6: {  	s24 =	simm.s32 $0x1080;
	_ =	strace $0x8000004D;
	[dreg:$0x6] =	wrdreg s23  }
0x7: {  	s25 =	simm.s32 $0x1880;
	[dreg:$0x7] =	wrdreg s24  }
0x8: {  	s26 =	simm.s32 $0x2080;
	[dreg:$0x8] =	wrdreg s25  }
0x9: {  	s0 =	simm.s32 $0x2880;
	[dreg:$0x9] =	wrdreg s26  }
0xa: {  	s7 =	simm.s32 $0x4080;
	[dreg:$0xa] =	wrdreg s0  }
0xb: {  	s8 =	simm.s32 $0x4880;
	[dreg:$0xd] =	wrdreg s7  }
0xc: {  	s9 =	simm.s32 $0x5080;
	[dreg:$0xe] =	wrdreg s8  }
0xd: {  	s10 =	simm.s32 $0x5880;
	s11 =	simm.s32 $0x6080;
	[dreg:$0xf] =	wrdreg s9  }
0xe: {  	s12 =	simm.s32 $0x6880;
	s13 =	simm.s32 $0x7080;
	[dreg:$0x10] =	wrdreg s10  }
0xf: {  	s14 =	simm.s32 $0x7880;
	s15 =	simm.s32 $0x8080;
	[dreg:$0x11] =	wrdreg s11  }
0x10: {  	s16 =	simm.s32 $0x8880;
	s17 =	simm.s32 $0x9080;
	[dreg:$0x12] =	wrdreg s12  }
0x11: {  	s18 =	simm.s32 $0x9880;
	s19 =	simm.s32 $0xA080;
	[dreg:$0x13] =	wrdreg s13  }
0x12: {  	s28 =	simm.s32 $0x17080;
	s29 =	simm.s32 $0x17880;
	[dreg:$0x14] =	wrdreg s14  }
0x13: {  	s30 =	simm.s32 $0x1;
	s1 =	ssub.s32 $0x2, s1;
	[dreg:$0x15] =	wrdreg s15  }
0x14: {  	s31 =	simm.s32 $0x4;
	s20 =	sshrl.u32 s1, $0x1;
	[dreg:$0x16] =	wrdreg s16  }
0x15: {  	s6 =	smul.u32 $0x300, s4;
	s4 =	sadd.s32 s4, s5;
	[dreg:$0x17] =	wrdreg s17  }
0x16: {  	s1 =	ssub.s32 s1, s20;
	s20 =	simm.s32 $0x13880;
	[dreg:$0x18] =	wrdreg s18  }
0x17: {  	s4 =	sadd.s32 $0x2600, s4;
	[dreg:$0x19] =	wrdreg s19;
	s23 =	simm.s32 $0xB880  }
0x18: {  	s7 =	simm.s32 $0xC880;
	s24 =	simm.s32 $0xD080;
	s25 =	simm.s32 $0xD880  }
0x19: {  	s8 =	simm.s32 $0x80;
	s26 =	simm.s32 $0xE080;
	s9 =	simm.s32 $0xC080  }
0x1a: {  	s11 =	simm.s32 $0xF080;
	s12 =	simm.s32 $0xF880;
	s13 =	simm.s32 $0x10080  }
0x1b: {  	s14 =	simm.s32 $0x10880;
	s15 =	simm.s32 $0x11080;
	[dreg:$0x3] =	wrdreg s4  }
0x1c: {  	s16 =	simm.s32 $0x11880;
	s17 =	simm.s32 $0x12080;
	[dreg:$0x1c] =	wrdreg s23  }
0x1d: {  	s18 =	simm.s32 $0x12880;
	s19 =	simm.s32 $0x13080;
	[dreg:$0x1d] =	wrdreg s7  }
0x1e: {  	s5 =	sadd.s32 s6, s5;
	s6 =	simm.s32 $0x3880;
	[dreg:$0x1e] =	wrdreg s24  }
0x1f: {  	s4 =	sadd.s32 $0x100, s2;
	s7 =	simm.s32 $0x3;
	[dreg:$0x1f] =	wrdreg s25  }
0x20: {  	[smem:$0x7FD] =	sst s26;
	s23 =	simm.s32 $0x15080;
	s24 =	simm.s32 $0x15880  }
0x21: {  	s25 =	simm.s32 $0x16080;
	s21 =	sadd.s32 $0x62A00, s5;
	[dreg:$0xc] =	wrdreg s6  }
0x22: {  	s26 =	simm.s32 $0x16880;
	s22 =	sadd.s32 $0x64200, s5;
	[dreg:$0x4] =	wrdreg s21  }
0x23: {  	s5 =	simm.s32 $0x3080;
	s6 =	smax.u32 s1, $0x1;
	[dreg:$0x5] =	wrdreg s22  }
0x24: {  	v2 =	vlaneseq.u32;
	s1 =	simm.s32 $0x2;
	[dreg:$0xb] =	wrdreg s5;
	s21 =	simm.s32 $0xA880  }
0x25: {  	vm0 =	vmmov $0xffff;
	v1 =	vshrl.u32 v2, $0x3;
	s22 =	simm.s32 $0xB080;
	s5 =	sadd.s32 $0x200, s2;
	[dreg:$0x1a] =	wrdreg s21  }
0x26: {  	v0 =	vand.u32 $0x7, v2;
	v2 =	vor.u32 $0x8, v2;
	v1 =	vmul.u32 $0x8, v1;
	[dreg:$0x1b] =	wrdreg s22;
	s21 =	simm.s32 $0x14080;
	s22 =	simm.s32 $0x14880  }
.LBB2_1:
0x27: {  	s0 =	rddreg [dreg:$0x3]  }
0x28: {  	[tilespmem:s3], [sflag:$0x3] =	stream.linear.gather [hbm4b:s0+s3], $0x80, $0x38;
	[tilespmem:$0x18080] =	vst v63  }
0x29: {  	_ =	swait.ge [sflag:s7], $0x80  }
0x2a: {  	[sflag:s7] =	ssyncset.done $0x0  }
0x2b: {  	[sflag:s7] =	ssyncadd.s32 $0xFFFFFF80  }
0x2c: {  	v3 =	vld [tilespmem:$0x0];
	_ =	sdelay $0x4  }
0x2d: {  	v4 =	vshrl.u32 v3, $0x3  }
0x2e: {  	v4 =	vmul.u32 $0x30, v4  }
0x2f: {  	v3 =	vand.u32 $0x7, v3  }
0x30: {  	v3 =	vor.u32 v3, v4  }
0x31: {  	v4 =	vperm.xlane v3, v0;
	_ =	sdelay $0x1  }
0x32: {  	v4 =	vadd.s32 v1, v4;
	_ =	sdelay $0x3  }
0x33: {  	v3 =	vperm.xlane v3, v2  }
0x34: {  	[tilespmem:s8], [sflag:$0x1] =	stream.indirect_vreg.gather [hbm4b:s2+s3], $0x80, v4, vm0, $0xb8;
	[tilespmem:$0x18080] =	vst v63  }
0x35: {  	s0 =	rddreg [dreg:$0x6];
	v3 =	vadd.s32 v1, v3  }
0x36: {  	[tilespmem:s0], [sflag:$0x1] =	stream.indirect_vreg.gather [hbm4b:s4+s3], $0x80, v4, vm0, $0xb8;
	[tilespmem:$0x18080] =	vst v63  }
0x37: {  	s10 =	rddreg [dreg:$0x7]  }
0x38: {  	[tilespmem:s10], [sflag:$0x1] =	stream.indirect_vreg.gather [hbm4b:s5+s3], $0x80, v4, vm0, $0xb8;
	[tilespmem:$0x18080] =	vst v63  }
0x39: {  	s0 =	rddreg [dreg:$0x8]  }
0x3a: {  	[tilespmem:s0], [sflag:$0x1] =	stream.indirect_vreg.gather [hbm4b:s2+s3], $0x80, v3, vm0, $0xb8;
	[tilespmem:$0x18080] =	vst v63  }
0x3b: {  	s10 =	rddreg [dreg:$0x9]  }
0x3c: {  	[tilespmem:s10], [sflag:$0x1] =	stream.indirect_vreg.gather [hbm4b:s4+s3], $0x80, v3, vm0, $0xb8;
	[tilespmem:$0x18080] =	vst v63  }
0x3d: {  	s0 =	rddreg [dreg:$0xa]  }
0x3e: {  	[tilespmem:s0], [sflag:$0x1] =	stream.indirect_vreg.gather [hbm4b:s5+s3], $0x80, v3, vm0, $0xb8;
	[tilespmem:$0x18080] =	vst v63  }
0x3f: {  	v3 =	vld [tilespmem:$0x10];
	_ =	sdelay $0x4  }
0x40: {  	v57 =	vshrl.u32 v3, $0x3  }
0x41: {  	v4 =	vmul.u32 $0x30, v57  }
0x42: {  	v3 =	vand.u32 $0x7, v3  }
0x43: {  	v3 =	vor.u32 v3, v4  }
0x44: {  	v4 =	vperm.xlane v3, v0;
	_ =	sdelay $0x1  }
0x45: {  	v4 =	vadd.s32 v1, v4;
	_ =	sdelay $0x3  }
0x46: {  	s0 =	rddreg [dreg:$0xb];
	v3 =	vperm.xlane v3, v2  }
0x47: {  	[tilespmem:s0], [sflag:$0x1] =	stream.indirect_vreg.gather [hbm4b:s2+s3], $0x80, v4, vm0, $0xb8;
	[tilespmem:$0x18080] =	vst v63  }
0x48: {  	s10 =	rddreg [dreg:$0xc];
	v3 =	vadd.s32 v1, v3  }
0x49: {  	[tilespmem:s10], [sflag:$0x1] =	stream.indirect_vreg.gather [hbm4b:s4+s3], $0x80, v4, vm0, $0xb8;
	[tilespmem:$0x18080] =	vst v63  }
0x4a: {  	s0 =	rddreg [dreg:$0xd]  }
0x4b: {  	[tilespmem:s0], [sflag:$0x1] =	stream.indirect_vreg.gather [hbm4b:s5+s3], $0x80, v4, vm0, $0xb8;
	[tilespmem:$0x18080] =	vst v63  }
0x4c: {  	s10 =	rddreg [dreg:$0xe]  }
0x4d: {  	[tilespmem:s10], [sflag:$0x1] =	stream.indirect_vreg.gather [hbm4b:s2+s3], $0x80, v3, vm0, $0xb8;
	[tilespmem:$0x18080] =	vst v63  }
0x4e: {  	s0 =	rddreg [dreg:$0xf]  }
0x4f: {  	[tilespmem:s0], [sflag:$0x1] =	stream.indirect_vreg.gather [hbm4b:s4+s3], $0x80, v3, vm0, $0xb8;
	[tilespmem:$0x18080] =	vst v63  }
0x50: {  	s10 =	rddreg [dreg:$0x10]  }
0x51: {  	[tilespmem:s10], [sflag:$0x1] =	stream.indirect_vreg.gather [hbm4b:s5+s3], $0x80, v3, vm0, $0xb8;
	[tilespmem:$0x18080] =	vst v63  }
0x52: {  	v3 =	vld [tilespmem:$0x20];
	_ =	sdelay $0x4  }
0x53: {  	v58 =	vshrl.u32 v3, $0x3  }
0x54: {  	v4 =	vmul.u32 $0x30, v58  }
0x55: {  	v3 =	vand.u32 $0x7, v3  }
0x56: {  	v3 =	vor.u32 v3, v4  }
0x57: {  	v4 =	vperm.xlane v3, v0;
	_ =	sdelay $0x1  }
0x58: {  	v4 =	vadd.s32 v1, v4;
	_ =	sdelay $0x3  }
0x59: {  	s0 =	rddreg [dreg:$0x11];
	v3 =	vperm.xlane v3, v2  }
0x5a: {  	[tilespmem:s0], [sflag:$0x1] =	stream.indirect_vreg.gather [hbm4b:s2+s3], $0x80, v4, vm0, $0xb8;
	[tilespmem:$0x18080] =	vst v63  }
0x5b: {  	s10 =	rddreg [dreg:$0x12];
	v3 =	vadd.s32 v1, v3  }
0x5c: {  	[tilespmem:s10], [sflag:$0x1] =	stream.indirect_vreg.gather [hbm4b:s4+s3], $0x80, v4, vm0, $0xb8;
	[tilespmem:$0x18080] =	vst v63  }
0x5d: {  	s0 =	rddreg [dreg:$0x13]  }
0x5e: {  	[tilespmem:s0], [sflag:$0x1] =	stream.indirect_vreg.gather [hbm4b:s5+s3], $0x80, v4, vm0, $0xb8;
	[tilespmem:$0x18080] =	vst v63  }
0x5f: {  	s10 =	rddreg [dreg:$0x14]  }
0x60: {  	[tilespmem:s10], [sflag:$0x1] =	stream.indirect_vreg.gather [hbm4b:s2+s3], $0x80, v3, vm0, $0xb8;
	[tilespmem:$0x18080] =	vst v63  }
0x61: {  	s0 =	rddreg [dreg:$0x15]  }
0x62: {  	[tilespmem:s0], [sflag:$0x1] =	stream.indirect_vreg.gather [hbm4b:s4+s3], $0x80, v3, vm0, $0xb8;
	[tilespmem:$0x18080] =	vst v63  }
0x63: {  	s10 =	rddreg [dreg:$0x16]  }
0x64: {  	[tilespmem:s10], [sflag:$0x1] =	stream.indirect_vreg.gather [hbm4b:s5+s3], $0x80, v3, vm0, $0xb8;
	[tilespmem:$0x18080] =	vst v63  }
0x65: {  	v3 =	vld [tilespmem:$0x30];
	_ =	sdelay $0x4  }
0x66: {  	v59 =	vshrl.u32 v3, $0x3  }
0x67: {  	v4 =	vmul.u32 $0x30, v59  }
0x68: {  	v3 =	vand.u32 $0x7, v3  }
0x69: {  	v3 =	vor.u32 v3, v4  }
0x6a: {  	v4 =	vperm.xlane v3, v0;
	_ =	sdelay $0x1  }
0x6b: {  	v4 =	vadd.s32 v1, v4;
	_ =	sdelay $0x3  }
0x6c: {  	s0 =	rddreg [dreg:$0x17];
	v3 =	vperm.xlane v3, v2  }
0x6d: {  	[tilespmem:s0], [sflag:$0x1] =	stream.indirect_vreg.gather [hbm4b:s2+s3], $0x80, v4, vm0, $0xb8;
	[tilespmem:$0x18080] =	vst v63  }
0x6e: {  	s10 =	rddreg [dreg:$0x18];
	v3 =	vadd.s32 v1, v3  }
0x6f: {  	[tilespmem:s10], [sflag:$0x1] =	stream.indirect_vreg.gather [hbm4b:s4+s3], $0x80, v4, vm0, $0xb8;
	[tilespmem:$0x18080] =	vst v63  }
0x70: {  	s0 =	rddreg [dreg:$0x19]  }
0x71: {  	[tilespmem:s0], [sflag:$0x1] =	stream.indirect_vreg.gather [hbm4b:s5+s3], $0x80, v4, vm0, $0xb8;
	[tilespmem:$0x18080] =	vst v63  }
0x72: {  	s10 =	rddreg [dreg:$0x1a]  }
0x73: {  	[tilespmem:s10], [sflag:$0x1] =	stream.indirect_vreg.gather [hbm4b:s2+s3], $0x80, v3, vm0, $0xb8;
	[tilespmem:$0x18080] =	vst v63  }
0x74: {  	s0 =	rddreg [dreg:$0x1b]  }
0x75: {  	[tilespmem:s0], [sflag:$0x1] =	stream.indirect_vreg.gather [hbm4b:s4+s3], $0x80, v3, vm0, $0xb8;
	[tilespmem:$0x18080] =	vst v63  }
0x76: {  	s10 =	rddreg [dreg:$0x1c]  }
0x77: {  	[tilespmem:s10], [sflag:$0x1] =	stream.indirect_vreg.gather [hbm4b:s5+s3], $0x80, v3, vm0, $0xb8;
	[tilespmem:$0x18080] =	vst v63  }
0x78: {  	v3 =	vld [tilespmem:$0x40];
	_ =	sdelay $0x4  }
0x79: {  	v60 =	vshrl.u32 v3, $0x3  }
0x7a: {  	v4 =	vmul.u32 $0x30, v60  }
0x7b: {  	v3 =	vand.u32 $0x7, v3  }
0x7c: {  	v3 =	vor.u32 v3, v4  }
0x7d: {  	v4 =	vperm.xlane v3, v0;
	_ =	sdelay $0x1  }
0x7e: {  	v4 =	vadd.s32 v1, v4;
	_ =	sdelay $0x3  }
0x7f: {  	s0 =	rddreg [dreg:$0x1d];
	v3 =	vperm.xlane v3, v2  }
0x80: {  	[tilespmem:s9], [sflag:$0x2] =	stream.indirect_vreg.gather [hbm4b:s2+s3], $0x80, v4, vm0, $0xb8;
	[tilespmem:$0x18080] =	vst v63  }
0x81: {  	s10 =	rddreg [dreg:$0x1e];
	v3 =	vadd.s32 v1, v3  }
0x82: {  	[tilespmem:s0], [sflag:$0x2] =	stream.indirect_vreg.gather [hbm4b:s4+s3], $0x80, v4, vm0, $0xb8;
	[tilespmem:$0x18080] =	vst v63  }
0x83: {  	s0 =	rddreg [dreg:$0x1f]  }
0x84: {  	[tilespmem:s10], [sflag:$0x2] =	stream.indirect_vreg.gather [hbm4b:s5+s3], $0x80, v4, vm0, $0xb8;
	[tilespmem:$0x18080] =	vst v63  }
0x85: {  	s10 =	sld [smem:$0x7FD]  }
0x86: {  	[tilespmem:s0], [sflag:$0x2] =	stream.indirect_vreg.gather [hbm4b:s2+s3], $0x80, v3, vm0, $0xb8;
	[tilespmem:$0x18080] =	vst v63  }
0x87: {  	_ = 	snop  }
0x88: {  	[tilespmem:s10], [sflag:$0x2] =	stream.indirect_vreg.gather [hbm4b:s4+s3], $0x80, v3, vm0, $0xb8;
	[tilespmem:$0x18080] =	vst v63  }
0x89: {  	s10 =	simm.s32 $0xE880  }
0x8a: {  	[tilespmem:s10], [sflag:$0x2] =	stream.indirect_vreg.gather [hbm4b:s5+s3], $0x80, v3, vm0, $0xb8;
	[tilespmem:$0x18080] =	vst v63  }
0x8b: {  	v3 =	vld [tilespmem:$0x50];
	_ =	sdelay $0x4  }
0x8c: {  	v61 =	vshrl.u32 v3, $0x3  }
0x8d: {  	v4 =	vmul.u32 $0x30, v61  }
0x8e: {  	v3 =	vand.u32 $0x7, v3  }
0x8f: {  	v3 =	vor.u32 v3, v4  }
0x90: {  	v4 =	vperm.xlane v3, v0;
	_ =	sdelay $0x1  }
0x91: {  	v4 =	vadd.s32 v1, v4;
	_ =	sdelay $0x3  }
0x92: {  	v3 =	vperm.xlane v3, v2  }
0x93: {  	[tilespmem:s11], [sflag:$0x2] =	stream.indirect_vreg.gather [hbm4b:s2+s3], $0x80, v4, vm0, $0xb8;
	[tilespmem:$0x18080] =	vst v63  }
0x94: {  	v3 =	vadd.s32 v1, v3  }
0x95: {  	[tilespmem:s12], [sflag:$0x2] =	stream.indirect_vreg.gather [hbm4b:s4+s3], $0x80, v4, vm0, $0xb8;
	[tilespmem:$0x18080] =	vst v63  }
0x96: {  	_ = 	snop  }
0x97: {  	[tilespmem:s13], [sflag:$0x2] =	stream.indirect_vreg.gather [hbm4b:s5+s3], $0x80, v4, vm0, $0xb8;
	[tilespmem:$0x18080] =	vst v63  }
0x98: {  	_ = 	snop  }
0x99: {  	[tilespmem:s14], [sflag:$0x2] =	stream.indirect_vreg.gather [hbm4b:s2+s3], $0x80, v3, vm0, $0xb8;
	[tilespmem:$0x18080] =	vst v63  }
0x9a: {  	_ = 	snop  }
0x9b: {  	[tilespmem:s15], [sflag:$0x2] =	stream.indirect_vreg.gather [hbm4b:s4+s3], $0x80, v3, vm0, $0xb8;
	[tilespmem:$0x18080] =	vst v63  }
0x9c: {  	_ = 	snop  }
0x9d: {  	[tilespmem:s16], [sflag:$0x2] =	stream.indirect_vreg.gather [hbm4b:s5+s3], $0x80, v3, vm0, $0xb8;
	[tilespmem:$0x18080] =	vst v63  }
0x9e: {  	v3 =	vld [tilespmem:$0x60];
	_ =	sdelay $0x4  }
0x9f: {  	v62 =	vshrl.u32 v3, $0x3  }
0xa0: {  	v4 =	vmul.u32 $0x30, v62  }
0xa1: {  	v3 =	vand.u32 $0x7, v3  }
0xa2: {  	v3 =	vor.u32 v3, v4  }
0xa3: {  	v4 =	vperm.xlane v3, v0;
	_ =	sdelay $0x1  }
0xa4: {  	v4 =	vadd.s32 v1, v4;
	_ =	sdelay $0x3  }
0xa5: {  	v3 =	vperm.xlane v3, v2  }
0xa6: {  	[tilespmem:s17], [sflag:$0x2] =	stream.indirect_vreg.gather [hbm4b:s2+s3], $0x80, v4, vm0, $0xb8;
	[tilespmem:$0x18080] =	vst v63  }
0xa7: {  	v3 =	vadd.s32 v1, v3  }
0xa8: {  	[tilespmem:s18], [sflag:$0x2] =	stream.indirect_vreg.gather [hbm4b:s4+s3], $0x80, v4, vm0, $0xb8;
	[tilespmem:$0x18080] =	vst v63  }
0xa9: {  	_ = 	snop  }
0xaa: {  	[tilespmem:s19], [sflag:$0x2] =	stream.indirect_vreg.gather [hbm4b:s5+s3], $0x80, v4, vm0, $0xb8;
	[tilespmem:$0x18080] =	vst v63  }
0xab: {  	_ = 	snop  }
0xac: {  	[tilespmem:s20], [sflag:$0x2] =	stream.indirect_vreg.gather [hbm4b:s2+s3], $0x80, v3, vm0, $0xb8;
	[tilespmem:$0x18080] =	vst v63  }
0xad: {  	_ = 	snop  }
0xae: {  	[tilespmem:s21], [sflag:$0x2] =	stream.indirect_vreg.gather [hbm4b:s4+s3], $0x80, v3, vm0, $0xb8;
	[tilespmem:$0x18080] =	vst v63  }
0xaf: {  	_ = 	snop  }
0xb0: {  	[tilespmem:s22], [sflag:$0x2] =	stream.indirect_vreg.gather [hbm4b:s5+s3], $0x80, v3, vm0, $0xb8;
	[tilespmem:$0x18080] =	vst v63  }
0xb1: {  	v3 =	vld [tilespmem:$0x70];
	_ =	sdelay $0x4  }
0xb2: {  	v63 =	vshrl.u32 v3, $0x3  }
0xb3: {  	v4 =	vmul.u32 $0x30, v63  }
0xb4: {  	v3 =	vand.u32 $0x7, v3  }
0xb5: {  	v3 =	vor.u32 v3, v4  }
0xb6: {  	v4 =	vperm.xlane v3, v0;
	_ =	sdelay $0x1  }
0xb7: {  	v4 =	vadd.s32 v1, v4;
	_ =	sdelay $0x3  }
0xb8: {  	v3 =	vperm.xlane v3, v2  }
0xb9: {  	[tilespmem:s23], [sflag:$0x2] =	stream.indirect_vreg.gather [hbm4b:s2+s3], $0x80, v4, vm0, $0xb8;
	[tilespmem:$0x18080] =	vst v63  }
0xba: {  	v3 =	vadd.s32 v1, v3  }
0xbb: {  	[tilespmem:s24], [sflag:$0x2] =	stream.indirect_vreg.gather [hbm4b:s4+s3], $0x80, v4, vm0, $0xb8;
	[tilespmem:$0x18080] =	vst v63  }
0xbc: {  	_ = 	snop  }
0xbd: {  	[tilespmem:s25], [sflag:$0x2] =	stream.indirect_vreg.gather [hbm4b:s5+s3], $0x80, v4, vm0, $0xb8;
	[tilespmem:$0x18080] =	vst v63  }
0xbe: {  	_ = 	snop  }
0xbf: {  	[tilespmem:s26], [sflag:$0x2] =	stream.indirect_vreg.gather [hbm4b:s2+s3], $0x80, v3, vm0, $0xb8;
	[tilespmem:$0x18080] =	vst v63  }
0xc0: {  	_ = 	snop  }
0xc1: {  	[tilespmem:s28], [sflag:$0x2] =	stream.indirect_vreg.gather [hbm4b:s4+s3], $0x80, v3, vm0, $0xb8;
	[tilespmem:$0x18080] =	vst v63  }
0xc2: {  	_ = 	snop  }
0xc3: {  	[tilespmem:s29], [sflag:$0x2] =	stream.indirect_vreg.gather [hbm4b:s5+s3], $0x80, v3, vm0, $0xb8;
	[tilespmem:$0x18080] =	vst v63  }
0xc4: {  	_ =	swait.ge [sflag:s30], $0xC000  }
0xc5: {  	[sflag:s30] =	ssyncset.done $0x0  }
0xc6: {  	s10 =	rddreg [dreg:$0x4];
	[sflag:s30] =	ssyncadd.s32 $0xFFFF4000  }
0xc7: {  	[hbm4b:s10+s3] =	stream.linear.scatter [tilespmem:s8], [sflag:$0x4], $0xC000, $0x38;
	[tilespmem:$0x18080] =	vst v63  }
0xc8: {  	_ =	swait.ge [sflag:s31], $0xC000  }
0xc9: {  	[sflag:s31] =	ssyncset.done $0x0  }
0xca: {  	[sflag:s31] =	ssyncadd.s32 $0xFFFF4000  }
0xcb: {  	_ =	swait.ge [sflag:s1], $0xC000  }
0xcc: {  	p0 =	sne.s32 s6, $0x1;
	[sflag:s1] =	ssyncset.done $0x0  }
.Ltmp0:
0xcd: {  	s10 =	rddreg [dreg:$0x5];
	[sflag:s1] =	ssyncadd.s32 $0xFFFF4000;
	(pc) =	sbr.rel @p0 .LBB2_1-.Ltmp0, $4  }
0xce: {  	[hbm4b:s10+s3] =	stream.linear.scatter [tilespmem:s9], [sflag:$0x3], $0xC000, $0x38;
	[tilespmem:$0x18080] =	vst v63  }
0xcf: {  	_ =	swait.ge [sflag:s7], $0xC000  }
0xd0: {  	[sflag:s7] =	ssyncset.done $0x0  }
0xd1: {  	s6 =	sadd.s32 $0xFFFFFFFF, s6;
	[sflag:s7] =	ssyncadd.s32 $0xFFFF4000  }
0xd2: {  	_ =	sfence.sel $0x180000  }
0xd3: {  	[bflag:$0x0] =	sbarrier.arrive $0xFFFF  }
0xd4: {  	_ =	strace $0x9000004D  }
0xd5: {  	s0 =	stileid.u32;
	[bflag:$0x2] =	sbarrier.arrive $0xFFFF  }
0xd6: {  	p0 =	sne.s32 s0, $0x0;
	s0 =	rddreg [dreg:$0x2]  }
0xd7: {  	s0 =	sadd.s32 @!p0 $0x100000, s0  }
0xd8: {  	[sflag:s0] =	ssyncadd.tile.s32 @!p0 $0x1;
	_ =	shalt  }
.Lfunc_end2:
_tile_overlayer_lowered:
.L_overlay_start_2:
0xd9: {  	(tag) =	ssettag $0x2  }
0xda: {  	s0 =	rddreg [dreg:$0x0];
	s2 =	stileid.u32  }
0xdb: {  	s1 =	rddreg [dreg:$0x1];
	p0 =	sne.s32 s2, $0x0  }
0xdc: {  	s3 =	rddreg [dreg:$0x2];
	[bflag:$0x3] =	sbarrier.arrive $0xFFFF;
	s2 =	simm.s32 @!p0 $0x1C03  }
0xdd: {  	[timem:s3], [sflag:s2] =	dma.local @!p0 [hbm:s0], s1  }
0xde: {  	s0 =	simm.s32 @!p0 $0x3  }
0xdf: {  	_ =	swait.ge @!p0 [sflag:s0], s1  }
0xe0: {  	s1 =	ssub.s32 @!p0 $0x0, s1;
	[sflag:s0] =	ssyncset.done @!p0 $0x0  }
0xe1: {  	[sflag:s0] =	ssyncadd.s32 @!p0 s1  }
0xe2: {  	[bflag:$0x3] =	sbarrier.arrive $0xFFFF  }
0xe3: {  	_ =	shalt  }

// kernel: kernel.19.cloned.1.call-start
scs
__scs_entry_jumppad:
0x0: {  	(pc) =	sbr.rel $0x88, $3  }
0x1: {  	(tag) =	ssettag $0x0;
	lr =	simm.s32 $0x1  }
0x2: {  	[smem:$0x3F9A] =	sst lr;
	_ =	strace $0xD0000000  }
0x3: {  	_ = 	snop  }
0x4: {  	_ = 	snop  }
0x5: {  	_ = 	snop  }
0x6: {  	_ = 	snop  }
0x7: {  	_ = 	snop  }
__scs_overlays_trampoline_lowered:
0x8: {  	[smem:$0x3FA9] =	sst s0  }
0x9: {  	[smem:$0x3FAA] =	sst s1  }
0xa: {  	[smem:$0x3FAB] =	sst s2  }
0xb: {  	[smem:$0x3FAC] =	sst s3  }
0xc: {  	[smem:$0x3FAD] =	sst s4  }
0xd: {  	[smem:$0x3FAE] =	sst s5  }
0xe: {  	[smem:$0x3FAF] =	sst s6  }
0xf: {  	[smem:$0x3FB0] =	sst s7  }
0x10: {  	[smem:$0x3FB1] =	sst s8  }
0x11: {  	[smem:$0x3FB2] =	sst s9;
	s0 =	simm.s32 @!p0 $0x0  }
0x12: {  	s1 =	sld [smem:$0x3F98];
	s0 =	simm.s32 @p0 $0x1  }
0x13: {  	[smem:$0x3FB3] =	sst s0;
	s0 =	simm.s32 @!p1 $0x0  }
0x14: {  	s2 =	sld [smem:$0x3F97];
	s0 =	simm.s32 @p1 $0x1  }
0x15: {  	[smem:$0x3FB4] =	sst s0;
	s0 =	simm.s32 @!p2 $0x0  }
0x16: {  	s3 =	sld [smem:$0x3FDB];
	s0 =	simm.s32 @p2 $0x1  }
0x17: {  	s4 =	simm.s32 $0x1BF5;
	[smem:$0x3FB6] =	sst s0  }
0x18: {  	s0 =	sld [smem:$0x3F99];
	_ =	swait.ge [sflag:s4], $0x0  }
0x19: {  	s7 =	sld [smem:$0x3F9A]  }
0x1a: {  	s8 =	sadd.s32 $0xFFFFE003, lr  }
0x1b: {  	s9 =	sadd.s32 $0xFFFFFEF7, lr;
	s5 =	simm.s32 $0xFFFFFFFF;
	p2 =	slt.u32 s8, $0xFFFFF086  }
0x1c: {  	p1 =	slt.u32 s9, $0xF7A;
	s5 =	simm.s32 @!p2 $0x0  }
0x1d: {  	s5 =	simm.s32 @p1 $0x1;
	p0 =	seq.s32 s7, s2  }
0x1e: {  	s7 =	smul.u32 @!p0 $0xF7A, s2;
	p2 =	seq.s32 @!p0 s5, $0x0  }
0x1f: {  	s9 =	smul.u32 $0xF7A, s1;
	s8 =	simm.s32 @!p0 $0x1BF5;
	p2 =	por !p2, p0  }
0x20: {  	[sflag:s8] =	ssyncset.s32 @!p0 $0xFFFFF086;
	s6 =	sadd.s32 @!p0 s3, s7;
	s7 =	simm.s32 @!p0 $0x108  }
0x21: {  	s3 =	sadd.s32 s3, s9;
	s6 =	sadd.s32 @!p0 $0x88, s6;
	s7 =	simm.s32 @p2 $0x1082  }
0x22: {  	[simem:s7], [sflag:s8] =	dma.local @!p0 [hbm:s6], $0xF7A  }
0x23: {  	s9 =	sor.u32 $0xD0000000, s2;
	s6 =	simm.s32 $0x108;
	_ =	swait.ge @!p0 [sflag:s8], $0x0  }
0x24: {  	s3 =	sadd.s32 $0x88, s3;
	s6 =	simm.s32 @!p1 $0x1082;
	[sflag:s4] =	ssyncset.s32 $0xFFFFF086  }
0x25: {  	[simem:s6], [sflag:s4] =	dma.local [hbm:s3], $0xF7A  }
0x26: {  	[smem:$0x3F9A] =	sst s1;
	(tag) =	ssettag s2;
	_ =	strace s9  }
0x27: {  	s1 =	sld [smem:$0x3FAA]  }
0x28: {  	s2 =	sld [smem:$0x3FAB]  }
0x29: {  	s4 =	sld [smem:$0x3FAD]  }
0x2a: {  	p0 =	seq.s32 s5, $0x0;
	s5 =	sld [smem:$0x3FAE]  }
0x2b: {  	s6 =	sld [smem:$0x3FAF]  }
0x2c: {  	s7 =	sld [smem:$0x3FB0]  }
0x2d: {  	s3 =	simm.s32 $0x108;
	s8 =	sld [smem:$0x3FB1]  }
0x2e: {  	s3 =	simm.s32 @!p0 $0x1082;
	s9 =	sld [smem:$0x3FB2]  }
0x2f: {  	lr =	sadd.s32 s0, s3;
	s0 =	sld [smem:$0x3FA9]  }
0x30: {  	s3 =	sld [smem:$0x3FAC]  }
0x31: {  	[smem:$0x3FB5] =	sst s10  }
0x32: {  	s10 =	sld [smem:$0x3FB3];
	_ =	sdelay $0x3  }
0x33: {  	p0 =	seq.s32 s10, $0x1;
	s10 =	sld [smem:$0x3FB5];
	_ =	sdelay $0x3  }
0x34: {  	[smem:$0x3FB5] =	sst s10  }
0x35: {  	s10 =	sld [smem:$0x3FB4];
	_ =	sdelay $0x3  }
0x36: {  	p1 =	seq.s32 s10, $0x1;
	s10 =	sld [smem:$0x3FB5];
	_ =	sdelay $0x3  }
0x37: {  	[smem:$0x3FB5] =	sst s10  }
0x38: {  	s10 =	sld [smem:$0x3FB6]  }
0x39: {  	_ = 	snop;
	(pc) =	sbr.ind lr, $3  }
0x3a: {  	_ = 	snop  }
0x3b: {  	_ = 	snop  }
0x3c: {  	p2 =	seq.s32 s10, $0x1;
	s10 =	sld [smem:$0x3FB5]  }
0x3d: {  	_ =	shalt  }
0x3e: {  	_ =	shalt  }
0x3f: {  	_ =	shalt  }
0x40: {  	_ =	shalt  }
0x41: {  	_ =	shalt  }
0x42: {  	_ =	shalt  }
0x43: {  	_ =	shalt  }
0x44: {  	_ =	shalt  }
0x45: {  	_ =	shalt  }
0x46: {  	_ =	shalt  }
0x47: {  	_ =	shalt  }
0x48: {  	_ =	shalt  }
0x49: {  	_ =	shalt  }
0x4a: {  	_ =	shalt  }
0x4b: {  	_ =	shalt  }
0x4c: {  	_ =	shalt  }
0x4d: {  	_ =	shalt  }
0x4e: {  	_ =	shalt  }
0x4f: {  	_ =	shalt  }
0x50: {  	_ =	shalt  }
0x51: {  	_ =	shalt  }
0x52: {  	_ =	shalt  }
0x53: {  	_ =	shalt  }
0x54: {  	_ =	shalt  }
0x55: {  	_ =	shalt  }
0x56: {  	_ =	shalt  }
0x57: {  	_ =	shalt  }
0x58: {  	_ =	shalt  }
0x59: {  	_ =	shalt  }
0x5a: {  	_ =	shalt  }
0x5b: {  	_ =	shalt  }
0x5c: {  	_ =	shalt  }
0x5d: {  	_ =	shalt  }
0x5e: {  	_ =	shalt  }
0x5f: {  	_ =	shalt  }
0x60: {  	_ =	shalt  }
0x61: {  	_ =	shalt  }
0x62: {  	_ =	shalt  }
0x63: {  	_ =	shalt  }
0x64: {  	_ =	shalt  }
0x65: {  	_ =	shalt  }
0x66: {  	_ =	shalt  }
0x67: {  	_ =	shalt  }
0x68: {  	_ =	shalt  }
0x69: {  	_ =	shalt  }
0x6a: {  	_ =	shalt  }
0x6b: {  	_ =	shalt  }
0x6c: {  	_ =	shalt  }
0x6d: {  	_ =	shalt  }
0x6e: {  	_ =	shalt  }
0x6f: {  	_ =	shalt  }
0x70: {  	_ =	shalt  }
0x71: {  	_ =	shalt  }
0x72: {  	_ =	shalt  }
0x73: {  	_ =	shalt  }
0x74: {  	_ =	shalt  }
0x75: {  	_ =	shalt  }
0x76: {  	_ =	shalt  }
0x77: {  	_ =	shalt  }
0x78: {  	_ =	shalt  }
0x79: {  	_ =	shalt  }
0x7a: {  	_ =	shalt  }
0x7b: {  	_ =	shalt  }
0x7c: {  	_ =	shalt  }
0x7d: {  	_ =	shalt  }
0x7e: {  	_ =	shalt  }
0x7f: {  	_ =	shalt  }
0x80: {  	_ =	shalt  }
0x81: {  	_ =	shalt  }
0x82: {  	_ =	shalt  }
0x83: {  	_ =	shalt  }
0x84: {  	_ =	shalt  }
0x85: {  	_ =	shalt  }
0x86: {  	_ =	shalt  }
0x87: {  	_ =	shalt  }
.Lfunc_end0:
.L_simem_size_0:
called_computation.3_lowered:
.L_overlay_start_0:
0x88: {  	s2 =	sld [smem:$0x3FD9]  }
0x89: {  	s3 =	sld [smem:$0x3FFE];
	_ =	sdelay $0x1  }
0x8a: {  	s1 =	srdreg.scid  }
0x8b: {  	s0 =	sand.u32 $0x1, s1  }
0x8c: {  	s17 =	sshll.u32 s0, $0xA;
	s2 =	sadd.s32 s3, s2  }
0x8d: {  	s2 =	sadd.s32 s2, s17  }
0x8e: {  	[smem:$0x3FC1] =	sst s2  }
0x8f: {  	_ = 	snop  }
0x90: {  	s18 =	sld [smem:$0x3FC7];
	(tm) =	ssettm $0x1  }
0x91: {  	s19 =	sld [smem:$0x3FFB];
	_ =	sdelay $0x3  }
0x92: {  	_ =	strace s19  }
0x93: {  	s2 =	sld [smem:$0x3FFC];
	_ =	sdelay $0x3  }
0x94: {  	_ =	strace s2  }
0x95: {  	s2 =	sld [smem:$0x3FFD];
	_ =	sdelay $0x3  }
0x96: {  	_ =	strace s2  }
0x97: {  	_ =	strace $0x8FFFFFFF  }
0x98: {  	s20 =	sld [smem:$0x3FDB];
	_ =	sdelay $0x1  }
0x99: {  	s4 =	simm.s32 $_scs_section_size  }
0x9a: {  	s5 =	simm.s32 $_size__tile_overlayer_lowered;
	s6 =	simm.s32 $_tile_overlayer_lowered  }
0x9b: {  	s7 =	simm.s32 $0x1BFF;
	s21 =	sshll.u32 s6, $0x1;
	s4 =	sadd.s32 s4, s20  }
0x9c: {  	s22 =	simm.s32 $0x0;
	s5 =	sshll.u32 s5, $0x1;
	s6 =	sadd.s32 s21, s4  }
0x9d: {  	[timem:s22], [sflag:s7] =	dma.local [hbm:s6], s5  }
0x9e: {  	_ =	swait.ge [sflag:s7], s5  }
0x9f: {  	s5 =	ssub.s32 $0x0, s5;
	[sflag:s7] =	ssyncset.done $0x0  }
0xa0: {  	[sflag:s7] =	ssyncadd.s32 s5;
	_ =	sdelay $0x1  }
0xa1: {  	s23 =	simm.s32 $0x1B8B  }
0xa2: {  	_ =	swait.ge [sflag:s23], $0x1  }
0xa3: {  	[sflag:s23] =	ssyncset.done $0x0  }
0xa4: {  	[sflag:s23] =	ssyncadd.s32 $0xFFFFFFFF  }
0xa5: {  	s5 =	sld [smem:$0x0]  }
0xa6: {  	s6 =	sand.u32 $0xFFFFFFFE, s1  }
0xa7: {  	p0 =	sne.s32 s1, s6  }
0xa8: {  	s6 =	sshll.u32 @p0 s6, $0xE  }
0xa9: {  	s6 =	sadd.s32 @p0 $0x11B8D, s6;
	s7 =	sshll.u32 @p0 s5, $0x11  }
0xaa: {  	s6 =	sor.u32 @p0 s7, s6  }
0xab: {  	[sflag:s6] =	ssyncadd.remote.s32 @p0 $0x1;
	_ =	sdelay $0x1  }
0xac: {  	s6 =	simm.s32 @p0 $0x1B8D  }
0xad: {  	_ =	swait.eq @p0 [sflag:s6], $0x1  }
0xae: {  	[sflag:s6] =	ssyncadd.s32 @p0 $0xFFFFFFFF  }
0xaf: {  	s7 =	sshll.u32 @!p0 s1, $0xE  }
0xb0: {  	s7 =	sor.u32 @!p0 $0x4000, s7;
	s6 =	simm.s32 @!p0 $0x1B8D  }
0xb1: {  	s5 =	sshll.u32 @!p0 s5, $0x11;
	s7 =	sadd.s32 @!p0 $0x11B8D, s7;
	_ =	swait.eq @!p0 [sflag:s6], $0x1  }
0xb2: {  	s5 =	sor.u32 @!p0 s5, s7;
	[sflag:s6] =	ssyncadd.s32 @!p0 $0xFFFFFFFF  }
0xb3: {  	s25 =	simm.s32 $0x1B8E;
	s24 =	sld [smem:$0x3FFE];
	[sflag:s5] =	ssyncadd.remote.s32 @!p0 $0x1  }
0xb4: {  	s26 =	simm.s32 $execute0_lowered;
	[smem:$0x3FD2] =	sst s25  }
0xb5: {  	s6 =	sshll.u32 s26, $0x1;
	_ =	strace $0x8000004F;
	[dreg:$0x1] =	wrdreg $0xFFFFFFFF  }
0xb6: {  	s28 =	simm.s32 $_size_execute0_lowered;
	s4 =	sadd.s32 s4, s6;
	[dreg:$0x0] =	wrdreg $0x0  }
0xb7: {  	s6 =	sshll.u32 s28, $0x1;
	[dreg:$0x2] =	wrdreg s4  }
0xb8: {  	[dreg:$0x3] =	wrdreg s6  }
0xb9: {  	[dreg:$0x4] =	wrdreg $0xC0  }
0xba: {  	_ =	task [dreg:s22], $0x5FFFF  }
0xbb: {  	[dreg:$0x1] =	wrdreg $0xFFFFFFFF  }
0xbc: {  	[dreg:$0x0] =	wrdreg $0x60  }
0xbd: {  	[dreg:$0x2] =	wrdreg s18  }
0xbe: {  	[dreg:$0x3] =	wrdreg s24  }
0xbf: {  	[dreg:$0x4] =	wrdreg $0xC  }
0xc0: {  	_ =	task.clear_ibuf [dreg:s22], $0x5FFFF;
	_ =	strace $0x9000004F  }
0xc1: {  	s29 =	simm.s32 $0xC;
	_ =	strace $0x80000051  }
0xc2: {  	_ =	swait.ge [sflag:s29], $0x1  }
0xc3: {  	[sflag:s29] =	ssyncadd.s32 $0xFFFFFFFF  }
0xc4: {  	_ =	strace $0x90000051  }
0xc5: {  	_ =	sfence  }
0xc6: {  	s30 =	sld [smem:$0x0];
	_ =	sdelay $0x2  }
0xc7: {  	s31 =	sshll.u32 s1, $0xD;
	s1 =	sshrl.u32 s1, $0x2  }
0xc8: {  	s4 =	sand.u32 $0x4000, s31;
	s1 =	sadd.s32 s1, s30  }
0xc9: {  	s0 =	sor.u32 s4, s0;
	s1 =	sshll.u32 s1, $0x11  }
0xca: {  	s0 =	sor.u32 s1, s0  }
0xcb: {  	s0 =	sadd.s32 $0x8F2B, s0  }
0xcc: {  	[sflag:s0] =	ssyncadd.remote.s32 $0x1  }
0xcd: {  	_ =	sfence.sel $0xFFFF  }
0xce: {  	[dreg:$0x0] =	wrdreg $0xFFFFFFFF;
	(pc) =	sbr.abs _section_cstart, $3  }
0xcf: {  	[dreg:$0x1] =	wrdreg $0xFFFFFFFF  }
0xd0: {  	_ =	task.clear_ibuf [dreg:s22], $0x2FFFF;
	_ =	strace $0x9FFFFFFF  }
0xd1: {  	(tm) =	ssettm $0x7FFFFFFF  }
tec
execute0_lowered:
.L_overlay_start_1:
0x0: {  	(tag) =	ssettag $0x1  }
0x1: {  	s1 =	srdreg.scid  }
0x2: {  	s0 =	stileid.u32;
	s1 =	sand.u32 $0x1, s1  }
0x3: {  	s2 =	rddreg [dreg:$0x0];
	s3 =	sshll.u32 s0, $0x5;
	s4 =	sshll.u32 s1, $0x4  }
0x4: {  	s5 =	rddreg [dreg:$0x1];
	s4 =	sor.u32 s4, s3;
	s3 =	simm.s32 $0x0  }
0x5: {  	s23 =	simm.s32 $0x880;
	[smem:$0x7FF] =	sst s3  }
0x6: {  	s24 =	simm.s32 $0x1080;
	_ =	strace $0x80000050;
	[dreg:$0x6] =	wrdreg s23  }
0x7: {  	s25 =	simm.s32 $0x1880;
	[dreg:$0x7] =	wrdreg s24  }
0x8: {  	s26 =	simm.s32 $0x2080;
	[dreg:$0x8] =	wrdreg s25  }
0x9: {  	s0 =	simm.s32 $0x2880;
	[dreg:$0x9] =	wrdreg s26  }
0xa: {  	s7 =	simm.s32 $0x4080;
	[dreg:$0xa] =	wrdreg s0  }
0xb: {  	s8 =	simm.s32 $0x4880;
	[dreg:$0xd] =	wrdreg s7  }
0xc: {  	s9 =	simm.s32 $0x5080;
	[dreg:$0xe] =	wrdreg s8  }
0xd: {  	s10 =	simm.s32 $0x5880;
	s11 =	simm.s32 $0x6080;
	[dreg:$0xf] =	wrdreg s9  }
0xe: {  	s12 =	simm.s32 $0x6880;
	s13 =	simm.s32 $0x7080;
	[dreg:$0x10] =	wrdreg s10  }
0xf: {  	s14 =	simm.s32 $0x7880;
	s15 =	simm.s32 $0x8080;
	[dreg:$0x11] =	wrdreg s11  }
0x10: {  	s16 =	simm.s32 $0x8880;
	s17 =	simm.s32 $0x9080;
	[dreg:$0x12] =	wrdreg s12  }
0x11: {  	s18 =	simm.s32 $0x9880;
	s19 =	simm.s32 $0xA080;
	[dreg:$0x13] =	wrdreg s13  }
0x12: {  	s28 =	simm.s32 $0x17080;
	s29 =	simm.s32 $0x17880;
	[dreg:$0x14] =	wrdreg s14  }
0x13: {  	s30 =	simm.s32 $0x1;
	s1 =	ssub.s32 $0x2, s1;
	[dreg:$0x15] =	wrdreg s15  }
0x14: {  	s31 =	simm.s32 $0x4;
	s20 =	sshrl.u32 s1, $0x1;
	[dreg:$0x16] =	wrdreg s16  }
0x15: {  	s6 =	smul.u32 $0x300, s4;
	s4 =	sadd.s32 s4, s5;
	[dreg:$0x17] =	wrdreg s17  }
0x16: {  	s1 =	ssub.s32 s1, s20;
	s20 =	simm.s32 $0x13880;
	[dreg:$0x18] =	wrdreg s18  }
0x17: {  	s4 =	sadd.s32 $0x2800, s4;
	[dreg:$0x19] =	wrdreg s19;
	s23 =	simm.s32 $0xB880  }
0x18: {  	s7 =	simm.s32 $0xC880;
	s24 =	simm.s32 $0xD080;
	s25 =	simm.s32 $0xD880  }
0x19: {  	s8 =	simm.s32 $0x80;
	s26 =	simm.s32 $0xE080;
	s9 =	simm.s32 $0xC080  }
0x1a: {  	s11 =	simm.s32 $0xF080;
	s12 =	simm.s32 $0xF880;
	s13 =	simm.s32 $0x10080  }
0x1b: {  	s14 =	simm.s32 $0x10880;
	s15 =	simm.s32 $0x11080;
	[dreg:$0x3] =	wrdreg s4  }
0x1c: {  	s16 =	simm.s32 $0x11880;
	s17 =	simm.s32 $0x12080;
	[dreg:$0x1c] =	wrdreg s23  }
0x1d: {  	s18 =	simm.s32 $0x12880;
	s19 =	simm.s32 $0x13080;
	[dreg:$0x1d] =	wrdreg s7  }
0x1e: {  	s5 =	sadd.s32 s6, s5;
	s6 =	simm.s32 $0x3880;
	[dreg:$0x1e] =	wrdreg s24  }
0x1f: {  	s4 =	sadd.s32 $0x100, s2;
	s7 =	simm.s32 $0x3;
	[dreg:$0x1f] =	wrdreg s25  }
0x20: {  	[smem:$0x7FD] =	sst s26;
	s23 =	simm.s32 $0x15080;
	s24 =	simm.s32 $0x15880  }
0x21: {  	s25 =	simm.s32 $0x16080;
	s21 =	sadd.s32 $0xC2A00, s5;
	[dreg:$0xc] =	wrdreg s6  }
0x22: {  	s26 =	simm.s32 $0x16880;
	s22 =	sadd.s32 $0xC4200, s5;
	[dreg:$0x4] =	wrdreg s21  }
0x23: {  	s5 =	simm.s32 $0x3080;
	s6 =	smax.u32 s1, $0x1;
	[dreg:$0x5] =	wrdreg s22  }
0x24: {  	v2 =	vlaneseq.u32;
	s1 =	simm.s32 $0x2;
	[dreg:$0xb] =	wrdreg s5;
	s21 =	simm.s32 $0xA880  }
0x25: {  	vm0 =	vmmov $0xffff;
	v1 =	vshrl.u32 v2, $0x3;
	s22 =	simm.s32 $0xB080;
	s5 =	sadd.s32 $0x200, s2;
	[dreg:$0x1a] =	wrdreg s21  }
0x26: {  	v0 =	vand.u32 $0x7, v2;
	v2 =	vor.u32 $0x8, v2;
	v1 =	vmul.u32 $0x8, v1;
	[dreg:$0x1b] =	wrdreg s22;
	s21 =	simm.s32 $0x14080;
	s22 =	simm.s32 $0x14880  }
.LBB2_1:
0x27: {  	s0 =	rddreg [dreg:$0x3]  }
0x28: {  	[tilespmem:s3], [sflag:$0x3] =	stream.linear.gather [hbm4b:s0+s3], $0x80, $0x38;
	[tilespmem:$0x18080] =	vst v63  }
0x29: {  	_ =	swait.ge [sflag:s7], $0x80  }
0x2a: {  	[sflag:s7] =	ssyncset.done $0x0  }
0x2b: {  	[sflag:s7] =	ssyncadd.s32 $0xFFFFFF80  }
0x2c: {  	v3 =	vld [tilespmem:$0x0];
	_ =	sdelay $0x4  }
0x2d: {  	v4 =	vshrl.u32 v3, $0x3  }
0x2e: {  	v4 =	vmul.u32 $0x30, v4  }
0x2f: {  	v3 =	vand.u32 $0x7, v3  }
0x30: {  	v3 =	vor.u32 v3, v4  }
0x31: {  	v4 =	vperm.xlane v3, v0;
	_ =	sdelay $0x1  }
0x32: {  	v4 =	vadd.s32 v1, v4;
	_ =	sdelay $0x3  }
0x33: {  	v3 =	vperm.xlane v3, v2  }
0x34: {  	[tilespmem:s8], [sflag:$0x1] =	stream.indirect_vreg.gather [hbm4b:s2+s3], $0x80, v4, vm0, $0xb8;
	[tilespmem:$0x18080] =	vst v63  }
0x35: {  	s0 =	rddreg [dreg:$0x6];
	v3 =	vadd.s32 v1, v3  }
0x36: {  	[tilespmem:s0], [sflag:$0x1] =	stream.indirect_vreg.gather [hbm4b:s4+s3], $0x80, v4, vm0, $0xb8;
	[tilespmem:$0x18080] =	vst v63  }
0x37: {  	s10 =	rddreg [dreg:$0x7]  }
0x38: {  	[tilespmem:s10], [sflag:$0x1] =	stream.indirect_vreg.gather [hbm4b:s5+s3], $0x80, v4, vm0, $0xb8;
	[tilespmem:$0x18080] =	vst v63  }
0x39: {  	s0 =	rddreg [dreg:$0x8]  }
0x3a: {  	[tilespmem:s0], [sflag:$0x1] =	stream.indirect_vreg.gather [hbm4b:s2+s3], $0x80, v3, vm0, $0xb8;
	[tilespmem:$0x18080] =	vst v63  }
0x3b: {  	s10 =	rddreg [dreg:$0x9]  }
0x3c: {  	[tilespmem:s10], [sflag:$0x1] =	stream.indirect_vreg.gather [hbm4b:s4+s3], $0x80, v3, vm0, $0xb8;
	[tilespmem:$0x18080] =	vst v63  }
0x3d: {  	s0 =	rddreg [dreg:$0xa]  }
0x3e: {  	[tilespmem:s0], [sflag:$0x1] =	stream.indirect_vreg.gather [hbm4b:s5+s3], $0x80, v3, vm0, $0xb8;
	[tilespmem:$0x18080] =	vst v63  }
0x3f: {  	v3 =	vld [tilespmem:$0x10];
	_ =	sdelay $0x4  }
0x40: {  	v57 =	vshrl.u32 v3, $0x3  }
0x41: {  	v4 =	vmul.u32 $0x30, v57  }
0x42: {  	v3 =	vand.u32 $0x7, v3  }
0x43: {  	v3 =	vor.u32 v3, v4  }
0x44: {  	v4 =	vperm.xlane v3, v0;
	_ =	sdelay $0x1  }
0x45: {  	v4 =	vadd.s32 v1, v4;
	_ =	sdelay $0x3  }
0x46: {  	s0 =	rddreg [dreg:$0xb];
	v3 =	vperm.xlane v3, v2  }
0x47: {  	[tilespmem:s0], [sflag:$0x1] =	stream.indirect_vreg.gather [hbm4b:s2+s3], $0x80, v4, vm0, $0xb8;
	[tilespmem:$0x18080] =	vst v63  }
0x48: {  	s10 =	rddreg [dreg:$0xc];
	v3 =	vadd.s32 v1, v3  }
0x49: {  	[tilespmem:s10], [sflag:$0x1] =	stream.indirect_vreg.gather [hbm4b:s4+s3], $0x80, v4, vm0, $0xb8;
	[tilespmem:$0x18080] =	vst v63  }
0x4a: {  	s0 =	rddreg [dreg:$0xd]  }
0x4b: {  	[tilespmem:s0], [sflag:$0x1] =	stream.indirect_vreg.gather [hbm4b:s5+s3], $0x80, v4, vm0, $0xb8;
	[tilespmem:$0x18080] =	vst v63  }
0x4c: {  	s10 =	rddreg [dreg:$0xe]  }
0x4d: {  	[tilespmem:s10], [sflag:$0x1] =	stream.indirect_vreg.gather [hbm4b:s2+s3], $0x80, v3, vm0, $0xb8;
	[tilespmem:$0x18080] =	vst v63  }
0x4e: {  	s0 =	rddreg [dreg:$0xf]  }
0x4f: {  	[tilespmem:s0], [sflag:$0x1] =	stream.indirect_vreg.gather [hbm4b:s4+s3], $0x80, v3, vm0, $0xb8;
	[tilespmem:$0x18080] =	vst v63  }
0x50: {  	s10 =	rddreg [dreg:$0x10]  }
0x51: {  	[tilespmem:s10], [sflag:$0x1] =	stream.indirect_vreg.gather [hbm4b:s5+s3], $0x80, v3, vm0, $0xb8;
	[tilespmem:$0x18080] =	vst v63  }
0x52: {  	v3 =	vld [tilespmem:$0x20];
	_ =	sdelay $0x4  }
0x53: {  	v58 =	vshrl.u32 v3, $0x3  }
0x54: {  	v4 =	vmul.u32 $0x30, v58  }
0x55: {  	v3 =	vand.u32 $0x7, v3  }
0x56: {  	v3 =	vor.u32 v3, v4  }
0x57: {  	v4 =	vperm.xlane v3, v0;
	_ =	sdelay $0x1  }
0x58: {  	v4 =	vadd.s32 v1, v4;
	_ =	sdelay $0x3  }
0x59: {  	s0 =	rddreg [dreg:$0x11];
	v3 =	vperm.xlane v3, v2  }
0x5a: {  	[tilespmem:s0], [sflag:$0x1] =	stream.indirect_vreg.gather [hbm4b:s2+s3], $0x80, v4, vm0, $0xb8;
	[tilespmem:$0x18080] =	vst v63  }
0x5b: {  	s10 =	rddreg [dreg:$0x12];
	v3 =	vadd.s32 v1, v3  }
0x5c: {  	[tilespmem:s10], [sflag:$0x1] =	stream.indirect_vreg.gather [hbm4b:s4+s3], $0x80, v4, vm0, $0xb8;
	[tilespmem:$0x18080] =	vst v63  }
0x5d: {  	s0 =	rddreg [dreg:$0x13]  }
0x5e: {  	[tilespmem:s0], [sflag:$0x1] =	stream.indirect_vreg.gather [hbm4b:s5+s3], $0x80, v4, vm0, $0xb8;
	[tilespmem:$0x18080] =	vst v63  }
0x5f: {  	s10 =	rddreg [dreg:$0x14]  }
0x60: {  	[tilespmem:s10], [sflag:$0x1] =	stream.indirect_vreg.gather [hbm4b:s2+s3], $0x80, v3, vm0, $0xb8;
	[tilespmem:$0x18080] =	vst v63  }
0x61: {  	s0 =	rddreg [dreg:$0x15]  }
0x62: {  	[tilespmem:s0], [sflag:$0x1] =	stream.indirect_vreg.gather [hbm4b:s4+s3], $0x80, v3, vm0, $0xb8;
	[tilespmem:$0x18080] =	vst v63  }
0x63: {  	s10 =	rddreg [dreg:$0x16]  }
0x64: {  	[tilespmem:s10], [sflag:$0x1] =	stream.indirect_vreg.gather [hbm4b:s5+s3], $0x80, v3, vm0, $0xb8;
	[tilespmem:$0x18080] =	vst v63  }
0x65: {  	v3 =	vld [tilespmem:$0x30];
	_ =	sdelay $0x4  }
0x66: {  	v59 =	vshrl.u32 v3, $0x3  }
0x67: {  	v4 =	vmul.u32 $0x30, v59  }
0x68: {  	v3 =	vand.u32 $0x7, v3  }
0x69: {  	v3 =	vor.u32 v3, v4  }
0x6a: {  	v4 =	vperm.xlane v3, v0;
	_ =	sdelay $0x1  }
0x6b: {  	v4 =	vadd.s32 v1, v4;
	_ =	sdelay $0x3  }
0x6c: {  	s0 =	rddreg [dreg:$0x17];
	v3 =	vperm.xlane v3, v2  }
0x6d: {  	[tilespmem:s0], [sflag:$0x1] =	stream.indirect_vreg.gather [hbm4b:s2+s3], $0x80, v4, vm0, $0xb8;
	[tilespmem:$0x18080] =	vst v63  }
0x6e: {  	s10 =	rddreg [dreg:$0x18];
	v3 =	vadd.s32 v1, v3  }
0x6f: {  	[tilespmem:s10], [sflag:$0x1] =	stream.indirect_vreg.gather [hbm4b:s4+s3], $0x80, v4, vm0, $0xb8;
	[tilespmem:$0x18080] =	vst v63  }
0x70: {  	s0 =	rddreg [dreg:$0x19]  }
0x71: {  	[tilespmem:s0], [sflag:$0x1] =	stream.indirect_vreg.gather [hbm4b:s5+s3], $0x80, v4, vm0, $0xb8;
	[tilespmem:$0x18080] =	vst v63  }
0x72: {  	s10 =	rddreg [dreg:$0x1a]  }
0x73: {  	[tilespmem:s10], [sflag:$0x1] =	stream.indirect_vreg.gather [hbm4b:s2+s3], $0x80, v3, vm0, $0xb8;
	[tilespmem:$0x18080] =	vst v63  }
0x74: {  	s0 =	rddreg [dreg:$0x1b]  }
0x75: {  	[tilespmem:s0], [sflag:$0x1] =	stream.indirect_vreg.gather [hbm4b:s4+s3], $0x80, v3, vm0, $0xb8;
	[tilespmem:$0x18080] =	vst v63  }
0x76: {  	s10 =	rddreg [dreg:$0x1c]  }
0x77: {  	[tilespmem:s10], [sflag:$0x1] =	stream.indirect_vreg.gather [hbm4b:s5+s3], $0x80, v3, vm0, $0xb8;
	[tilespmem:$0x18080] =	vst v63  }
0x78: {  	v3 =	vld [tilespmem:$0x40];
	_ =	sdelay $0x4  }
0x79: {  	v60 =	vshrl.u32 v3, $0x3  }
0x7a: {  	v4 =	vmul.u32 $0x30, v60  }
0x7b: {  	v3 =	vand.u32 $0x7, v3  }
0x7c: {  	v3 =	vor.u32 v3, v4  }
0x7d: {  	v4 =	vperm.xlane v3, v0;
	_ =	sdelay $0x1  }
0x7e: {  	v4 =	vadd.s32 v1, v4;
	_ =	sdelay $0x3  }
0x7f: {  	s0 =	rddreg [dreg:$0x1d];
	v3 =	vperm.xlane v3, v2  }
0x80: {  	[tilespmem:s9], [sflag:$0x2] =	stream.indirect_vreg.gather [hbm4b:s2+s3], $0x80, v4, vm0, $0xb8;
	[tilespmem:$0x18080] =	vst v63  }
0x81: {  	s10 =	rddreg [dreg:$0x1e];
	v3 =	vadd.s32 v1, v3  }
0x82: {  	[tilespmem:s0], [sflag:$0x2] =	stream.indirect_vreg.gather [hbm4b:s4+s3], $0x80, v4, vm0, $0xb8;
	[tilespmem:$0x18080] =	vst v63  }
0x83: {  	s0 =	rddreg [dreg:$0x1f]  }
0x84: {  	[tilespmem:s10], [sflag:$0x2] =	stream.indirect_vreg.gather [hbm4b:s5+s3], $0x80, v4, vm0, $0xb8;
	[tilespmem:$0x18080] =	vst v63  }
0x85: {  	s10 =	sld [smem:$0x7FD]  }
0x86: {  	[tilespmem:s0], [sflag:$0x2] =	stream.indirect_vreg.gather [hbm4b:s2+s3], $0x80, v3, vm0, $0xb8;
	[tilespmem:$0x18080] =	vst v63  }
0x87: {  	_ = 	snop  }
0x88: {  	[tilespmem:s10], [sflag:$0x2] =	stream.indirect_vreg.gather [hbm4b:s4+s3], $0x80, v3, vm0, $0xb8;
	[tilespmem:$0x18080] =	vst v63  }
0x89: {  	s10 =	simm.s32 $0xE880  }
0x8a: {  	[tilespmem:s10], [sflag:$0x2] =	stream.indirect_vreg.gather [hbm4b:s5+s3], $0x80, v3, vm0, $0xb8;
	[tilespmem:$0x18080] =	vst v63  }
0x8b: {  	v3 =	vld [tilespmem:$0x50];
	_ =	sdelay $0x4  }
0x8c: {  	v61 =	vshrl.u32 v3, $0x3  }
0x8d: {  	v4 =	vmul.u32 $0x30, v61  }
0x8e: {  	v3 =	vand.u32 $0x7, v3  }
0x8f: {  	v3 =	vor.u32 v3, v4  }
0x90: {  	v4 =	vperm.xlane v3, v0;
	_ =	sdelay $0x1  }
0x91: {  	v4 =	vadd.s32 v1, v4;
	_ =	sdelay $0x3  }
0x92: {  	v3 =	vperm.xlane v3, v2  }
0x93: {  	[tilespmem:s11], [sflag:$0x2] =	stream.indirect_vreg.gather [hbm4b:s2+s3], $0x80, v4, vm0, $0xb8;
	[tilespmem:$0x18080] =	vst v63  }
0x94: {  	v3 =	vadd.s32 v1, v3  }
0x95: {  	[tilespmem:s12], [sflag:$0x2] =	stream.indirect_vreg.gather [hbm4b:s4+s3], $0x80, v4, vm0, $0xb8;
	[tilespmem:$0x18080] =	vst v63  }
0x96: {  	_ = 	snop  }
0x97: {  	[tilespmem:s13], [sflag:$0x2] =	stream.indirect_vreg.gather [hbm4b:s5+s3], $0x80, v4, vm0, $0xb8;
	[tilespmem:$0x18080] =	vst v63  }
0x98: {  	_ = 	snop  }
0x99: {  	[tilespmem:s14], [sflag:$0x2] =	stream.indirect_vreg.gather [hbm4b:s2+s3], $0x80, v3, vm0, $0xb8;
	[tilespmem:$0x18080] =	vst v63  }
0x9a: {  	_ = 	snop  }
0x9b: {  	[tilespmem:s15], [sflag:$0x2] =	stream.indirect_vreg.gather [hbm4b:s4+s3], $0x80, v3, vm0, $0xb8;
	[tilespmem:$0x18080] =	vst v63  }
0x9c: {  	_ = 	snop  }
0x9d: {  	[tilespmem:s16], [sflag:$0x2] =	stream.indirect_vreg.gather [hbm4b:s5+s3], $0x80, v3, vm0, $0xb8;
	[tilespmem:$0x18080] =	vst v63  }
0x9e: {  	v3 =	vld [tilespmem:$0x60];
	_ =	sdelay $0x4  }
0x9f: {  	v62 =	vshrl.u32 v3, $0x3  }
0xa0: {  	v4 =	vmul.u32 $0x30, v62  }
0xa1: {  	v3 =	vand.u32 $0x7, v3  }
0xa2: {  	v3 =	vor.u32 v3, v4  }
0xa3: {  	v4 =	vperm.xlane v3, v0;
	_ =	sdelay $0x1  }
0xa4: {  	v4 =	vadd.s32 v1, v4;
	_ =	sdelay $0x3  }
0xa5: {  	v3 =	vperm.xlane v3, v2  }
0xa6: {  	[tilespmem:s17], [sflag:$0x2] =	stream.indirect_vreg.gather [hbm4b:s2+s3], $0x80, v4, vm0, $0xb8;
	[tilespmem:$0x18080] =	vst v63  }
0xa7: {  	v3 =	vadd.s32 v1, v3  }
0xa8: {  	[tilespmem:s18], [sflag:$0x2] =	stream.indirect_vreg.gather [hbm4b:s4+s3], $0x80, v4, vm0, $0xb8;
	[tilespmem:$0x18080] =	vst v63  }
0xa9: {  	_ = 	snop  }
0xaa: {  	[tilespmem:s19], [sflag:$0x2] =	stream.indirect_vreg.gather [hbm4b:s5+s3], $0x80, v4, vm0, $0xb8;
	[tilespmem:$0x18080] =	vst v63  }
0xab: {  	_ = 	snop  }
0xac: {  	[tilespmem:s20], [sflag:$0x2] =	stream.indirect_vreg.gather [hbm4b:s2+s3], $0x80, v3, vm0, $0xb8;
	[tilespmem:$0x18080] =	vst v63  }
0xad: {  	_ = 	snop  }
0xae: {  	[tilespmem:s21], [sflag:$0x2] =	stream.indirect_vreg.gather [hbm4b:s4+s3], $0x80, v3, vm0, $0xb8;
	[tilespmem:$0x18080] =	vst v63  }
0xaf: {  	_ = 	snop  }
0xb0: {  	[tilespmem:s22], [sflag:$0x2] =	stream.indirect_vreg.gather [hbm4b:s5+s3], $0x80, v3, vm0, $0xb8;
	[tilespmem:$0x18080] =	vst v63  }
0xb1: {  	v3 =	vld [tilespmem:$0x70];
	_ =	sdelay $0x4  }
0xb2: {  	v63 =	vshrl.u32 v3, $0x3  }
0xb3: {  	v4 =	vmul.u32 $0x30, v63  }
0xb4: {  	v3 =	vand.u32 $0x7, v3  }
0xb5: {  	v3 =	vor.u32 v3, v4  }
0xb6: {  	v4 =	vperm.xlane v3, v0;
	_ =	sdelay $0x1  }
0xb7: {  	v4 =	vadd.s32 v1, v4;
	_ =	sdelay $0x3  }
0xb8: {  	v3 =	vperm.xlane v3, v2  }
0xb9: {  	[tilespmem:s23], [sflag:$0x2] =	stream.indirect_vreg.gather [hbm4b:s2+s3], $0x80, v4, vm0, $0xb8;
	[tilespmem:$0x18080] =	vst v63  }
0xba: {  	v3 =	vadd.s32 v1, v3  }
0xbb: {  	[tilespmem:s24], [sflag:$0x2] =	stream.indirect_vreg.gather [hbm4b:s4+s3], $0x80, v4, vm0, $0xb8;
	[tilespmem:$0x18080] =	vst v63  }
0xbc: {  	_ = 	snop  }
0xbd: {  	[tilespmem:s25], [sflag:$0x2] =	stream.indirect_vreg.gather [hbm4b:s5+s3], $0x80, v4, vm0, $0xb8;
	[tilespmem:$0x18080] =	vst v63  }
0xbe: {  	_ = 	snop  }
0xbf: {  	[tilespmem:s26], [sflag:$0x2] =	stream.indirect_vreg.gather [hbm4b:s2+s3], $0x80, v3, vm0, $0xb8;
	[tilespmem:$0x18080] =	vst v63  }
0xc0: {  	_ = 	snop  }
0xc1: {  	[tilespmem:s28], [sflag:$0x2] =	stream.indirect_vreg.gather [hbm4b:s4+s3], $0x80, v3, vm0, $0xb8;
	[tilespmem:$0x18080] =	vst v63  }
0xc2: {  	_ = 	snop  }
0xc3: {  	[tilespmem:s29], [sflag:$0x2] =	stream.indirect_vreg.gather [hbm4b:s5+s3], $0x80, v3, vm0, $0xb8;
	[tilespmem:$0x18080] =	vst v63  }
0xc4: {  	_ =	swait.ge [sflag:s30], $0xC000  }
0xc5: {  	[sflag:s30] =	ssyncset.done $0x0  }
0xc6: {  	s10 =	rddreg [dreg:$0x4];
	[sflag:s30] =	ssyncadd.s32 $0xFFFF4000  }
0xc7: {  	[hbm4b:s10+s3] =	stream.linear.scatter [tilespmem:s8], [sflag:$0x4], $0xC000, $0x38;
	[tilespmem:$0x18080] =	vst v63  }
0xc8: {  	_ =	swait.ge [sflag:s31], $0xC000  }
0xc9: {  	[sflag:s31] =	ssyncset.done $0x0  }
0xca: {  	[sflag:s31] =	ssyncadd.s32 $0xFFFF4000  }
0xcb: {  	_ =	swait.ge [sflag:s1], $0xC000  }
0xcc: {  	p0 =	sne.s32 s6, $0x1;
	[sflag:s1] =	ssyncset.done $0x0  }
.Ltmp0:
0xcd: {  	s10 =	rddreg [dreg:$0x5];
	[sflag:s1] =	ssyncadd.s32 $0xFFFF4000;
	(pc) =	sbr.rel @p0 .LBB2_1-.Ltmp0, $4  }
0xce: {  	[hbm4b:s10+s3] =	stream.linear.scatter [tilespmem:s9], [sflag:$0x3], $0xC000, $0x38;
	[tilespmem:$0x18080] =	vst v63  }
0xcf: {  	_ =	swait.ge [sflag:s7], $0xC000  }
0xd0: {  	[sflag:s7] =	ssyncset.done $0x0  }
0xd1: {  	s6 =	sadd.s32 $0xFFFFFFFF, s6;
	[sflag:s7] =	ssyncadd.s32 $0xFFFF4000  }
0xd2: {  	_ =	sfence.sel $0x180000  }
0xd3: {  	[bflag:$0x0] =	sbarrier.arrive $0xFFFF  }
0xd4: {  	_ =	strace $0x90000050  }
0xd5: {  	s0 =	stileid.u32;
	[bflag:$0x2] =	sbarrier.arrive $0xFFFF  }
0xd6: {  	p0 =	sne.s32 s0, $0x0;
	s0 =	rddreg [dreg:$0x2]  }
0xd7: {  	s0 =	sadd.s32 @!p0 $0x100000, s0  }
0xd8: {  	[sflag:s0] =	ssyncadd.tile.s32 @!p0 $0x1;
	_ =	shalt  }
.Lfunc_end2:
_tile_overlayer_lowered:
.L_overlay_start_2:
0xd9: {  	(tag) =	ssettag $0x2  }
0xda: {  	s0 =	rddreg [dreg:$0x0];
	s2 =	stileid.u32  }
0xdb: {  	s1 =	rddreg [dreg:$0x1];
	p0 =	sne.s32 s2, $0x0  }
0xdc: {  	s3 =	rddreg [dreg:$0x2];
	[bflag:$0x3] =	sbarrier.arrive $0xFFFF;
	s2 =	simm.s32 @!p0 $0x1C03  }
0xdd: {  	[timem:s3], [sflag:s2] =	dma.local @!p0 [hbm:s0], s1  }
0xde: {  	s0 =	simm.s32 @!p0 $0x3  }
0xdf: {  	_ =	swait.ge @!p0 [sflag:s0], s1  }
0xe0: {  	s1 =	ssub.s32 @!p0 $0x0, s1;
	[sflag:s0] =	ssyncset.done @!p0 $0x0  }
0xe1: {  	[sflag:s0] =	ssyncadd.s32 @!p0 s1  }
0xe2: {  	[bflag:$0x3] =	sbarrier.arrive $0xFFFF  }
0xe3: {  	_ =	shalt  }

</sc_bundles>
